<compile_context>
chip_gen: v7x
topology: tpu7x:2x2x1
jax: 0.10.2.dev20260603
libtpu: 0.0.44.dev20260713+nightly
codegen_flags: <defaults>
</compile_context>

<pallas_src>
import functools

import jax
import jax.numpy as jnp
from jax import lax
from jax.experimental import pallas as pl
from jax.experimental.pallas import tpu as pltpu
from jax.experimental.pallas import tpu_sc as plsc

V = 1000001
D = 64
NB = 16384
NT = 50
NC, NS = 2, 16
NW = NC * NS
BPW = NB // NW
CB = 16
NCHUNK = BPW // CB


def _make_kernel():
    mesh = plsc.VectorSubcoreMesh(core_axis_name="c", subcore_axis_name="s")

    @functools.partial(
        pl.kernel,
        mesh=mesh,
        compiler_params=pltpu.CompilerParams(
            needs_layout_passes=False, use_tc_tiling_on_sc=False
        ),
        out_type=jax.ShapeDtypeStruct((NB, NT, D), jnp.float32),
        scratch_types=[
            pltpu.VMEM((BPW, NT), jnp.int32),
            pltpu.VMEM((CB, NT, D), jnp.float32),
            pltpu.VMEM((CB, NT, D), jnp.float32),
            pltpu.SemaphoreType.DMA,
            pltpu.SemaphoreType.DMA,
            pltpu.SemaphoreType.DMA,
            pltpu.SemaphoreType.DMA,
        ],
    )
    def gather_kernel(
        table_hbm, idx_hbm, out_hbm,
        idx_v, rows0, rows1, gsem0, gsem1, osem0, osem1,
    ):
        wid = lax.axis_index("s") * NC + lax.axis_index("c")
        b_base = wid * BPW
        rows = (rows0, rows1)
        gsem = (gsem0, gsem1)
        osem = (osem0, osem1)
        lane = lax.iota(jnp.int32, 16)
        colg = [lane, lane + 16, lane + 32, lane + (NT - 16)]

        pltpu.sync_copy(idx_hbm.at[pl.ds(b_base, BPW)], idx_v)

        def fire_gather(g, p):
            for j in range(CB):
                pltpu.async_copy(
                    table_hbm.at[idx_v.at[g * CB + j]],
                    rows[p].at[j],
                    gsem[p],
                )

        def drain_gather(p):
            pltpu.make_async_copy(
                rows[p], out_hbm.at[pl.ds(0, CB)], gsem[p]
            ).wait()

        def fire_out(g, p):
            pltpu.async_copy(
                rows[p], out_hbm.at[pl.ds(b_base + g * CB, CB)], osem[p]
            )

        def drain_out(p):
            pltpu.make_async_copy(
                rows[p], out_hbm.at[pl.ds(0, CB)], osem[p]
            ).wait()

        def detect_zero(g):
            mn = jnp.full((16,), 1, jnp.int32)
            for j in range(CB):
                row = jnp.full((16,), g * CB + j, jnp.int32)
                for c in colg:
                    mn = jnp.minimum(mn, plsc.load_gather(idx_v, [row, c]))
            nzero = plsc.all_reduce_population_count(mn == 0)
            return nzero[0] > 0

        def fix_zero_rows(g, p):

            def fixone(e, carry):
                j = e // NT
                t = e % NT
                iv = plsc.load_gather(
                    idx_v,
                    [
                        jnp.full((16,), g * CB + j, jnp.int32),
                        jnp.full((16,), t, jnp.int32),
                    ],
                )
                m = jnp.where(iv == 0, jnp.float32(0.0), jnp.float32(1.0))
                jv = jnp.full((16,), j, jnp.int32)
                tv = jnp.full((16,), t, jnp.int32)
                for k in range(D // 16):
                    col = lane + k * 16
                    x = plsc.load_gather(rows[p], [jv, tv, col])
                    plsc.store_scatter(rows[p], [jv, tv, col], x * m)
                return carry

            lax.fori_loop(0, CB * NT, fixone, 0)

        fire_gather(0, 0)

        def outer(k, carry):
            for b in range(2):
                g = k * 2 + b
                nb = 1 - b
                pl.when((g >= 1) & (g + 1 < NCHUNK))(lambda: drain_out(nb))
                pl.when(g + 1 < NCHUNK)(lambda: fire_gather(g + 1, nb))
                has_zero = detect_zero(g)
                drain_gather(b)
                pl.when(has_zero)(lambda: fix_zero_rows(g, b))
                fire_out(g, b)
            return carry

        lax.fori_loop(0, NCHUNK // 2, outer, 0)
        drain_out(0)
        drain_out(1)

    return gather_kernel


@functools.lru_cache(maxsize=1)
def _get_kernel():
    return _make_kernel()


def kernel(ivectors, data):
    return _get_kernel()(ivectors, data.astype(jnp.int32))

# --- scband reference (transcript-rebuilt; emitter-appended) ---
"""Pipeline reference for scband-word2-vec-20555713479269 (READ-ONLY COPY).

The authoritative reference and input builder live on the scoring server;
editing this copy changes nothing except your own understanding.
"""

import jax, jax.numpy as jnp
import numpy as np


def setup_inputs(seed: int = 0) -> dict:
    key = jax.random.key(seed)
    k1, k2 = jax.random.split(key)
    data = jax.random.randint(k1, (16384, 50), 0, 1000001, dtype=jnp.int64)
    ivectors = jax.random.normal(k2, (1000001, 64), dtype=jnp.float32)
    return {"ivectors": ivectors, "data": data}


def reference(ivectors, data):
    # Word2Vec.forward -> forward_i: nn.Embedding(V+1, d, padding_idx=0)(data)
    # padding_idx=0 means row 0 of the table produces a zero vector.
    table = ivectors.at[0].set(0.0)
    return jnp.take(table, data, axis=0)

if __name__ == "__main__":
    import jax
    _d = setup_inputs()
    print(jax.jit(kernel)(*tuple(_d.values())))

</pallas_src>

<mosaic_0001>
#map = affine_map<(d0, d1) -> (0, 0)>
#map1 = affine_map<(d0, d1) -> (0, 0, 0)>
module attributes {stable_mosaic.version = 14 : i64} {
  func.func @gather_kernel(%arg0: i32, %arg1: i32, %arg2: memref<1000001x64xf32, #tpu.memory_space<hbm>>, %arg3: memref<16384x50xi32, #tpu.memory_space<hbm>>, %arg4: memref<16384x50x64xf32, #tpu.memory_space<hbm>>, %arg5: memref<512x50xi32, #tpu.memory_space<vmem>>, %arg6: memref<16x50x64xf32, #tpu.memory_space<vmem>>, %arg7: memref<16x50x64xf32, #tpu.memory_space<vmem>>, %arg8: memref<!tpu.dma_semaphore, #tpu.memory_space<semaphore_mem>>, %arg9: memref<!tpu.dma_semaphore, #tpu.memory_space<semaphore_mem>>, %arg10: memref<!tpu.dma_semaphore, #tpu.memory_space<semaphore_mem>>, %arg11: memref<!tpu.dma_semaphore, #tpu.memory_space<semaphore_mem>>) attributes {dimension_semantics = [#tpu.dimension_semantics<core_parallel>, #tpu.dimension_semantics<subcore_parallel>], iteration_bounds = array<i64: 2, 16>, scalar_prefetch = 0 : i64, scratch_operands = 7 : i64, tpu.core_type = #tpu.core_type<sc_vector_subcore>, window_params = [{transform_indices = #map}, {transform_indices = #map}, {transform_indices = #map1}]} {
    %mul3A = arith.constant 2 : i32
    %mul3A_0 = arith.muli %arg1, %mul3A : i32
    %add3A = arith.addi %mul3A_0, %arg0 : i32
    %mul3A_1 = arith.constant 512 : i32
    %mul3A_2 = arith.muli %add3A, %mul3A_1 : i32
    %iota3A = tpu.iota {dimensions = array<i32: 0>} : vector<16xi32>
    %add3A_3 = arith.constant 16 : i32
    %add3A_4 = vector.broadcast %add3A_3 : i32 to vector<16xi32>
    %add3A_5 = arith.addi %iota3A, %add3A_4 : vector<16xi32>
    %add3A_6 = arith.constant 32 : i32
    %add3A_7 = vector.broadcast %add3A_6 : i32 to vector<16xi32>
    %add3A_8 = arith.addi %iota3A, %add3A_7 : vector<16xi32>
    %add3A_9 = arith.constant 34 : i32
    %add3A_10 = vector.broadcast %add3A_9 : i32 to vector<16xi32>
    %add3A_11 = arith.addi %iota3A, %add3A_10 : vector<16xi32>
    "tpu.region"() ({
      %run_scoped3A = tpu.sem_alloc : memref<!tpu.dma_semaphore, #tpu.memory_space<semaphore_mem>>
      %dma_start3A_223 = arith.constant 0 : i32
      %dma_start3A_224 = tpu.memref_slice %arg3[%mul3A_2, %dma_start3A_223] : memref<16384x50xi32, #tpu.memory_space<hbm>> -> memref<512x50xi32, #tpu.memory_space<hbm>>
      %dma_start3A_225 = arith.constant 0 : i32
      %dma_start3A_226 = tpu.memref_slice %arg3[%mul3A_2, %dma_start3A_225] : memref<16384x50xi32, #tpu.memory_space<hbm>> -> memref<512x50xi32, #tpu.memory_space<hbm>>
      tpu.enqueue_dma source(%dma_start3A_226 : memref<512x50xi32, #tpu.memory_space<hbm>>) target(%arg5 : memref<512x50xi32, #tpu.memory_space<vmem>>) target_semaphore(%run_scoped3A : memref<!tpu.dma_semaphore, #tpu.memory_space<semaphore_mem>>)
      %dma_wait3A_227 = arith.constant 0 : i32
      %dma_wait3A_228 = tpu.memref_slice %arg3[%mul3A_2, %dma_wait3A_227] : memref<16384x50xi32, #tpu.memory_space<hbm>> -> memref<512x50xi32, #tpu.memory_space<hbm>>
      %dma_wait3A_229 = arith.constant 0 : i32
      %dma_wait3A_230 = tpu.memref_slice %arg3[%mul3A_2, %dma_wait3A_229] : memref<16384x50xi32, #tpu.memory_space<hbm>> -> memref<512x50xi32, #tpu.memory_space<hbm>>
      tpu.wait_dma2 semaphore(%run_scoped3A : memref<!tpu.dma_semaphore, #tpu.memory_space<semaphore_mem>>) src(%dma_wait3A_230 : memref<512x50xi32, #tpu.memory_space<hbm>>) dst(%arg5 : memref<512x50xi32, #tpu.memory_space<vmem>>)
      tpu.yield
    }) : () -> ()
    %dma_start3A = arith.constant 0 : i32
    %dma_start3A_12 = arith.constant 0 : i32
    %dma_start3A_13 = arith.constant 0 : i32
    %dma_start3A_14 = arith.constant 0 : i32
    %dma_start3A_15 = tpu.memref_slice %arg6[%dma_start3A_12, %dma_start3A_13, %dma_start3A_14] : memref<16x50x64xf32, #tpu.memory_space<vmem>> -> memref<1x50x64xf32, #tpu.memory_space<vmem>>
    %dma_start3A_16 = tpu.memref_squeeze %dma_start3A_15 : memref<1x50x64xf32, #tpu.memory_space<vmem>> -> memref<50x64xf32, #tpu.memory_space<vmem>>
    %dma_start3A_17 = arith.constant 0 : i32
    %dma_start3A_18 = tpu.memref_slice %arg5[%dma_start3A, %dma_start3A_17] : memref<512x50xi32, #tpu.memory_space<vmem>> -> memref<1x50xi32, #tpu.memory_space<vmem>>
    %dma_start3A_19 = tpu.memref_squeeze %dma_start3A_18 : memref<1x50xi32, #tpu.memory_space<vmem>> -> memref<50xi32, #tpu.memory_space<vmem>>
    %dma_start3A_20 = arith.constant 0 : i32
    %dma_start3A_21 = arith.constant 0 : i32
    %dma_start3A_22 = tpu.memref_slice %arg2[%dma_start3A_20, %dma_start3A_21] : memref<1000001x64xf32, #tpu.memory_space<hbm>> -> memref<1000001x64xf32, #tpu.memory_space<hbm>>
    tpu.enqueue_indirect_dma source(%dma_start3A_22 : memref<1000001x64xf32, #tpu.memory_space<hbm>>) target(%dma_start3A_16 : memref<50x64xf32, #tpu.memory_space<vmem>>) offsets(%dma_start3A_19 : memref<50xi32, #tpu.memory_space<vmem>>) semaphore(%arg8 : memref<!tpu.dma_semaphore, #tpu.memory_space<semaphore_mem>>)
    %dma_start3A_23 = arith.constant 1 : i32
    %dma_start3A_24 = arith.constant 1 : i32
    %dma_start3A_25 = arith.constant 0 : i32
    %dma_start3A_26 = arith.constant 0 : i32
    %dma_start3A_27 = tpu.memref_slice %arg6[%dma_start3A_24, %dma_start3A_25, %dma_start3A_26] : memref<16x50x64xf32, #tpu.memory_space<vmem>> -> memref<1x50x64xf32, #tpu.memory_space<vmem>>
    %dma_start3A_28 = tpu.memref_squeeze %dma_start3A_27 : memref<1x50x64xf32, #tpu.memory_space<vmem>> -> memref<50x64xf32, #tpu.memory_space<vmem>>
    %dma_start3A_29 = arith.constant 0 : i32
    %dma_start3A_30 = tpu.memref_slice %arg5[%dma_start3A_23, %dma_start3A_29] : memref<512x50xi32, #tpu.memory_space<vmem>> -> memref<1x50xi32, #tpu.memory_space<vmem>>
    %dma_start3A_31 = tpu.memref_squeeze %dma_start3A_30 : memref<1x50xi32, #tpu.memory_space<vmem>> -> memref<50xi32, #tpu.memory_space<vmem>>
    %dma_start3A_32 = arith.constant 0 : i32
    %dma_start3A_33 = arith.constant 0 : i32
    %dma_start3A_34 = tpu.memref_slice %arg2[%dma_start3A_32, %dma_start3A_33] : memref<1000001x64xf32, #tpu.memory_space<hbm>> -> memref<1000001x64xf32, #tpu.memory_space<hbm>>
    tpu.enqueue_indirect_dma source(%dma_start3A_34 : memref<1000001x64xf32, #tpu.memory_space<hbm>>) target(%dma_start3A_28 : memref<50x64xf32, #tpu.memory_space<vmem>>) offsets(%dma_start3A_31 : memref<50xi32, #tpu.memory_space<vmem>>) semaphore(%arg8 : memref<!tpu.dma_semaphore, #tpu.memory_space<semaphore_mem>>)
    %dma_start3A_35 = arith.constant 2 : i32
    %dma_start3A_36 = arith.constant 2 : i32
    %dma_start3A_37 = arith.constant 0 : i32
    %dma_start3A_38 = arith.constant 0 : i32
    %dma_start3A_39 = tpu.memref_slice %arg6[%dma_start3A_36, %dma_start3A_37, %dma_start3A_38] : memref<16x50x64xf32, #tpu.memory_space<vmem>> -> memref<1x50x64xf32, #tpu.memory_space<vmem>>
    %dma_start3A_40 = tpu.memref_squeeze %dma_start3A_39 : memref<1x50x64xf32, #tpu.memory_space<vmem>> -> memref<50x64xf32, #tpu.memory_space<vmem>>
    %dma_start3A_41 = arith.constant 0 : i32
    %dma_start3A_42 = tpu.memref_slice %arg5[%dma_start3A_35, %dma_start3A_41] : memref<512x50xi32, #tpu.memory_space<vmem>> -> memref<1x50xi32, #tpu.memory_space<vmem>>
    %dma_start3A_43 = tpu.memref_squeeze %dma_start3A_42 : memref<1x50xi32, #tpu.memory_space<vmem>> -> memref<50xi32, #tpu.memory_space<vmem>>
    %dma_start3A_44 = arith.constant 0 : i32
    %dma_start3A_45 = arith.constant 0 : i32
    %dma_start3A_46 = tpu.memref_slice %arg2[%dma_start3A_44, %dma_start3A_45] : memref<1000001x64xf32, #tpu.memory_space<hbm>> -> memref<1000001x64xf32, #tpu.memory_space<hbm>>
    tpu.enqueue_indirect_dma source(%dma_start3A_46 : memref<1000001x64xf32, #tpu.memory_space<hbm>>) target(%dma_start3A_40 : memref<50x64xf32, #tpu.memory_space<vmem>>) offsets(%dma_start3A_43 : memref<50xi32, #tpu.memory_space<vmem>>) semaphore(%arg8 : memref<!tpu.dma_semaphore, #tpu.memory_space<semaphore_mem>>)
    %dma_start3A_47 = arith.constant 3 : i32
    %dma_start3A_48 = arith.constant 3 : i32
    %dma_start3A_49 = arith.constant 0 : i32
    %dma_start3A_50 = arith.constant 0 : i32
    %dma_start3A_51 = tpu.memref_slice %arg6[%dma_start3A_48, %dma_start3A_49, %dma_start3A_50] : memref<16x50x64xf32, #tpu.memory_space<vmem>> -> memref<1x50x64xf32, #tpu.memory_space<vmem>>
    %dma_start3A_52 = tpu.memref_squeeze %dma_start3A_51 : memref<1x50x64xf32, #tpu.memory_space<vmem>> -> memref<50x64xf32, #tpu.memory_space<vmem>>
    %dma_start3A_53 = arith.constant 0 : i32
    %dma_start3A_54 = tpu.memref_slice %arg5[%dma_start3A_47, %dma_start3A_53] : memref<512x50xi32, #tpu.memory_space<vmem>> -> memref<1x50xi32, #tpu.memory_space<vmem>>
    %dma_start3A_55 = tpu.memref_squeeze %dma_start3A_54 : memref<1x50xi32, #tpu.memory_space<vmem>> -> memref<50xi32, #tpu.memory_space<vmem>>
    %dma_start3A_56 = arith.constant 0 : i32
    %dma_start3A_57 = arith.constant 0 : i32
    %dma_start3A_58 = tpu.memref_slice %arg2[%dma_start3A_56, %dma_start3A_57] : memref<1000001x64xf32, #tpu.memory_space<hbm>> -> memref<1000001x64xf32, #tpu.memory_space<hbm>>
    tpu.enqueue_indirect_dma source(%dma_start3A_58 : memref<1000001x64xf32, #tpu.memory_space<hbm>>) target(%dma_start3A_52 : memref<50x64xf32, #tpu.memory_space<vmem>>) offsets(%dma_start3A_55 : memref<50xi32, #tpu.memory_space<vmem>>) semaphore(%arg8 : memref<!tpu.dma_semaphore, #tpu.memory_space<semaphore_mem>>)
    %dma_start3A_59 = arith.constant 4 : i32
    %dma_start3A_60 = arith.constant 4 : i32
    %dma_start3A_61 = arith.constant 0 : i32
    %dma_start3A_62 = arith.constant 0 : i32
    %dma_start3A_63 = tpu.memref_slice %arg6[%dma_start3A_60, %dma_start3A_61, %dma_start3A_62] : memref<16x50x64xf32, #tpu.memory_space<vmem>> -> memref<1x50x64xf32, #tpu.memory_space<vmem>>
    %dma_start3A_64 = tpu.memref_squeeze %dma_start3A_63 : memref<1x50x64xf32, #tpu.memory_space<vmem>> -> memref<50x64xf32, #tpu.memory_space<vmem>>
    %dma_start3A_65 = arith.constant 0 : i32
    %dma_start3A_66 = tpu.memref_slice %arg5[%dma_start3A_59, %dma_start3A_65] : memref<512x50xi32, #tpu.memory_space<vmem>> -> memref<1x50xi32, #tpu.memory_space<vmem>>
    %dma_start3A_67 = tpu.memref_squeeze %dma_start3A_66 : memref<1x50xi32, #tpu.memory_space<vmem>> -> memref<50xi32, #tpu.memory_space<vmem>>
    %dma_start3A_68 = arith.constant 0 : i32
    %dma_start3A_69 = arith.constant 0 : i32
    %dma_start3A_70 = tpu.memref_slice %arg2[%dma_start3A_68, %dma_start3A_69] : memref<1000001x64xf32, #tpu.memory_space<hbm>> -> memref<1000001x64xf32, #tpu.memory_space<hbm>>
    tpu.enqueue_indirect_dma source(%dma_start3A_70 : memref<1000001x64xf32, #tpu.memory_space<hbm>>) target(%dma_start3A_64 : memref<50x64xf32, #tpu.memory_space<vmem>>) offsets(%dma_start3A_67 : memref<50xi32, #tpu.memory_space<vmem>>) semaphore(%arg8 : memref<!tpu.dma_semaphore, #tpu.memory_space<semaphore_mem>>)
    %dma_start3A_71 = arith.constant 5 : i32
    %dma_start3A_72 = arith.constant 5 : i32
    %dma_start3A_73 = arith.constant 0 : i32
    %dma_start3A_74 = arith.constant 0 : i32
    %dma_start3A_75 = tpu.memref_slice %arg6[%dma_start3A_72, %dma_start3A_73, %dma_start3A_74] : memref<16x50x64xf32, #tpu.memory_space<vmem>> -> memref<1x50x64xf32, #tpu.memory_space<vmem>>
    %dma_start3A_76 = tpu.memref_squeeze %dma_start3A_75 : memref<1x50x64xf32, #tpu.memory_space<vmem>> -> memref<50x64xf32, #tpu.memory_space<vmem>>
    %dma_start3A_77 = arith.constant 0 : i32
    %dma_start3A_78 = tpu.memref_slice %arg5[%dma_start3A_71, %dma_start3A_77] : memref<512x50xi32, #tpu.memory_space<vmem>> -> memref<1x50xi32, #tpu.memory_space<vmem>>
    %dma_start3A_79 = tpu.memref_squeeze %dma_start3A_78 : memref<1x50xi32, #tpu.memory_space<vmem>> -> memref<50xi32, #tpu.memory_space<vmem>>
    %dma_start3A_80 = arith.constant 0 : i32
    %dma_start3A_81 = arith.constant 0 : i32
    %dma_start3A_82 = tpu.memref_slice %arg2[%dma_start3A_80, %dma_start3A_81] : memref<1000001x64xf32, #tpu.memory_space<hbm>> -> memref<1000001x64xf32, #tpu.memory_space<hbm>>
    tpu.enqueue_indirect_dma source(%dma_start3A_82 : memref<1000001x64xf32, #tpu.memory_space<hbm>>) target(%dma_start3A_76 : memref<50x64xf32, #tpu.memory_space<vmem>>) offsets(%dma_start3A_79 : memref<50xi32, #tpu.memory_space<vmem>>) semaphore(%arg8 : memref<!tpu.dma_semaphore, #tpu.memory_space<semaphore_mem>>)
    %dma_start3A_83 = arith.constant 6 : i32
    %dma_start3A_84 = arith.constant 6 : i32
    %dma_start3A_85 = arith.constant 0 : i32
    %dma_start3A_86 = arith.constant 0 : i32
    %dma_start3A_87 = tpu.memref_slice %arg6[%dma_start3A_84, %dma_start3A_85, %dma_start3A_86] : memref<16x50x64xf32, #tpu.memory_space<vmem>> -> memref<1x50x64xf32, #tpu.memory_space<vmem>>
    %dma_start3A_88 = tpu.memref_squeeze %dma_start3A_87 : memref<1x50x64xf32, #tpu.memory_space<vmem>> -> memref<50x64xf32, #tpu.memory_space<vmem>>
    %dma_start3A_89 = arith.constant 0 : i32
    %dma_start3A_90 = tpu.memref_slice %arg5[%dma_start3A_83, %dma_start3A_89] : memref<512x50xi32, #tpu.memory_space<vmem>> -> memref<1x50xi32, #tpu.memory_space<vmem>>
    %dma_start3A_91 = tpu.memref_squeeze %dma_start3A_90 : memref<1x50xi32, #tpu.memory_space<vmem>> -> memref<50xi32, #tpu.memory_space<vmem>>
    %dma_start3A_92 = arith.constant 0 : i32
    %dma_start3A_93 = arith.constant 0 : i32
    %dma_start3A_94 = tpu.memref_slice %arg2[%dma_start3A_92, %dma_start3A_93] : memref<1000001x64xf32, #tpu.memory_space<hbm>> -> memref<1000001x64xf32, #tpu.memory_space<hbm>>
    tpu.enqueue_indirect_dma source(%dma_start3A_94 : memref<1000001x64xf32, #tpu.memory_space<hbm>>) target(%dma_start3A_88 : memref<50x64xf32, #tpu.memory_space<vmem>>) offsets(%dma_start3A_91 : memref<50xi32, #tpu.memory_space<vmem>>) semaphore(%arg8 : memref<!tpu.dma_semaphore, #tpu.memory_space<semaphore_mem>>)
    %dma_start3A_95 = arith.constant 7 : i32
    %dma_start3A_96 = arith.constant 7 : i32
    %dma_start3A_97 = arith.constant 0 : i32
    %dma_start3A_98 = arith.constant 0 : i32
    %dma_start3A_99 = tpu.memref_slice %arg6[%dma_start3A_96, %dma_start3A_97, %dma_start3A_98] : memref<16x50x64xf32, #tpu.memory_space<vmem>> -> memref<1x50x64xf32, #tpu.memory_space<vmem>>
    %dma_start3A_100 = tpu.memref_squeeze %dma_start3A_99 : memref<1x50x64xf32, #tpu.memory_space<vmem>> -> memref<50x64xf32, #tpu.memory_space<vmem>>
    %dma_start3A_101 = arith.constant 0 : i32
    %dma_start3A_102 = tpu.memref_slice %arg5[%dma_start3A_95, %dma_start3A_101] : memref<512x50xi32, #tpu.memory_space<vmem>> -> memref<1x50xi32, #tpu.memory_space<vmem>>
    %dma_start3A_103 = tpu.memref_squeeze %dma_start3A_102 : memref<1x50xi32, #tpu.memory_space<vmem>> -> memref<50xi32, #tpu.memory_space<vmem>>
    %dma_start3A_104 = arith.constant 0 : i32
    %dma_start3A_105 = arith.constant 0 : i32
    %dma_start3A_106 = tpu.memref_slice %arg2[%dma_start3A_104, %dma_start3A_105] : memref<1000001x64xf32, #tpu.memory_space<hbm>> -> memref<1000001x64xf32, #tpu.memory_space<hbm>>
    tpu.enqueue_indirect_dma source(%dma_start3A_106 : memref<1000001x64xf32, #tpu.memory_space<hbm>>) target(%dma_start3A_100 : memref<50x64xf32, #tpu.memory_space<vmem>>) offsets(%dma_start3A_103 : memref<50xi32, #tpu.memory_space<vmem>>) semaphore(%arg8 : memref<!tpu.dma_semaphore, #tpu.memory_space<semaphore_mem>>)
    %dma_start3A_107 = arith.constant 8 : i32
    %dma_start3A_108 = arith.constant 8 : i32
    %dma_start3A_109 = arith.constant 0 : i32
    %dma_start3A_110 = arith.constant 0 : i32
    %dma_start3A_111 = tpu.memref_slice %arg6[%dma_start3A_108, %dma_start3A_109, %dma_start3A_110] : memref<16x50x64xf32, #tpu.memory_space<vmem>> -> memref<1x50x64xf32, #tpu.memory_space<vmem>>
    %dma_start3A_112 = tpu.memref_squeeze %dma_start3A_111 : memref<1x50x64xf32, #tpu.memory_space<vmem>> -> memref<50x64xf32, #tpu.memory_space<vmem>>
    %dma_start3A_113 = arith.constant 0 : i32
    %dma_start3A_114 = tpu.memref_slice %arg5[%dma_start3A_107, %dma_start3A_113] : memref<512x50xi32, #tpu.memory_space<vmem>> -> memref<1x50xi32, #tpu.memory_space<vmem>>
    %dma_start3A_115 = tpu.memref_squeeze %dma_start3A_114 : memref<1x50xi32, #tpu.memory_space<vmem>> -> memref<50xi32, #tpu.memory_space<vmem>>
    %dma_start3A_116 = arith.constant 0 : i32
    %dma_start3A_117 = arith.constant 0 : i32
    %dma_start3A_118 = tpu.memref_slice %arg2[%dma_start3A_116, %dma_start3A_117] : memref<1000001x64xf32, #tpu.memory_space<hbm>> -> memref<1000001x64xf32, #tpu.memory_space<hbm>>
    tpu.enqueue_indirect_dma source(%dma_start3A_118 : memref<1000001x64xf32, #tpu.memory_space<hbm>>) target(%dma_start3A_112 : memref<50x64xf32, #tpu.memory_space<vmem>>) offsets(%dma_start3A_115 : memref<50xi32, #tpu.memory_space<vmem>>) semaphore(%arg8 : memref<!tpu.dma_semaphore, #tpu.memory_space<semaphore_mem>>)
    %dma_start3A_119 = arith.constant 9 : i32
    %dma_start3A_120 = arith.constant 9 : i32
    %dma_start3A_121 = arith.constant 0 : i32
    %dma_start3A_122 = arith.constant 0 : i32
    %dma_start3A_123 = tpu.memref_slice %arg6[%dma_start3A_120, %dma_start3A_121, %dma_start3A_122] : memref<16x50x64xf32, #tpu.memory_space<vmem>> -> memref<1x50x64xf32, #tpu.memory_space<vmem>>
    %dma_start3A_124 = tpu.memref_squeeze %dma_start3A_123 : memref<1x50x64xf32, #tpu.memory_space<vmem>> -> memref<50x64xf32, #tpu.memory_space<vmem>>
    %dma_start3A_125 = arith.constant 0 : i32
    %dma_start3A_126 = tpu.memref_slice %arg5[%dma_start3A_119, %dma_start3A_125] : memref<512x50xi32, #tpu.memory_space<vmem>> -> memref<1x50xi32, #tpu.memory_space<vmem>>
    %dma_start3A_127 = tpu.memref_squeeze %dma_start3A_126 : memref<1x50xi32, #tpu.memory_space<vmem>> -> memref<50xi32, #tpu.memory_space<vmem>>
    %dma_start3A_128 = arith.constant 0 : i32
    %dma_start3A_129 = arith.constant 0 : i32
    %dma_start3A_130 = tpu.memref_slice %arg2[%dma_start3A_128, %dma_start3A_129] : memref<1000001x64xf32, #tpu.memory_space<hbm>> -> memref<1000001x64xf32, #tpu.memory_space<hbm>>
    tpu.enqueue_indirect_dma source(%dma_start3A_130 : memref<1000001x64xf32, #tpu.memory_space<hbm>>) target(%dma_start3A_124 : memref<50x64xf32, #tpu.memory_space<vmem>>) offsets(%dma_start3A_127 : memref<50xi32, #tpu.memory_space<vmem>>) semaphore(%arg8 : memref<!tpu.dma_semaphore, #tpu.memory_space<semaphore_mem>>)
    %dma_start3A_131 = arith.constant 10 : i32
    %dma_start3A_132 = arith.constant 10 : i32
    %dma_start3A_133 = arith.constant 0 : i32
    %dma_start3A_134 = arith.constant 0 : i32
    %dma_start3A_135 = tpu.memref_slice %arg6[%dma_start3A_132, %dma_start3A_133, %dma_start3A_134] : memref<16x50x64xf32, #tpu.memory_space<vmem>> -> memref<1x50x64xf32, #tpu.memory_space<vmem>>
    %dma_start3A_136 = tpu.memref_squeeze %dma_start3A_135 : memref<1x50x64xf32, #tpu.memory_space<vmem>> -> memref<50x64xf32, #tpu.memory_space<vmem>>
    %dma_start3A_137 = arith.constant 0 : i32
    %dma_start3A_138 = tpu.memref_slice %arg5[%dma_start3A_131, %dma_start3A_137] : memref<512x50xi32, #tpu.memory_space<vmem>> -> memref<1x50xi32, #tpu.memory_space<vmem>>
    %dma_start3A_139 = tpu.memref_squeeze %dma_start3A_138 : memref<1x50xi32, #tpu.memory_space<vmem>> -> memref<50xi32, #tpu.memory_space<vmem>>
    %dma_start3A_140 = arith.constant 0 : i32
    %dma_start3A_141 = arith.constant 0 : i32
    %dma_start3A_142 = tpu.memref_slice %arg2[%dma_start3A_140, %dma_start3A_141] : memref<1000001x64xf32, #tpu.memory_space<hbm>> -> memref<1000001x64xf32, #tpu.memory_space<hbm>>
    tpu.enqueue_indirect_dma source(%dma_start3A_142 : memref<1000001x64xf32, #tpu.memory_space<hbm>>) target(%dma_start3A_136 : memref<50x64xf32, #tpu.memory_space<vmem>>) offsets(%dma_start3A_139 : memref<50xi32, #tpu.memory_space<vmem>>) semaphore(%arg8 : memref<!tpu.dma_semaphore, #tpu.memory_space<semaphore_mem>>)
    %dma_start3A_143 = arith.constant 11 : i32
    %dma_start3A_144 = arith.constant 11 : i32
    %dma_start3A_145 = arith.constant 0 : i32
    %dma_start3A_146 = arith.constant 0 : i32
    %dma_start3A_147 = tpu.memref_slice %arg6[%dma_start3A_144, %dma_start3A_145, %dma_start3A_146] : memref<16x50x64xf32, #tpu.memory_space<vmem>> -> memref<1x50x64xf32, #tpu.memory_space<vmem>>
    %dma_start3A_148 = tpu.memref_squeeze %dma_start3A_147 : memref<1x50x64xf32, #tpu.memory_space<vmem>> -> memref<50x64xf32, #tpu.memory_space<vmem>>
    %dma_start3A_149 = arith.constant 0 : i32
    %dma_start3A_150 = tpu.memref_slice %arg5[%dma_start3A_143, %dma_start3A_149] : memref<512x50xi32, #tpu.memory_space<vmem>> -> memref<1x50xi32, #tpu.memory_space<vmem>>
    %dma_start3A_151 = tpu.memref_squeeze %dma_start3A_150 : memref<1x50xi32, #tpu.memory_space<vmem>> -> memref<50xi32, #tpu.memory_space<vmem>>
    %dma_start3A_152 = arith.constant 0 : i32
    %dma_start3A_153 = arith.constant 0 : i32
    %dma_start3A_154 = tpu.memref_slice %arg2[%dma_start3A_152, %dma_start3A_153] : memref<1000001x64xf32, #tpu.memory_space<hbm>> -> memref<1000001x64xf32, #tpu.memory_space<hbm>>
    tpu.enqueue_indirect_dma source(%dma_start3A_154 : memref<1000001x64xf32, #tpu.memory_space<hbm>>) target(%dma_start3A_148 : memref<50x64xf32, #tpu.memory_space<vmem>>) offsets(%dma_start3A_151 : memref<50xi32, #tpu.memory_space<vmem>>) semaphore(%arg8 : memref<!tpu.dma_semaphore, #tpu.memory_space<semaphore_mem>>)
    %dma_start3A_155 = arith.constant 12 : i32
    %dma_start3A_156 = arith.constant 12 : i32
    %dma_start3A_157 = arith.constant 0 : i32
    %dma_start3A_158 = arith.constant 0 : i32
    %dma_start3A_159 = tpu.memref_slice %arg6[%dma_start3A_156, %dma_start3A_157, %dma_start3A_158] : memref<16x50x64xf32, #tpu.memory_space<vmem>> -> memref<1x50x64xf32, #tpu.memory_space<vmem>>
    %dma_start3A_160 = tpu.memref_squeeze %dma_start3A_159 : memref<1x50x64xf32, #tpu.memory_space<vmem>> -> memref<50x64xf32, #tpu.memory_space<vmem>>
    %dma_start3A_161 = arith.constant 0 : i32
    %dma_start3A_162 = tpu.memref_slice %arg5[%dma_start3A_155, %dma_start3A_161] : memref<512x50xi32, #tpu.memory_space<vmem>> -> memref<1x50xi32, #tpu.memory_space<vmem>>
    %dma_start3A_163 = tpu.memref_squeeze %dma_start3A_162 : memref<1x50xi32, #tpu.memory_space<vmem>> -> memref<50xi32, #tpu.memory_space<vmem>>
    %dma_start3A_164 = arith.constant 0 : i32
    %dma_start3A_165 = arith.constant 0 : i32
    %dma_start3A_166 = tpu.memref_slice %arg2[%dma_start3A_164, %dma_start3A_165] : memref<1000001x64xf32, #tpu.memory_space<hbm>> -> memref<1000001x64xf32, #tpu.memory_space<hbm>>
    tpu.enqueue_indirect_dma source(%dma_start3A_166 : memref<1000001x64xf32, #tpu.memory_space<hbm>>) target(%dma_start3A_160 : memref<50x64xf32, #tpu.memory_space<vmem>>) offsets(%dma_start3A_163 : memref<50xi32, #tpu.memory_space<vmem>>) semaphore(%arg8 : memref<!tpu.dma_semaphore, #tpu.memory_space<semaphore_mem>>)
    %dma_start3A_167 = arith.constant 13 : i32
    %dma_start3A_168 = arith.constant 13 : i32
    %dma_start3A_169 = arith.constant 0 : i32
    %dma_start3A_170 = arith.constant 0 : i32
    %dma_start3A_171 = tpu.memref_slice %arg6[%dma_start3A_168, %dma_start3A_169, %dma_start3A_170] : memref<16x50x64xf32, #tpu.memory_space<vmem>> -> memref<1x50x64xf32, #tpu.memory_space<vmem>>
    %dma_start3A_172 = tpu.memref_squeeze %dma_start3A_171 : memref<1x50x64xf32, #tpu.memory_space<vmem>> -> memref<50x64xf32, #tpu.memory_space<vmem>>
    %dma_start3A_173 = arith.constant 0 : i32
    %dma_start3A_174 = tpu.memref_slice %arg5[%dma_start3A_167, %dma_start3A_173] : memref<512x50xi32, #tpu.memory_space<vmem>> -> memref<1x50xi32, #tpu.memory_space<vmem>>
    %dma_start3A_175 = tpu.memref_squeeze %dma_start3A_174 : memref<1x50xi32, #tpu.memory_space<vmem>> -> memref<50xi32, #tpu.memory_space<vmem>>
    %dma_start3A_176 = arith.constant 0 : i32
    %dma_start3A_177 = arith.constant 0 : i32
    %dma_start3A_178 = tpu.memref_slice %arg2[%dma_start3A_176, %dma_start3A_177] : memref<1000001x64xf32, #tpu.memory_space<hbm>> -> memref<1000001x64xf32, #tpu.memory_space<hbm>>
    tpu.enqueue_indirect_dma source(%dma_start3A_178 : memref<1000001x64xf32, #tpu.memory_space<hbm>>) target(%dma_start3A_172 : memref<50x64xf32, #tpu.memory_space<vmem>>) offsets(%dma_start3A_175 : memref<50xi32, #tpu.memory_space<vmem>>) semaphore(%arg8 : memref<!tpu.dma_semaphore, #tpu.memory_space<semaphore_mem>>)
    %dma_start3A_179 = arith.constant 14 : i32
    %dma_start3A_180 = arith.constant 14 : i32
    %dma_start3A_181 = arith.constant 0 : i32
    %dma_start3A_182 = arith.constant 0 : i32
    %dma_start3A_183 = tpu.memref_slice %arg6[%dma_start3A_180, %dma_start3A_181, %dma_start3A_182] : memref<16x50x64xf32, #tpu.memory_space<vmem>> -> memref<1x50x64xf32, #tpu.memory_space<vmem>>
    %dma_start3A_184 = tpu.memref_squeeze %dma_start3A_183 : memref<1x50x64xf32, #tpu.memory_space<vmem>> -> memref<50x64xf32, #tpu.memory_space<vmem>>
    %dma_start3A_185 = arith.constant 0 : i32
    %dma_start3A_186 = tpu.memref_slice %arg5[%dma_start3A_179, %dma_start3A_185] : memref<512x50xi32, #tpu.memory_space<vmem>> -> memref<1x50xi32, #tpu.memory_space<vmem>>
    %dma_start3A_187 = tpu.memref_squeeze %dma_start3A_186 : memref<1x50xi32, #tpu.memory_space<vmem>> -> memref<50xi32, #tpu.memory_space<vmem>>
    %dma_start3A_188 = arith.constant 0 : i32
    %dma_start3A_189 = arith.constant 0 : i32
    %dma_start3A_190 = tpu.memref_slice %arg2[%dma_start3A_188, %dma_start3A_189] : memref<1000001x64xf32, #tpu.memory_space<hbm>> -> memref<1000001x64xf32, #tpu.memory_space<hbm>>
    tpu.enqueue_indirect_dma source(%dma_start3A_190 : memref<1000001x64xf32, #tpu.memory_space<hbm>>) target(%dma_start3A_184 : memref<50x64xf32, #tpu.memory_space<vmem>>) offsets(%dma_start3A_187 : memref<50xi32, #tpu.memory_space<vmem>>) semaphore(%arg8 : memref<!tpu.dma_semaphore, #tpu.memory_space<semaphore_mem>>)
    %dma_start3A_191 = arith.constant 15 : i32
    %dma_start3A_192 = arith.constant 15 : i32
    %dma_start3A_193 = arith.constant 0 : i32
    %dma_start3A_194 = arith.constant 0 : i32
    %dma_start3A_195 = tpu.memref_slice %arg6[%dma_start3A_192, %dma_start3A_193, %dma_start3A_194] : memref<16x50x64xf32, #tpu.memory_space<vmem>> -> memref<1x50x64xf32, #tpu.memory_space<vmem>>
    %dma_start3A_196 = tpu.memref_squeeze %dma_start3A_195 : memref<1x50x64xf32, #tpu.memory_space<vmem>> -> memref<50x64xf32, #tpu.memory_space<vmem>>
    %dma_start3A_197 = arith.constant 0 : i32
    %dma_start3A_198 = tpu.memref_slice %arg5[%dma_start3A_191, %dma_start3A_197] : memref<512x50xi32, #tpu.memory_space<vmem>> -> memref<1x50xi32, #tpu.memory_space<vmem>>
    %dma_start3A_199 = tpu.memref_squeeze %dma_start3A_198 : memref<1x50xi32, #tpu.memory_space<vmem>> -> memref<50xi32, #tpu.memory_space<vmem>>
    %dma_start3A_200 = arith.constant 0 : i32
    %dma_start3A_201 = arith.constant 0 : i32
    %dma_start3A_202 = tpu.memref_slice %arg2[%dma_start3A_200, %dma_start3A_201] : memref<1000001x64xf32, #tpu.memory_space<hbm>> -> memref<1000001x64xf32, #tpu.memory_space<hbm>>
    tpu.enqueue_indirect_dma source(%dma_start3A_202 : memref<1000001x64xf32, #tpu.memory_space<hbm>>) target(%dma_start3A_196 : memref<50x64xf32, #tpu.memory_space<vmem>>) offsets(%dma_start3A_199 : memref<50xi32, #tpu.memory_space<vmem>>) semaphore(%arg8 : memref<!tpu.dma_semaphore, #tpu.memory_space<semaphore_mem>>)
    %scan3A = arith.constant 0 : i32
    %scan3A_203 = arith.constant 0 : i32
    %scan3A_204 = arith.constant 16 : i32
    %scan3A_205 = arith.addi %scan3A_203, %scan3A_204 : i32
    %scan3A_206 = arith.constant 1 : i32
    scf.for %scan3A_223 = %scan3A_203 to %scan3A_205 step %scan3A_206  : i32 {
      %mul3A_224 = arith.constant 2 : i32
      %mul3A_225 = arith.muli %scan3A_223, %mul3A_224 : i32
      %add3A_226 = arith.constant 0 : i32
      %add3A_227 = arith.addi %mul3A_225, %add3A_226 : i32
      %ge3A = arith.constant 1 : i32
      %ge3A_228 = arith.cmpi sge, %add3A_227, %ge3A : i32
      %add3A_229 = arith.constant 1 : i32
      %add3A_230 = arith.addi %add3A_227, %add3A_229 : i32
      %lt3A = arith.constant 32 : i32
      %lt3A_231 = arith.cmpi slt, %add3A_230, %lt3A : i32
      %and3A = arith.andi %ge3A_228, %lt3A_231 : i1
      %convert_element_type3A = arith.extui %and3A : i1 to i32
      %cond3A = arith.constant 0 : i32
      %cond3A_232 = arith.cmpi ne, %convert_element_type3A, %cond3A : i32
      scf.if %cond3A_232 {
        %dma_wait3A_729 = arith.constant 0 : i32
        %dma_wait3A_730 = arith.constant 0 : i32
        %dma_wait3A_731 = arith.constant 0 : i32
        %dma_wait3A_732 = tpu.memref_slice %arg4[%dma_wait3A_729, %dma_wait3A_730, %dma_wait3A_731] : memref<16384x50x64xf32, #tpu.memory_space<hbm>> -> memref<16x50x64xf32, #tpu.memory_space<hbm>>
        %dma_wait3A_733 = arith.constant 0 : i32
        %dma_wait3A_734 = arith.constant 0 : i32
        %dma_wait3A_735 = arith.constant 0 : i32
        %dma_wait3A_736 = tpu.memref_slice %arg4[%dma_wait3A_733, %dma_wait3A_734, %dma_wait3A_735] : memref<16384x50x64xf32, #tpu.memory_space<hbm>> -> memref<16x50x64xf32, #tpu.memory_space<hbm>>
        tpu.wait_dma2 semaphore(%arg11 : memref<!tpu.dma_semaphore, #tpu.memory_space<semaphore_mem>>) src(%arg7 : memref<16x50x64xf32, #tpu.memory_space<vmem>>) dst(%dma_wait3A_736 : memref<16x50x64xf32, #tpu.memory_space<hbm>>)
      } else {
      }
      %add3A_233 = arith.constant 1 : i32
      %add3A_234 = arith.addi %add3A_227, %add3A_233 : i32
      %lt3A_235 = arith.constant 32 : i32
      %lt3A_236 = arith.cmpi slt, %add3A_234, %lt3A_235 : i32
      %convert_element_type3A_237 = arith.extui %lt3A_236 : i1 to i32
      %cond3A_238 = arith.constant 0 : i32
      %cond3A_239 = arith.cmpi ne, %convert_element_type3A_237, %cond3A_238 : i32
      scf.if %cond3A_239 {
        %add3A_729 = arith.constant 1 : i32
        %add3A_730 = arith.addi %add3A_227, %add3A_729 : i32
        %mul3A_731 = arith.constant 16 : i32
        %mul3A_732 = arith.muli %add3A_730, %mul3A_731 : i32
        %add3A_733 = arith.constant 0 : i32
        %add3A_734 = arith.addi %mul3A_732, %add3A_733 : i32
        %dma_start3A_735 = arith.constant 0 : i32
        %dma_start3A_736 = arith.constant 0 : i32
        %dma_start3A_737 = arith.constant 0 : i32
        %dma_start3A_738 = tpu.memref_slice %arg7[%dma_start3A_735, %dma_start3A_736, %dma_start3A_737] : memref<16x50x64xf32, #tpu.memory_space<vmem>> -> memref<1x50x64xf32, #tpu.memory_space<vmem>>
        %dma_start3A_739 = tpu.memref_squeeze %dma_start3A_738 : memref<1x50x64xf32, #tpu.memory_space<vmem>> -> memref<50x64xf32, #tpu.memory_space<vmem>>
        %dma_start3A_740 = arith.constant 0 : i32
        %dma_start3A_741 = tpu.memref_slice %arg5[%add3A_734, %dma_start3A_740] : memref<512x50xi32, #tpu.memory_space<vmem>> -> memref<1x50xi32, #tpu.memory_space<vmem>>
        %dma_start3A_742 = tpu.memref_squeeze %dma_start3A_741 : memref<1x50xi32, #tpu.memory_space<vmem>> -> memref<50xi32, #tpu.memory_space<vmem>>
        %dma_start3A_743 = arith.constant 0 : i32
        %dma_start3A_744 = arith.constant 0 : i32
        %dma_start3A_745 = tpu.memref_slice %arg2[%dma_start3A_743, %dma_start3A_744] : memref<1000001x64xf32, #tpu.memory_space<hbm>> -> memref<1000001x64xf32, #tpu.memory_space<hbm>>
        tpu.enqueue_indirect_dma source(%dma_start3A_745 : memref<1000001x64xf32, #tpu.memory_space<hbm>>) target(%dma_start3A_739 : memref<50x64xf32, #tpu.memory_space<vmem>>) offsets(%dma_start3A_742 : memref<50xi32, #tpu.memory_space<vmem>>) semaphore(%arg9 : memref<!tpu.dma_semaphore, #tpu.memory_space<semaphore_mem>>)
        %mul3A_746 = arith.constant 16 : i32
        %mul3A_747 = arith.muli %add3A_730, %mul3A_746 : i32
        %add3A_748 = arith.constant 1 : i32
        %add3A_749 = arith.addi %mul3A_747, %add3A_748 : i32
        %dma_start3A_750 = arith.constant 1 : i32
        %dma_start3A_751 = arith.constant 0 : i32
        %dma_start3A_752 = arith.constant 0 : i32
        %dma_start3A_753 = tpu.memref_slice %arg7[%dma_start3A_750, %dma_start3A_751, %dma_start3A_752] : memref<16x50x64xf32, #tpu.memory_space<vmem>> -> memref<1x50x64xf32, #tpu.memory_space<vmem>>
        %dma_start3A_754 = tpu.memref_squeeze %dma_start3A_753 : memref<1x50x64xf32, #tpu.memory_space<vmem>> -> memref<50x64xf32, #tpu.memory_space<vmem>>
        %dma_start3A_755 = arith.constant 0 : i32
        %dma_start3A_756 = tpu.memref_slice %arg5[%add3A_749, %dma_start3A_755] : memref<512x50xi32, #tpu.memory_space<vmem>> -> memref<1x50xi32, #tpu.memory_space<vmem>>
        %dma_start3A_757 = tpu.memref_squeeze %dma_start3A_756 : memref<1x50xi32, #tpu.memory_space<vmem>> -> memref<50xi32, #tpu.memory_space<vmem>>
        %dma_start3A_758 = arith.constant 0 : i32
        %dma_start3A_759 = arith.constant 0 : i32
        %dma_start3A_760 = tpu.memref_slice %arg2[%dma_start3A_758, %dma_start3A_759] : memref<1000001x64xf32, #tpu.memory_space<hbm>> -> memref<1000001x64xf32, #tpu.memory_space<hbm>>
        tpu.enqueue_indirect_dma source(%dma_start3A_760 : memref<1000001x64xf32, #tpu.memory_space<hbm>>) target(%dma_start3A_754 : memref<50x64xf32, #tpu.memory_space<vmem>>) offsets(%dma_start3A_757 : memref<50xi32, #tpu.memory_space<vmem>>) semaphore(%arg9 : memref<!tpu.dma_semaphore, #tpu.memory_space<semaphore_mem>>)
        %mul3A_761 = arith.constant 16 : i32
        %mul3A_762 = arith.muli %add3A_730, %mul3A_761 : i32
        %add3A_763 = arith.constant 2 : i32
        %add3A_764 = arith.addi %mul3A_762, %add3A_763 : i32
        %dma_start3A_765 = arith.constant 2 : i32
        %dma_start3A_766 = arith.constant 0 : i32
        %dma_start3A_767 = arith.constant 0 : i32
        %dma_start3A_768 = tpu.memref_slice %arg7[%dma_start3A_765, %dma_start3A_766, %dma_start3A_767] : memref<16x50x64xf32, #tpu.memory_space<vmem>> -> memref<1x50x64xf32, #tpu.memory_space<vmem>>
        %dma_start3A_769 = tpu.memref_squeeze %dma_start3A_768 : memref<1x50x64xf32, #tpu.memory_space<vmem>> -> memref<50x64xf32, #tpu.memory_space<vmem>>
        %dma_start3A_770 = arith.constant 0 : i32
        %dma_start3A_771 = tpu.memref_slice %arg5[%add3A_764, %dma_start3A_770] : memref<512x50xi32, #tpu.memory_space<vmem>> -> memref<1x50xi32, #tpu.memory_space<vmem>>
        %dma_start3A_772 = tpu.memref_squeeze %dma_start3A_771 : memref<1x50xi32, #tpu.memory_space<vmem>> -> memref<50xi32, #tpu.memory_space<vmem>>
        %dma_start3A_773 = arith.constant 0 : i32
        %dma_start3A_774 = arith.constant 0 : i32
        %dma_start3A_775 = tpu.memref_slice %arg2[%dma_start3A_773, %dma_start3A_774] : memref<1000001x64xf32, #tpu.memory_space<hbm>> -> memref<1000001x64xf32, #tpu.memory_space<hbm>>
        tpu.enqueue_indirect_dma source(%dma_start3A_775 : memref<1000001x64xf32, #tpu.memory_space<hbm>>) target(%dma_start3A_769 : memref<50x64xf32, #tpu.memory_space<vmem>>) offsets(%dma_start3A_772 : memref<50xi32, #tpu.memory_space<vmem>>) semaphore(%arg9 : memref<!tpu.dma_semaphore, #tpu.memory_space<semaphore_mem>>)
        %mul3A_776 = arith.constant 16 : i32
        %mul3A_777 = arith.muli %add3A_730, %mul3A_776 : i32
        %add3A_778 = arith.constant 3 : i32
        %add3A_779 = arith.addi %mul3A_777, %add3A_778 : i32
        %dma_start3A_780 = arith.constant 3 : i32
        %dma_start3A_781 = arith.constant 0 : i32
        %dma_start3A_782 = arith.constant 0 : i32
        %dma_start3A_783 = tpu.memref_slice %arg7[%dma_start3A_780, %dma_start3A_781, %dma_start3A_782] : memref<16x50x64xf32, #tpu.memory_space<vmem>> -> memref<1x50x64xf32, #tpu.memory_space<vmem>>
        %dma_start3A_784 = tpu.memref_squeeze %dma_start3A_783 : memref<1x50x64xf32, #tpu.memory_space<vmem>> -> memref<50x64xf32, #tpu.memory_space<vmem>>
        %dma_start3A_785 = arith.constant 0 : i32
        %dma_start3A_786 = tpu.memref_slice %arg5[%add3A_779, %dma_start3A_785] : memref<512x50xi32, #tpu.memory_space<vmem>> -> memref<1x50xi32, #tpu.memory_space<vmem>>
        %dma_start3A_787 = tpu.memref_squeeze %dma_start3A_786 : memref<1x50xi32, #tpu.memory_space<vmem>> -> memref<50xi32, #tpu.memory_space<vmem>>
        %dma_start3A_788 = arith.constant 0 : i32
        %dma_start3A_789 = arith.constant 0 : i32
        %dma_start3A_790 = tpu.memref_slice %arg2[%dma_start3A_788, %dma_start3A_789] : memref<1000001x64xf32, #tpu.memory_space<hbm>> -> memref<1000001x64xf32, #tpu.memory_space<hbm>>
        tpu.enqueue_indirect_dma source(%dma_start3A_790 : memref<1000001x64xf32, #tpu.memory_space<hbm>>) target(%dma_start3A_784 : memref<50x64xf32, #tpu.memory_space<vmem>>) offsets(%dma_start3A_787 : memref<50xi32, #tpu.memory_space<vmem>>) semaphore(%arg9 : memref<!tpu.dma_semaphore, #tpu.memory_space<semaphore_mem>>)
        %mul3A_791 = arith.constant 16 : i32
        %mul3A_792 = arith.muli %add3A_730, %mul3A_791 : i32
        %add3A_793 = arith.constant 4 : i32
        %add3A_794 = arith.addi %mul3A_792, %add3A_793 : i32
        %dma_start3A_795 = arith.constant 4 : i32
        %dma_start3A_796 = arith.constant 0 : i32
        %dma_start3A_797 = arith.constant 0 : i32
        %dma_start3A_798 = tpu.memref_slice %arg7[%dma_start3A_795, %dma_start3A_796, %dma_start3A_797] : memref<16x50x64xf32, #tpu.memory_space<vmem>> -> memref<1x50x64xf32, #tpu.memory_space<vmem>>
        %dma_start3A_799 = tpu.memref_squeeze %dma_start3A_798 : memref<1x50x64xf32, #tpu.memory_space<vmem>> -> memref<50x64xf32, #tpu.memory_space<vmem>>
        %dma_start3A_800 = arith.constant 0 : i32
        %dma_start3A_801 = tpu.memref_slice %arg5[%add3A_794, %dma_start3A_800] : memref<512x50xi32, #tpu.memory_space<vmem>> -> memref<1x50xi32, #tpu.memory_space<vmem>>
        %dma_start3A_802 = tpu.memref_squeeze %dma_start3A_801 : memref<1x50xi32, #tpu.memory_space<vmem>> -> memref<50xi32, #tpu.memory_space<vmem>>
        %dma_start3A_803 = arith.constant 0 : i32
        %dma_start3A_804 = arith.constant 0 : i32
        %dma_start3A_805 = tpu.memref_slice %arg2[%dma_start3A_803, %dma_start3A_804] : memref<1000001x64xf32, #tpu.memory_space<hbm>> -> memref<1000001x64xf32, #tpu.memory_space<hbm>>
        tpu.enqueue_indirect_dma source(%dma_start3A_805 : memref<1000001x64xf32, #tpu.memory_space<hbm>>) target(%dma_start3A_799 : memref<50x64xf32, #tpu.memory_space<vmem>>) offsets(%dma_start3A_802 : memref<50xi32, #tpu.memory_space<vmem>>) semaphore(%arg9 : memref<!tpu.dma_semaphore, #tpu.memory_space<semaphore_mem>>)
        %mul3A_806 = arith.constant 16 : i32
        %mul3A_807 = arith.muli %add3A_730, %mul3A_806 : i32
        %add3A_808 = arith.constant 5 : i32
        %add3A_809 = arith.addi %mul3A_807, %add3A_808 : i32
        %dma_start3A_810 = arith.constant 5 : i32
        %dma_start3A_811 = arith.constant 0 : i32
        %dma_start3A_812 = arith.constant 0 : i32
        %dma_start3A_813 = tpu.memref_slice %arg7[%dma_start3A_810, %dma_start3A_811, %dma_start3A_812] : memref<16x50x64xf32, #tpu.memory_space<vmem>> -> memref<1x50x64xf32, #tpu.memory_space<vmem>>
        %dma_start3A_814 = tpu.memref_squeeze %dma_start3A_813 : memref<1x50x64xf32, #tpu.memory_space<vmem>> -> memref<50x64xf32, #tpu.memory_space<vmem>>
        %dma_start3A_815 = arith.constant 0 : i32
        %dma_start3A_816 = tpu.memref_slice %arg5[%add3A_809, %dma_start3A_815] : memref<512x50xi32, #tpu.memory_space<vmem>> -> memref<1x50xi32, #tpu.memory_space<vmem>>
        %dma_start3A_817 = tpu.memref_squeeze %dma_start3A_816 : memref<1x50xi32, #tpu.memory_space<vmem>> -> memref<50xi32, #tpu.memory_space<vmem>>
        %dma_start3A_818 = arith.constant 0 : i32
        %dma_start3A_819 = arith.constant 0 : i32
        %dma_start3A_820 = tpu.memref_slice %arg2[%dma_start3A_818, %dma_start3A_819] : memref<1000001x64xf32, #tpu.memory_space<hbm>> -> memref<1000001x64xf32, #tpu.memory_space<hbm>>
        tpu.enqueue_indirect_dma source(%dma_start3A_820 : memref<1000001x64xf32, #tpu.memory_space<hbm>>) target(%dma_start3A_814 : memref<50x64xf32, #tpu.memory_space<vmem>>) offsets(%dma_start3A_817 : memref<50xi32, #tpu.memory_space<vmem>>) semaphore(%arg9 : memref<!tpu.dma_semaphore, #tpu.memory_space<semaphore_mem>>)
        %mul3A_821 = arith.constant 16 : i32
        %mul3A_822 = arith.muli %add3A_730, %mul3A_821 : i32
        %add3A_823 = arith.constant 6 : i32
        %add3A_824 = arith.addi %mul3A_822, %add3A_823 : i32
        %dma_start3A_825 = arith.constant 6 : i32
        %dma_start3A_826 = arith.constant 0 : i32
        %dma_start3A_827 = arith.constant 0 : i32
        %dma_start3A_828 = tpu.memref_slice %arg7[%dma_start3A_825, %dma_start3A_826, %dma_start3A_827] : memref<16x50x64xf32, #tpu.memory_space<vmem>> -> memref<1x50x64xf32, #tpu.memory_space<vmem>>
        %dma_start3A_829 = tpu.memref_squeeze %dma_start3A_828 : memref<1x50x64xf32, #tpu.memory_space<vmem>> -> memref<50x64xf32, #tpu.memory_space<vmem>>
        %dma_start3A_830 = arith.constant 0 : i32
        %dma_start3A_831 = tpu.memref_slice %arg5[%add3A_824, %dma_start3A_830] : memref<512x50xi32, #tpu.memory_space<vmem>> -> memref<1x50xi32, #tpu.memory_space<vmem>>
        %dma_start3A_832 = tpu.memref_squeeze %dma_start3A_831 : memref<1x50xi32, #tpu.memory_space<vmem>> -> memref<50xi32, #tpu.memory_space<vmem>>
        %dma_start3A_833 = arith.constant 0 : i32
        %dma_start3A_834 = arith.constant 0 : i32
        %dma_start3A_835 = tpu.memref_slice %arg2[%dma_start3A_833, %dma_start3A_834] : memref<1000001x64xf32, #tpu.memory_space<hbm>> -> memref<1000001x64xf32, #tpu.memory_space<hbm>>
        tpu.enqueue_indirect_dma source(%dma_start3A_835 : memref<1000001x64xf32, #tpu.memory_space<hbm>>) target(%dma_start3A_829 : memref<50x64xf32, #tpu.memory_space<vmem>>) offsets(%dma_start3A_832 : memref<50xi32, #tpu.memory_space<vmem>>) semaphore(%arg9 : memref<!tpu.dma_semaphore, #tpu.memory_space<semaphore_mem>>)
        %mul3A_836 = arith.constant 16 : i32
        %mul3A_837 = arith.muli %add3A_730, %mul3A_836 : i32
        %add3A_838 = arith.constant 7 : i32
        %add3A_839 = arith.addi %mul3A_837, %add3A_838 : i32
        %dma_start3A_840 = arith.constant 7 : i32
        %dma_start3A_841 = arith.constant 0 : i32
        %dma_start3A_842 = arith.constant 0 : i32
        %dma_start3A_843 = tpu.memref_slice %arg7[%dma_start3A_840, %dma_start3A_841, %dma_start3A_842] : memref<16x50x64xf32, #tpu.memory_space<vmem>> -> memref<1x50x64xf32, #tpu.memory_space<vmem>>
        %dma_start3A_844 = tpu.memref_squeeze %dma_start3A_843 : memref<1x50x64xf32, #tpu.memory_space<vmem>> -> memref<50x64xf32, #tpu.memory_space<vmem>>
        %dma_start3A_845 = arith.constant 0 : i32
        %dma_start3A_846 = tpu.memref_slice %arg5[%add3A_839, %dma_start3A_845] : memref<512x50xi32, #tpu.memory_space<vmem>> -> memref<1x50xi32, #tpu.memory_space<vmem>>
        %dma_start3A_847 = tpu.memref_squeeze %dma_start3A_846 : memref<1x50xi32, #tpu.memory_space<vmem>> -> memref<50xi32, #tpu.memory_space<vmem>>
        %dma_start3A_848 = arith.constant 0 : i32
        %dma_start3A_849 = arith.constant 0 : i32
        %dma_start3A_850 = tpu.memref_slice %arg2[%dma_start3A_848, %dma_start3A_849] : memref<1000001x64xf32, #tpu.memory_space<hbm>> -> memref<1000001x64xf32, #tpu.memory_space<hbm>>
        tpu.enqueue_indirect_dma source(%dma_start3A_850 : memref<1000001x64xf32, #tpu.memory_space<hbm>>) target(%dma_start3A_844 : memref<50x64xf32, #tpu.memory_space<vmem>>) offsets(%dma_start3A_847 : memref<50xi32, #tpu.memory_space<vmem>>) semaphore(%arg9 : memref<!tpu.dma_semaphore, #tpu.memory_space<semaphore_mem>>)
        %mul3A_851 = arith.constant 16 : i32
        %mul3A_852 = arith.muli %add3A_730, %mul3A_851 : i32
        %add3A_853 = arith.constant 8 : i32
        %add3A_854 = arith.addi %mul3A_852, %add3A_853 : i32
        %dma_start3A_855 = arith.constant 8 : i32
        %dma_start3A_856 = arith.constant 0 : i32
        %dma_start3A_857 = arith.constant 0 : i32
        %dma_start3A_858 = tpu.memref_slice %arg7[%dma_start3A_855, %dma_start3A_856, %dma_start3A_857] : memref<16x50x64xf32, #tpu.memory_space<vmem>> -> memref<1x50x64xf32, #tpu.memory_space<vmem>>
        %dma_start3A_859 = tpu.memref_squeeze %dma_start3A_858 : memref<1x50x64xf32, #tpu.memory_space<vmem>> -> memref<50x64xf32, #tpu.memory_space<vmem>>
        %dma_start3A_860 = arith.constant 0 : i32
        %dma_start3A_861 = tpu.memref_slice %arg5[%add3A_854, %dma_start3A_860] : memref<512x50xi32, #tpu.memory_space<vmem>> -> memref<1x50xi32, #tpu.memory_space<vmem>>
        %dma_start3A_862 = tpu.memref_squeeze %dma_start3A_861 : memref<1x50xi32, #tpu.memory_space<vmem>> -> memref<50xi32, #tpu.memory_space<vmem>>
        %dma_start3A_863 = arith.constant 0 : i32
        %dma_start3A_864 = arith.constant 0 : i32
        %dma_start3A_865 = tpu.memref_slice %arg2[%dma_start3A_863, %dma_start3A_864] : memref<1000001x64xf32, #tpu.memory_space<hbm>> -> memref<1000001x64xf32, #tpu.memory_space<hbm>>
        tpu.enqueue_indirect_dma source(%dma_start3A_865 : memref<1000001x64xf32, #tpu.memory_space<hbm>>) target(%dma_start3A_859 : memref<50x64xf32, #tpu.memory_space<vmem>>) offsets(%dma_start3A_862 : memref<50xi32, #tpu.memory_space<vmem>>) semaphore(%arg9 : memref<!tpu.dma_semaphore, #tpu.memory_space<semaphore_mem>>)
        %mul3A_866 = arith.constant 16 : i32
        %mul3A_867 = arith.muli %add3A_730, %mul3A_866 : i32
        %add3A_868 = arith.constant 9 : i32
        %add3A_869 = arith.addi %mul3A_867, %add3A_868 : i32
        %dma_start3A_870 = arith.constant 9 : i32
        %dma_start3A_871 = arith.constant 0 : i32
        %dma_start3A_872 = arith.constant 0 : i32
        %dma_start3A_873 = tpu.memref_slice %arg7[%dma_start3A_870, %dma_start3A_871, %dma_start3A_872] : memref<16x50x64xf32, #tpu.memory_space<vmem>> -> memref<1x50x64xf32, #tpu.memory_space<vmem>>
        %dma_start3A_874 = tpu.memref_squeeze %dma_start3A_873 : memref<1x50x64xf32, #tpu.memory_space<vmem>> -> memref<50x64xf32, #tpu.memory_space<vmem>>
        %dma_start3A_875 = arith.constant 0 : i32
        %dma_start3A_876 = tpu.memref_slice %arg5[%add3A_869, %dma_start3A_875] : memref<512x50xi32, #tpu.memory_space<vmem>> -> memref<1x50xi32, #tpu.memory_space<vmem>>
        %dma_start3A_877 = tpu.memref_squeeze %dma_start3A_876 : memref<1x50xi32, #tpu.memory_space<vmem>> -> memref<50xi32, #tpu.memory_space<vmem>>
        %dma_start3A_878 = arith.constant 0 : i32
        %dma_start3A_879 = arith.constant 0 : i32
        %dma_start3A_880 = tpu.memref_slice %arg2[%dma_start3A_878, %dma_start3A_879] : memref<1000001x64xf32, #tpu.memory_space<hbm>> -> memref<1000001x64xf32, #tpu.memory_space<hbm>>
        tpu.enqueue_indirect_dma source(%dma_start3A_880 : memref<1000001x64xf32, #tpu.memory_space<hbm>>) target(%dma_start3A_874 : memref<50x64xf32, #tpu.memory_space<vmem>>) offsets(%dma_start3A_877 : memref<50xi32, #tpu.memory_space<vmem>>) semaphore(%arg9 : memref<!tpu.dma_semaphore, #tpu.memory_space<semaphore_mem>>)
        %mul3A_881 = arith.constant 16 : i32
        %mul3A_882 = arith.muli %add3A_730, %mul3A_881 : i32
        %add3A_883 = arith.constant 10 : i32
        %add3A_884 = arith.addi %mul3A_882, %add3A_883 : i32
        %dma_start3A_885 = arith.constant 10 : i32
        %dma_start3A_886 = arith.constant 0 : i32
        %dma_start3A_887 = arith.constant 0 : i32
        %dma_start3A_888 = tpu.memref_slice %arg7[%dma_start3A_885, %dma_start3A_886, %dma_start3A_887] : memref<16x50x64xf32, #tpu.memory_space<vmem>> -> memref<1x50x64xf32, #tpu.memory_space<vmem>>
        %dma_start3A_889 = tpu.memref_squeeze %dma_start3A_888 : memref<1x50x64xf32, #tpu.memory_space<vmem>> -> memref<50x64xf32, #tpu.memory_space<vmem>>
        %dma_start3A_890 = arith.constant 0 : i32
        %dma_start3A_891 = tpu.memref_slice %arg5[%add3A_884, %dma_start3A_890] : memref<512x50xi32, #tpu.memory_space<vmem>> -> memref<1x50xi32, #tpu.memory_space<vmem>>
        %dma_start3A_892 = tpu.memref_squeeze %dma_start3A_891 : memref<1x50xi32, #tpu.memory_space<vmem>> -> memref<50xi32, #tpu.memory_space<vmem>>
        %dma_start3A_893 = arith.constant 0 : i32
        %dma_start3A_894 = arith.constant 0 : i32
        %dma_start3A_895 = tpu.memref_slice %arg2[%dma_start3A_893, %dma_start3A_894] : memref<1000001x64xf32, #tpu.memory_space<hbm>> -> memref<1000001x64xf32, #tpu.memory_space<hbm>>
        tpu.enqueue_indirect_dma source(%dma_start3A_895 : memref<1000001x64xf32, #tpu.memory_space<hbm>>) target(%dma_start3A_889 : memref<50x64xf32, #tpu.memory_space<vmem>>) offsets(%dma_start3A_892 : memref<50xi32, #tpu.memory_space<vmem>>) semaphore(%arg9 : memref<!tpu.dma_semaphore, #tpu.memory_space<semaphore_mem>>)
        %mul3A_896 = arith.constant 16 : i32
        %mul3A_897 = arith.muli %add3A_730, %mul3A_896 : i32
        %add3A_898 = arith.constant 11 : i32
        %add3A_899 = arith.addi %mul3A_897, %add3A_898 : i32
        %dma_start3A_900 = arith.constant 11 : i32
        %dma_start3A_901 = arith.constant 0 : i32
        %dma_start3A_902 = arith.constant 0 : i32
        %dma_start3A_903 = tpu.memref_slice %arg7[%dma_start3A_900, %dma_start3A_901, %dma_start3A_902] : memref<16x50x64xf32, #tpu.memory_space<vmem>> -> memref<1x50x64xf32, #tpu.memory_space<vmem>>
        %dma_start3A_904 = tpu.memref_squeeze %dma_start3A_903 : memref<1x50x64xf32, #tpu.memory_space<vmem>> -> memref<50x64xf32, #tpu.memory_space<vmem>>
        %dma_start3A_905 = arith.constant 0 : i32
        %dma_start3A_906 = tpu.memref_slice %arg5[%add3A_899, %dma_start3A_905] : memref<512x50xi32, #tpu.memory_space<vmem>> -> memref<1x50xi32, #tpu.memory_space<vmem>>
        %dma_start3A_907 = tpu.memref_squeeze %dma_start3A_906 : memref<1x50xi32, #tpu.memory_space<vmem>> -> memref<50xi32, #tpu.memory_space<vmem>>
        %dma_start3A_908 = arith.constant 0 : i32
        %dma_start3A_909 = arith.constant 0 : i32
        %dma_start3A_910 = tpu.memref_slice %arg2[%dma_start3A_908, %dma_start3A_909] : memref<1000001x64xf32, #tpu.memory_space<hbm>> -> memref<1000001x64xf32, #tpu.memory_space<hbm>>
        tpu.enqueue_indirect_dma source(%dma_start3A_910 : memref<1000001x64xf32, #tpu.memory_space<hbm>>) target(%dma_start3A_904 : memref<50x64xf32, #tpu.memory_space<vmem>>) offsets(%dma_start3A_907 : memref<50xi32, #tpu.memory_space<vmem>>) semaphore(%arg9 : memref<!tpu.dma_semaphore, #tpu.memory_space<semaphore_mem>>)
        %mul3A_911 = arith.constant 16 : i32
        %mul3A_912 = arith.muli %add3A_730, %mul3A_911 : i32
        %add3A_913 = arith.constant 12 : i32
        %add3A_914 = arith.addi %mul3A_912, %add3A_913 : i32
        %dma_start3A_915 = arith.constant 12 : i32
        %dma_start3A_916 = arith.constant 0 : i32
        %dma_start3A_917 = arith.constant 0 : i32
        %dma_start3A_918 = tpu.memref_slice %arg7[%dma_start3A_915, %dma_start3A_916, %dma_start3A_917] : memref<16x50x64xf32, #tpu.memory_space<vmem>> -> memref<1x50x64xf32, #tpu.memory_space<vmem>>
        %dma_start3A_919 = tpu.memref_squeeze %dma_start3A_918 : memref<1x50x64xf32, #tpu.memory_space<vmem>> -> memref<50x64xf32, #tpu.memory_space<vmem>>
        %dma_start3A_920 = arith.constant 0 : i32
        %dma_start3A_921 = tpu.memref_slice %arg5[%add3A_914, %dma_start3A_920] : memref<512x50xi32, #tpu.memory_space<vmem>> -> memref<1x50xi32, #tpu.memory_space<vmem>>
        %dma_start3A_922 = tpu.memref_squeeze %dma_start3A_921 : memref<1x50xi32, #tpu.memory_space<vmem>> -> memref<50xi32, #tpu.memory_space<vmem>>
        %dma_start3A_923 = arith.constant 0 : i32
        %dma_start3A_924 = arith.constant 0 : i32
        %dma_start3A_925 = tpu.memref_slice %arg2[%dma_start3A_923, %dma_start3A_924] : memref<1000001x64xf32, #tpu.memory_space<hbm>> -> memref<1000001x64xf32, #tpu.memory_space<hbm>>
        tpu.enqueue_indirect_dma source(%dma_start3A_925 : memref<1000001x64xf32, #tpu.memory_space<hbm>>) target(%dma_start3A_919 : memref<50x64xf32, #tpu.memory_space<vmem>>) offsets(%dma_start3A_922 : memref<50xi32, #tpu.memory_space<vmem>>) semaphore(%arg9 : memref<!tpu.dma_semaphore, #tpu.memory_space<semaphore_mem>>)
        %mul3A_926 = arith.constant 16 : i32
        %mul3A_927 = arith.muli %add3A_730, %mul3A_926 : i32
        %add3A_928 = arith.constant 13 : i32
        %add3A_929 = arith.addi %mul3A_927, %add3A_928 : i32
        %dma_start3A_930 = arith.constant 13 : i32
        %dma_start3A_931 = arith.constant 0 : i32
        %dma_start3A_932 = arith.constant 0 : i32
        %dma_start3A_933 = tpu.memref_slice %arg7[%dma_start3A_930, %dma_start3A_931, %dma_start3A_932] : memref<16x50x64xf32, #tpu.memory_space<vmem>> -> memref<1x50x64xf32, #tpu.memory_space<vmem>>
        %dma_start3A_934 = tpu.memref_squeeze %dma_start3A_933 : memref<1x50x64xf32, #tpu.memory_space<vmem>> -> memref<50x64xf32, #tpu.memory_space<vmem>>
        %dma_start3A_935 = arith.constant 0 : i32
        %dma_start3A_936 = tpu.memref_slice %arg5[%add3A_929, %dma_start3A_935] : memref<512x50xi32, #tpu.memory_space<vmem>> -> memref<1x50xi32, #tpu.memory_space<vmem>>
        %dma_start3A_937 = tpu.memref_squeeze %dma_start3A_936 : memref<1x50xi32, #tpu.memory_space<vmem>> -> memref<50xi32, #tpu.memory_space<vmem>>
        %dma_start3A_938 = arith.constant 0 : i32
        %dma_start3A_939 = arith.constant 0 : i32
        %dma_start3A_940 = tpu.memref_slice %arg2[%dma_start3A_938, %dma_start3A_939] : memref<1000001x64xf32, #tpu.memory_space<hbm>> -> memref<1000001x64xf32, #tpu.memory_space<hbm>>
        tpu.enqueue_indirect_dma source(%dma_start3A_940 : memref<1000001x64xf32, #tpu.memory_space<hbm>>) target(%dma_start3A_934 : memref<50x64xf32, #tpu.memory_space<vmem>>) offsets(%dma_start3A_937 : memref<50xi32, #tpu.memory_space<vmem>>) semaphore(%arg9 : memref<!tpu.dma_semaphore, #tpu.memory_space<semaphore_mem>>)
        %mul3A_941 = arith.constant 16 : i32
        %mul3A_942 = arith.muli %add3A_730, %mul3A_941 : i32
        %add3A_943 = arith.constant 14 : i32
        %add3A_944 = arith.addi %mul3A_942, %add3A_943 : i32
        %dma_start3A_945 = arith.constant 14 : i32
        %dma_start3A_946 = arith.constant 0 : i32
        %dma_start3A_947 = arith.constant 0 : i32
        %dma_start3A_948 = tpu.memref_slice %arg7[%dma_start3A_945, %dma_start3A_946, %dma_start3A_947] : memref<16x50x64xf32, #tpu.memory_space<vmem>> -> memref<1x50x64xf32, #tpu.memory_space<vmem>>
        %dma_start3A_949 = tpu.memref_squeeze %dma_start3A_948 : memref<1x50x64xf32, #tpu.memory_space<vmem>> -> memref<50x64xf32, #tpu.memory_space<vmem>>
        %dma_start3A_950 = arith.constant 0 : i32
        %dma_start3A_951 = tpu.memref_slice %arg5[%add3A_944, %dma_start3A_950] : memref<512x50xi32, #tpu.memory_space<vmem>> -> memref<1x50xi32, #tpu.memory_space<vmem>>
        %dma_start3A_952 = tpu.memref_squeeze %dma_start3A_951 : memref<1x50xi32, #tpu.memory_space<vmem>> -> memref<50xi32, #tpu.memory_space<vmem>>
        %dma_start3A_953 = arith.constant 0 : i32
        %dma_start3A_954 = arith.constant 0 : i32
        %dma_start3A_955 = tpu.memref_slice %arg2[%dma_start3A_953, %dma_start3A_954] : memref<1000001x64xf32, #tpu.memory_space<hbm>> -> memref<1000001x64xf32, #tpu.memory_space<hbm>>
        tpu.enqueue_indirect_dma source(%dma_start3A_955 : memref<1000001x64xf32, #tpu.memory_space<hbm>>) target(%dma_start3A_949 : memref<50x64xf32, #tpu.memory_space<vmem>>) offsets(%dma_start3A_952 : memref<50xi32, #tpu.memory_space<vmem>>) semaphore(%arg9 : memref<!tpu.dma_semaphore, #tpu.memory_space<semaphore_mem>>)
        %mul3A_956 = arith.constant 16 : i32
        %mul3A_957 = arith.muli %add3A_730, %mul3A_956 : i32
        %add3A_958 = arith.constant 15 : i32
        %add3A_959 = arith.addi %mul3A_957, %add3A_958 : i32
        %dma_start3A_960 = arith.constant 15 : i32
        %dma_start3A_961 = arith.constant 0 : i32
        %dma_start3A_962 = arith.constant 0 : i32
        %dma_start3A_963 = tpu.memref_slice %arg7[%dma_start3A_960, %dma_start3A_961, %dma_start3A_962] : memref<16x50x64xf32, #tpu.memory_space<vmem>> -> memref<1x50x64xf32, #tpu.memory_space<vmem>>
        %dma_start3A_964 = tpu.memref_squeeze %dma_start3A_963 : memref<1x50x64xf32, #tpu.memory_space<vmem>> -> memref<50x64xf32, #tpu.memory_space<vmem>>
        %dma_start3A_965 = arith.constant 0 : i32
        %dma_start3A_966 = tpu.memref_slice %arg5[%add3A_959, %dma_start3A_965] : memref<512x50xi32, #tpu.memory_space<vmem>> -> memref<1x50xi32, #tpu.memory_space<vmem>>
        %dma_start3A_967 = tpu.memref_squeeze %dma_start3A_966 : memref<1x50xi32, #tpu.memory_space<vmem>> -> memref<50xi32, #tpu.memory_space<vmem>>
        %dma_start3A_968 = arith.constant 0 : i32
        %dma_start3A_969 = arith.constant 0 : i32
        %dma_start3A_970 = tpu.memref_slice %arg2[%dma_start3A_968, %dma_start3A_969] : memref<1000001x64xf32, #tpu.memory_space<hbm>> -> memref<1000001x64xf32, #tpu.memory_space<hbm>>
        tpu.enqueue_indirect_dma source(%dma_start3A_970 : memref<1000001x64xf32, #tpu.memory_space<hbm>>) target(%dma_start3A_964 : memref<50x64xf32, #tpu.memory_space<vmem>>) offsets(%dma_start3A_967 : memref<50xi32, #tpu.memory_space<vmem>>) semaphore(%arg9 : memref<!tpu.dma_semaphore, #tpu.memory_space<semaphore_mem>>)
      } else {
      }
      %broadcast_in_dim3A = arith.constant 1 : i32
      %broadcast_in_dim3A_240 = vector.broadcast %broadcast_in_dim3A : i32 to vector<16xi32>
      %mul3A_241 = arith.constant 16 : i32
      %mul3A_242 = arith.muli %add3A_227, %mul3A_241 : i32
      %add3A_243 = arith.constant 0 : i32
      %add3A_244 = arith.addi %mul3A_242, %add3A_243 : i32
      %broadcast_in_dim3A_245 = vector.broadcast %add3A_244 : i32 to vector<16xi32>
      %gather3A = tpu.vector_load_idx %arg5[%broadcast_in_dim3A_245, %iota3A] : memref<512x50xi32, #tpu.memory_space<vmem>>[vector<16xi32>, vector<16xi32>], vector<16xi32>,
      %min3A = arith.minsi %broadcast_in_dim3A_240, %gather3A : vector<16xi32>
      %gather3A_246 = tpu.vector_load_idx %arg5[%broadcast_in_dim3A_245, %add3A_5] : memref<512x50xi32, #tpu.memory_space<vmem>>[vector<16xi32>, vector<16xi32>], vector<16xi32>,
      %min3A_247 = arith.minsi %min3A, %gather3A_246 : vector<16xi32>
      %gather3A_248 = tpu.vector_load_idx %arg5[%broadcast_in_dim3A_245, %add3A_8] : memref<512x50xi32, #tpu.memory_space<vmem>>[vector<16xi32>, vector<16xi32>], vector<16xi32>,
      %min3A_249 = arith.minsi %min3A_247, %gather3A_248 : vector<16xi32>
      %gather3A_250 = tpu.vector_load_idx %arg5[%broadcast_in_dim3A_245, %add3A_11] : memref<512x50xi32, #tpu.memory_space<vmem>>[vector<16xi32>, vector<16xi32>], vector<16xi32>,
      %min3A_251 = arith.minsi %min3A_249, %gather3A_250 : vector<16xi32>
      %mul3A_252 = arith.constant 16 : i32
      %mul3A_253 = arith.muli %add3A_227, %mul3A_252 : i32
      %add3A_254 = arith.constant 1 : i32
      %add3A_255 = arith.addi %mul3A_253, %add3A_254 : i32
      %broadcast_in_dim3A_256 = vector.broadcast %add3A_255 : i32 to vector<16xi32>
      %gather3A_257 = tpu.vector_load_idx %arg5[%broadcast_in_dim3A_256, %iota3A] : memref<512x50xi32, #tpu.memory_space<vmem>>[vector<16xi32>, vector<16xi32>], vector<16xi32>,
      %min3A_258 = arith.minsi %min3A_251, %gather3A_257 : vector<16xi32>
      %gather3A_259 = tpu.vector_load_idx %arg5[%broadcast_in_dim3A_256, %add3A_5] : memref<512x50xi32, #tpu.memory_space<vmem>>[vector<16xi32>, vector<16xi32>], vector<16xi32>,
      %min3A_260 = arith.minsi %min3A_258, %gather3A_259 : vector<16xi32>
      %gather3A_261 = tpu.vector_load_idx %arg5[%broadcast_in_dim3A_256, %add3A_8] : memref<512x50xi32, #tpu.memory_space<vmem>>[vector<16xi32>, vector<16xi32>], vector<16xi32>,
      %min3A_262 = arith.minsi %min3A_260, %gather3A_261 : vector<16xi32>
      %gather3A_263 = tpu.vector_load_idx %arg5[%broadcast_in_dim3A_256, %add3A_11] : memref<512x50xi32, #tpu.memory_space<vmem>>[vector<16xi32>, vector<16xi32>], vector<16xi32>,
      %min3A_264 = arith.minsi %min3A_262, %gather3A_263 : vector<16xi32>
      %mul3A_265 = arith.constant 16 : i32
      %mul3A_266 = arith.muli %add3A_227, %mul3A_265 : i32
      %add3A_267 = arith.constant 2 : i32
      %add3A_268 = arith.addi %mul3A_266, %add3A_267 : i32
      %broadcast_in_dim3A_269 = vector.broadcast %add3A_268 : i32 to vector<16xi32>
      %gather3A_270 = tpu.vector_load_idx %arg5[%broadcast_in_dim3A_269, %iota3A] : memref<512x50xi32, #tpu.memory_space<vmem>>[vector<16xi32>, vector<16xi32>], vector<16xi32>,
      %min3A_271 = arith.minsi %min3A_264, %gather3A_270 : vector<16xi32>
      %gather3A_272 = tpu.vector_load_idx %arg5[%broadcast_in_dim3A_269, %add3A_5] : memref<512x50xi32, #tpu.memory_space<vmem>>[vector<16xi32>, vector<16xi32>], vector<16xi32>,
      %min3A_273 = arith.minsi %min3A_271, %gather3A_272 : vector<16xi32>
      %gather3A_274 = tpu.vector_load_idx %arg5[%broadcast_in_dim3A_269, %add3A_8] : memref<512x50xi32, #tpu.memory_space<vmem>>[vector<16xi32>, vector<16xi32>], vector<16xi32>,
      %min3A_275 = arith.minsi %min3A_273, %gather3A_274 : vector<16xi32>
      %gather3A_276 = tpu.vector_load_idx %arg5[%broadcast_in_dim3A_269, %add3A_11] : memref<512x50xi32, #tpu.memory_space<vmem>>[vector<16xi32>, vector<16xi32>], vector<16xi32>,
      %min3A_277 = arith.minsi %min3A_275, %gather3A_276 : vector<16xi32>
      %mul3A_278 = arith.constant 16 : i32
      %mul3A_279 = arith.muli %add3A_227, %mul3A_278 : i32
      %add3A_280 = arith.constant 3 : i32
      %add3A_281 = arith.addi %mul3A_279, %add3A_280 : i32
      %broadcast_in_dim3A_282 = vector.broadcast %add3A_281 : i32 to vector<16xi32>
      %gather3A_283 = tpu.vector_load_idx %arg5[%broadcast_in_dim3A_282, %iota3A] : memref<512x50xi32, #tpu.memory_space<vmem>>[vector<16xi32>, vector<16xi32>], vector<16xi32>,
      %min3A_284 = arith.minsi %min3A_277, %gather3A_283 : vector<16xi32>
      %gather3A_285 = tpu.vector_load_idx %arg5[%broadcast_in_dim3A_282, %add3A_5] : memref<512x50xi32, #tpu.memory_space<vmem>>[vector<16xi32>, vector<16xi32>], vector<16xi32>,
      %min3A_286 = arith.minsi %min3A_284, %gather3A_285 : vector<16xi32>
      %gather3A_287 = tpu.vector_load_idx %arg5[%broadcast_in_dim3A_282, %add3A_8] : memref<512x50xi32, #tpu.memory_space<vmem>>[vector<16xi32>, vector<16xi32>], vector<16xi32>,
      %min3A_288 = arith.minsi %min3A_286, %gather3A_287 : vector<16xi32>
      %gather3A_289 = tpu.vector_load_idx %arg5[%broadcast_in_dim3A_282, %add3A_11] : memref<512x50xi32, #tpu.memory_space<vmem>>[vector<16xi32>, vector<16xi32>], vector<16xi32>,
      %min3A_290 = arith.minsi %min3A_288, %gather3A_289 : vector<16xi32>
      %mul3A_291 = arith.constant 16 : i32
      %mul3A_292 = arith.muli %add3A_227, %mul3A_291 : i32
      %add3A_293 = arith.constant 4 : i32
      %add3A_294 = arith.addi %mul3A_292, %add3A_293 : i32
      %broadcast_in_dim3A_295 = vector.broadcast %add3A_294 : i32 to vector<16xi32>
      %gather3A_296 = tpu.vector_load_idx %arg5[%broadcast_in_dim3A_295, %iota3A] : memref<512x50xi32, #tpu.memory_space<vmem>>[vector<16xi32>, vector<16xi32>], vector<16xi32>,
      %min3A_297 = arith.minsi %min3A_290, %gather3A_296 : vector<16xi32>
      %gather3A_298 = tpu.vector_load_idx %arg5[%broadcast_in_dim3A_295, %add3A_5] : memref<512x50xi32, #tpu.memory_space<vmem>>[vector<16xi32>, vector<16xi32>], vector<16xi32>,
      %min3A_299 = arith.minsi %min3A_297, %gather3A_298 : vector<16xi32>
      %gather3A_300 = tpu.vector_load_idx %arg5[%broadcast_in_dim3A_295, %add3A_8] : memref<512x50xi32, #tpu.memory_space<vmem>>[vector<16xi32>, vector<16xi32>], vector<16xi32>,
      %min3A_301 = arith.minsi %min3A_299, %gather3A_300 : vector<16xi32>
      %gather3A_302 = tpu.vector_load_idx %arg5[%broadcast_in_dim3A_295, %add3A_11] : memref<512x50xi32, #tpu.memory_space<vmem>>[vector<16xi32>, vector<16xi32>], vector<16xi32>,
      %min3A_303 = arith.minsi %min3A_301, %gather3A_302 : vector<16xi32>
      %mul3A_304 = arith.constant 16 : i32
      %mul3A_305 = arith.muli %add3A_227, %mul3A_304 : i32
      %add3A_306 = arith.constant 5 : i32
      %add3A_307 = arith.addi %mul3A_305, %add3A_306 : i32
      %broadcast_in_dim3A_308 = vector.broadcast %add3A_307 : i32 to vector<16xi32>
      %gather3A_309 = tpu.vector_load_idx %arg5[%broadcast_in_dim3A_308, %iota3A] : memref<512x50xi32, #tpu.memory_space<vmem>>[vector<16xi32>, vector<16xi32>], vector<16xi32>,
      %min3A_310 = arith.minsi %min3A_303, %gather3A_309 : vector<16xi32>
      %gather3A_311 = tpu.vector_load_idx %arg5[%broadcast_in_dim3A_308, %add3A_5] : memref<512x50xi32, #tpu.memory_space<vmem>>[vector<16xi32>, vector<16xi32>], vector<16xi32>,
      %min3A_312 = arith.minsi %min3A_310, %gather3A_311 : vector<16xi32>
      %gather3A_313 = tpu.vector_load_idx %arg5[%broadcast_in_dim3A_308, %add3A_8] : memref<512x50xi32, #tpu.memory_space<vmem>>[vector<16xi32>, vector<16xi32>], vector<16xi32>,
      %min3A_314 = arith.minsi %min3A_312, %gather3A_313 : vector<16xi32>
      %gather3A_315 = tpu.vector_load_idx %arg5[%broadcast_in_dim3A_308, %add3A_11] : memref<512x50xi32, #tpu.memory_space<vmem>>[vector<16xi32>, vector<16xi32>], vector<16xi32>,
      %min3A_316 = arith.minsi %min3A_314, %gather3A_315 : vector<16xi32>
      %mul3A_317 = arith.constant 16 : i32
      %mul3A_318 = arith.muli %add3A_227, %mul3A_317 : i32
      %add3A_319 = arith.constant 6 : i32
      %add3A_320 = arith.addi %mul3A_318, %add3A_319 : i32
      %broadcast_in_dim3A_321 = vector.broadcast %add3A_320 : i32 to vector<16xi32>
      %gather3A_322 = tpu.vector_load_idx %arg5[%broadcast_in_dim3A_321, %iota3A] : memref<512x50xi32, #tpu.memory_space<vmem>>[vector<16xi32>, vector<16xi32>], vector<16xi32>,
      %min3A_323 = arith.minsi %min3A_316, %gather3A_322 : vector<16xi32>
      %gather3A_324 = tpu.vector_load_idx %arg5[%broadcast_in_dim3A_321, %add3A_5] : memref<512x50xi32, #tpu.memory_space<vmem>>[vector<16xi32>, vector<16xi32>], vector<16xi32>,
      %min3A_325 = arith.minsi %min3A_323, %gather3A_324 : vector<16xi32>
      %gather3A_326 = tpu.vector_load_idx %arg5[%broadcast_in_dim3A_321, %add3A_8] : memref<512x50xi32, #tpu.memory_space<vmem>>[vector<16xi32>, vector<16xi32>], vector<16xi32>,
      %min3A_327 = arith.minsi %min3A_325, %gather3A_326 : vector<16xi32>
      %gather3A_328 = tpu.vector_load_idx %arg5[%broadcast_in_dim3A_321, %add3A_11] : memref<512x50xi32, #tpu.memory_space<vmem>>[vector<16xi32>, vector<16xi32>], vector<16xi32>,
      %min3A_329 = arith.minsi %min3A_327, %gather3A_328 : vector<16xi32>
      %mul3A_330 = arith.constant 16 : i32
      %mul3A_331 = arith.muli %add3A_227, %mul3A_330 : i32
      %add3A_332 = arith.constant 7 : i32
      %add3A_333 = arith.addi %mul3A_331, %add3A_332 : i32
      %broadcast_in_dim3A_334 = vector.broadcast %add3A_333 : i32 to vector<16xi32>
      %gather3A_335 = tpu.vector_load_idx %arg5[%broadcast_in_dim3A_334, %iota3A] : memref<512x50xi32, #tpu.memory_space<vmem>>[vector<16xi32>, vector<16xi32>], vector<16xi32>,
      %min3A_336 = arith.minsi %min3A_329, %gather3A_335 : vector<16xi32>
      %gather3A_337 = tpu.vector_load_idx %arg5[%broadcast_in_dim3A_334, %add3A_5] : memref<512x50xi32, #tpu.memory_space<vmem>>[vector<16xi32>, vector<16xi32>], vector<16xi32>,
      %min3A_338 = arith.minsi %min3A_336, %gather3A_337 : vector<16xi32>
      %gather3A_339 = tpu.vector_load_idx %arg5[%broadcast_in_dim3A_334, %add3A_8] : memref<512x50xi32, #tpu.memory_space<vmem>>[vector<16xi32>, vector<16xi32>], vector<16xi32>,
      %min3A_340 = arith.minsi %min3A_338, %gather3A_339 : vector<16xi32>
      %gather3A_341 = tpu.vector_load_idx %arg5[%broadcast_in_dim3A_334, %add3A_11] : memref<512x50xi32, #tpu.memory_space<vmem>>[vector<16xi32>, vector<16xi32>], vector<16xi32>,
      %min3A_342 = arith.minsi %min3A_340, %gather3A_341 : vector<16xi32>
      %mul3A_343 = arith.constant 16 : i32
      %mul3A_344 = arith.muli %add3A_227, %mul3A_343 : i32
      %add3A_345 = arith.constant 8 : i32
      %add3A_346 = arith.addi %mul3A_344, %add3A_345 : i32
      %broadcast_in_dim3A_347 = vector.broadcast %add3A_346 : i32 to vector<16xi32>
      %gather3A_348 = tpu.vector_load_idx %arg5[%broadcast_in_dim3A_347, %iota3A] : memref<512x50xi32, #tpu.memory_space<vmem>>[vector<16xi32>, vector<16xi32>], vector<16xi32>,
      %min3A_349 = arith.minsi %min3A_342, %gather3A_348 : vector<16xi32>
      %gather3A_350 = tpu.vector_load_idx %arg5[%broadcast_in_dim3A_347, %add3A_5] : memref<512x50xi32, #tpu.memory_space<vmem>>[vector<16xi32>, vector<16xi32>], vector<16xi32>,
      %min3A_351 = arith.minsi %min3A_349, %gather3A_350 : vector<16xi32>
      %gather3A_352 = tpu.vector_load_idx %arg5[%broadcast_in_dim3A_347, %add3A_8] : memref<512x50xi32, #tpu.memory_space<vmem>>[vector<16xi32>, vector<16xi32>], vector<16xi32>,
      %min3A_353 = arith.minsi %min3A_351, %gather3A_352 : vector<16xi32>
      %gather3A_354 = tpu.vector_load_idx %arg5[%broadcast_in_dim3A_347, %add3A_11] : memref<512x50xi32, #tpu.memory_space<vmem>>[vector<16xi32>, vector<16xi32>], vector<16xi32>,
      %min3A_355 = arith.minsi %min3A_353, %gather3A_354 : vector<16xi32>
      %mul3A_356 = arith.constant 16 : i32
      %mul3A_357 = arith.muli %add3A_227, %mul3A_356 : i32
      %add3A_358 = arith.constant 9 : i32
      %add3A_359 = arith.addi %mul3A_357, %add3A_358 : i32
      %broadcast_in_dim3A_360 = vector.broadcast %add3A_359 : i32 to vector<16xi32>
      %gather3A_361 = tpu.vector_load_idx %arg5[%broadcast_in_dim3A_360, %iota3A] : memref<512x50xi32, #tpu.memory_space<vmem>>[vector<16xi32>, vector<16xi32>], vector<16xi32>,
      %min3A_362 = arith.minsi %min3A_355, %gather3A_361 : vector<16xi32>
      %gather3A_363 = tpu.vector_load_idx %arg5[%broadcast_in_dim3A_360, %add3A_5] : memref<512x50xi32, #tpu.memory_space<vmem>>[vector<16xi32>, vector<16xi32>], vector<16xi32>,
      %min3A_364 = arith.minsi %min3A_362, %gather3A_363 : vector<16xi32>
      %gather3A_365 = tpu.vector_load_idx %arg5[%broadcast_in_dim3A_360, %add3A_8] : memref<512x50xi32, #tpu.memory_space<vmem>>[vector<16xi32>, vector<16xi32>], vector<16xi32>,
      %min3A_366 = arith.minsi %min3A_364, %gather3A_365 : vector<16xi32>
      %gather3A_367 = tpu.vector_load_idx %arg5[%broadcast_in_dim3A_360, %add3A_11] : memref<512x50xi32, #tpu.memory_space<vmem>>[vector<16xi32>, vector<16xi32>], vector<16xi32>,
      %min3A_368 = arith.minsi %min3A_366, %gather3A_367 : vector<16xi32>
      %mul3A_369 = arith.constant 16 : i32
      %mul3A_370 = arith.muli %add3A_227, %mul3A_369 : i32
      %add3A_371 = arith.constant 10 : i32
      %add3A_372 = arith.addi %mul3A_370, %add3A_371 : i32
      %broadcast_in_dim3A_373 = vector.broadcast %add3A_372 : i32 to vector<16xi32>
      %gather3A_374 = tpu.vector_load_idx %arg5[%broadcast_in_dim3A_373, %iota3A] : memref<512x50xi32, #tpu.memory_space<vmem>>[vector<16xi32>, vector<16xi32>], vector<16xi32>,
      %min3A_375 = arith.minsi %min3A_368, %gather3A_374 : vector<16xi32>
      %gather3A_376 = tpu.vector_load_idx %arg5[%broadcast_in_dim3A_373, %add3A_5] : memref<512x50xi32, #tpu.memory_space<vmem>>[vector<16xi32>, vector<16xi32>], vector<16xi32>,
      %min3A_377 = arith.minsi %min3A_375, %gather3A_376 : vector<16xi32>
      %gather3A_378 = tpu.vector_load_idx %arg5[%broadcast_in_dim3A_373, %add3A_8] : memref<512x50xi32, #tpu.memory_space<vmem>>[vector<16xi32>, vector<16xi32>], vector<16xi32>,
      %min3A_379 = arith.minsi %min3A_377, %gather3A_378 : vector<16xi32>
      %gather3A_380 = tpu.vector_load_idx %arg5[%broadcast_in_dim3A_373, %add3A_11] : memref<512x50xi32, #tpu.memory_space<vmem>>[vector<16xi32>, vector<16xi32>], vector<16xi32>,
      %min3A_381 = arith.minsi %min3A_379, %gather3A_380 : vector<16xi32>
      %mul3A_382 = arith.constant 16 : i32
      %mul3A_383 = arith.muli %add3A_227, %mul3A_382 : i32
      %add3A_384 = arith.constant 11 : i32
      %add3A_385 = arith.addi %mul3A_383, %add3A_384 : i32
      %broadcast_in_dim3A_386 = vector.broadcast %add3A_385 : i32 to vector<16xi32>
      %gather3A_387 = tpu.vector_load_idx %arg5[%broadcast_in_dim3A_386, %iota3A] : memref<512x50xi32, #tpu.memory_space<vmem>>[vector<16xi32>, vector<16xi32>], vector<16xi32>,
      %min3A_388 = arith.minsi %min3A_381, %gather3A_387 : vector<16xi32>
      %gather3A_389 = tpu.vector_load_idx %arg5[%broadcast_in_dim3A_386, %add3A_5] : memref<512x50xi32, #tpu.memory_space<vmem>>[vector<16xi32>, vector<16xi32>], vector<16xi32>,
      %min3A_390 = arith.minsi %min3A_388, %gather3A_389 : vector<16xi32>
      %gather3A_391 = tpu.vector_load_idx %arg5[%broadcast_in_dim3A_386, %add3A_8] : memref<512x50xi32, #tpu.memory_space<vmem>>[vector<16xi32>, vector<16xi32>], vector<16xi32>,
      %min3A_392 = arith.minsi %min3A_390, %gather3A_391 : vector<16xi32>
      %gather3A_393 = tpu.vector_load_idx %arg5[%broadcast_in_dim3A_386, %add3A_11] : memref<512x50xi32, #tpu.memory_space<vmem>>[vector<16xi32>, vector<16xi32>], vector<16xi32>,
      %min3A_394 = arith.minsi %min3A_392, %gather3A_393 : vector<16xi32>
      %mul3A_395 = arith.constant 16 : i32
      %mul3A_396 = arith.muli %add3A_227, %mul3A_395 : i32
      %add3A_397 = arith.constant 12 : i32
      %add3A_398 = arith.addi %mul3A_396, %add3A_397 : i32
      %broadcast_in_dim3A_399 = vector.broadcast %add3A_398 : i32 to vector<16xi32>
      %gather3A_400 = tpu.vector_load_idx %arg5[%broadcast_in_dim3A_399, %iota3A] : memref<512x50xi32, #tpu.memory_space<vmem>>[vector<16xi32>, vector<16xi32>], vector<16xi32>,
      %min3A_401 = arith.minsi %min3A_394, %gather3A_400 : vector<16xi32>
      %gather3A_402 = tpu.vector_load_idx %arg5[%broadcast_in_dim3A_399, %add3A_5] : memref<512x50xi32, #tpu.memory_space<vmem>>[vector<16xi32>, vector<16xi32>], vector<16xi32>,
      %min3A_403 = arith.minsi %min3A_401, %gather3A_402 : vector<16xi32>
      %gather3A_404 = tpu.vector_load_idx %arg5[%broadcast_in_dim3A_399, %add3A_8] : memref<512x50xi32, #tpu.memory_space<vmem>>[vector<16xi32>, vector<16xi32>], vector<16xi32>,
      %min3A_405 = arith.minsi %min3A_403, %gather3A_404 : vector<16xi32>
      %gather3A_406 = tpu.vector_load_idx %arg5[%broadcast_in_dim3A_399, %add3A_11] : memref<512x50xi32, #tpu.memory_space<vmem>>[vector<16xi32>, vector<16xi32>], vector<16xi32>,
      %min3A_407 = arith.minsi %min3A_405, %gather3A_406 : vector<16xi32>
      %mul3A_408 = arith.constant 16 : i32
      %mul3A_409 = arith.muli %add3A_227, %mul3A_408 : i32
      %add3A_410 = arith.constant 13 : i32
      %add3A_411 = arith.addi %mul3A_409, %add3A_410 : i32
      %broadcast_in_dim3A_412 = vector.broadcast %add3A_411 : i32 to vector<16xi32>
      %gather3A_413 = tpu.vector_load_idx %arg5[%broadcast_in_dim3A_412, %iota3A] : memref<512x50xi32, #tpu.memory_space<vmem>>[vector<16xi32>, vector<16xi32>], vector<16xi32>,
      %min3A_414 = arith.minsi %min3A_407, %gather3A_413 : vector<16xi32>
      %gather3A_415 = tpu.vector_load_idx %arg5[%broadcast_in_dim3A_412, %add3A_5] : memref<512x50xi32, #tpu.memory_space<vmem>>[vector<16xi32>, vector<16xi32>], vector<16xi32>,
      %min3A_416 = arith.minsi %min3A_414, %gather3A_415 : vector<16xi32>
      %gather3A_417 = tpu.vector_load_idx %arg5[%broadcast_in_dim3A_412, %add3A_8] : memref<512x50xi32, #tpu.memory_space<vmem>>[vector<16xi32>, vector<16xi32>], vector<16xi32>,
      %min3A_418 = arith.minsi %min3A_416, %gather3A_417 : vector<16xi32>
      %gather3A_419 = tpu.vector_load_idx %arg5[%broadcast_in_dim3A_412, %add3A_11] : memref<512x50xi32, #tpu.memory_space<vmem>>[vector<16xi32>, vector<16xi32>], vector<16xi32>,
      %min3A_420 = arith.minsi %min3A_418, %gather3A_419 : vector<16xi32>
      %mul3A_421 = arith.constant 16 : i32
      %mul3A_422 = arith.muli %add3A_227, %mul3A_421 : i32
      %add3A_423 = arith.constant 14 : i32
      %add3A_424 = arith.addi %mul3A_422, %add3A_423 : i32
      %broadcast_in_dim3A_425 = vector.broadcast %add3A_424 : i32 to vector<16xi32>
      %gather3A_426 = tpu.vector_load_idx %arg5[%broadcast_in_dim3A_425, %iota3A] : memref<512x50xi32, #tpu.memory_space<vmem>>[vector<16xi32>, vector<16xi32>], vector<16xi32>,
      %min3A_427 = arith.minsi %min3A_420, %gather3A_426 : vector<16xi32>
      %gather3A_428 = tpu.vector_load_idx %arg5[%broadcast_in_dim3A_425, %add3A_5] : memref<512x50xi32, #tpu.memory_space<vmem>>[vector<16xi32>, vector<16xi32>], vector<16xi32>,
      %min3A_429 = arith.minsi %min3A_427, %gather3A_428 : vector<16xi32>
      %gather3A_430 = tpu.vector_load_idx %arg5[%broadcast_in_dim3A_425, %add3A_8] : memref<512x50xi32, #tpu.memory_space<vmem>>[vector<16xi32>, vector<16xi32>], vector<16xi32>,
      %min3A_431 = arith.minsi %min3A_429, %gather3A_430 : vector<16xi32>
      %gather3A_432 = tpu.vector_load_idx %arg5[%broadcast_in_dim3A_425, %add3A_11] : memref<512x50xi32, #tpu.memory_space<vmem>>[vector<16xi32>, vector<16xi32>], vector<16xi32>,
      %min3A_433 = arith.minsi %min3A_431, %gather3A_432 : vector<16xi32>
      %mul3A_434 = arith.constant 16 : i32
      %mul3A_435 = arith.muli %add3A_227, %mul3A_434 : i32
      %add3A_436 = arith.constant 15 : i32
      %add3A_437 = arith.addi %mul3A_435, %add3A_436 : i32
      %broadcast_in_dim3A_438 = vector.broadcast %add3A_437 : i32 to vector<16xi32>
      %gather3A_439 = tpu.vector_load_idx %arg5[%broadcast_in_dim3A_438, %iota3A] : memref<512x50xi32, #tpu.memory_space<vmem>>[vector<16xi32>, vector<16xi32>], vector<16xi32>,
      %min3A_440 = arith.minsi %min3A_433, %gather3A_439 : vector<16xi32>
      %gather3A_441 = tpu.vector_load_idx %arg5[%broadcast_in_dim3A_438, %add3A_5] : memref<512x50xi32, #tpu.memory_space<vmem>>[vector<16xi32>, vector<16xi32>], vector<16xi32>,
      %min3A_442 = arith.minsi %min3A_440, %gather3A_441 : vector<16xi32>
      %gather3A_443 = tpu.vector_load_idx %arg5[%broadcast_in_dim3A_438, %add3A_8] : memref<512x50xi32, #tpu.memory_space<vmem>>[vector<16xi32>, vector<16xi32>], vector<16xi32>,
      %min3A_444 = arith.minsi %min3A_442, %gather3A_443 : vector<16xi32>
      %gather3A_445 = tpu.vector_load_idx %arg5[%broadcast_in_dim3A_438, %add3A_11] : memref<512x50xi32, #tpu.memory_space<vmem>>[vector<16xi32>, vector<16xi32>], vector<16xi32>,
      %min3A_446 = arith.minsi %min3A_444, %gather3A_445 : vector<16xi32>
      %eq3A = arith.constant 0 : i32
      %eq3A_447 = vector.broadcast %eq3A : i32 to vector<16xi32>
      %eq3A_448 = arith.cmpi eq, %min3A_446, %eq3A_447 : vector<16xi32>
      %all_reduce_population_count3A = tpu.all_reduce %eq3A_448 {dim = 0 : i64, kind = #tpu.reduction_kind<sum>} : vector<16xi1> -> vector<16xi32>
      %slice3A = vector.extract_strided_slice %all_reduce_population_count3A {offsets = [0], sizes = [1], strides = [1]} : vector<16xi32> to vector<1xi32>
      %squeeze3A = vector.extract %slice3A[0] : i32 from vector<1xi32>
      %gt3A = arith.constant 0 : i32
      %gt3A_449 = arith.cmpi sgt, %squeeze3A, %gt3A : i32
      %dma_wait3A_450 = arith.constant 0 : i32
      %dma_wait3A_451 = arith.constant 0 : i32
      %dma_wait3A_452 = arith.constant 0 : i32
      %dma_wait3A_453 = tpu.memref_slice %arg4[%dma_wait3A_450, %dma_wait3A_451, %dma_wait3A_452] : memref<16384x50x64xf32, #tpu.memory_space<hbm>> -> memref<16x50x64xf32, #tpu.memory_space<hbm>>
      %dma_wait3A_454 = arith.constant 0 : i32
      %dma_wait3A_455 = arith.constant 0 : i32
      %dma_wait3A_456 = arith.constant 0 : i32
      %dma_wait3A_457 = tpu.memref_slice %arg4[%dma_wait3A_454, %dma_wait3A_455, %dma_wait3A_456] : memref<16384x50x64xf32, #tpu.memory_space<hbm>> -> memref<16x50x64xf32, #tpu.memory_space<hbm>>
      tpu.wait_dma2 semaphore(%arg8 : memref<!tpu.dma_semaphore, #tpu.memory_space<semaphore_mem>>) src(%arg6 : memref<16x50x64xf32, #tpu.memory_space<vmem>>) dst(%dma_wait3A_457 : memref<16x50x64xf32, #tpu.memory_space<hbm>>)
      %convert_element_type3A_458 = arith.extui %gt3A_449 : i1 to i32
      %cond3A_459 = arith.constant 0 : i32
      %cond3A_460 = arith.cmpi ne, %convert_element_type3A_458, %cond3A_459 : i32
      scf.if %cond3A_460 {
        %scan3A_729 = arith.constant 0 : i32
        %scan3A_730 = arith.constant 0 : i32
        %scan3A_731 = arith.constant 800 : i32
        %scan3A_732 = arith.addi %scan3A_730, %scan3A_731 : i32
        %scan3A_733 = arith.constant 1 : i32
        scf.for %scan3A_735 = %scan3A_730 to %scan3A_732 step %scan3A_733  : i32 {
          %jit3A = arith.constant 50 : i32
          %div3A = arith.divsi %scan3A_735, %jit3A : i32
          %sign3A = arith.constant 0 : i32
          %sign3A_736 = arith.cmpi sgt, %scan3A_735, %sign3A : i32
          %sign3A_737 = arith.extui %sign3A_736 : i1 to i32
          %sign3A_738 = arith.constant 0 : i32
          %sign3A_739 = arith.cmpi slt, %scan3A_735, %sign3A_738 : i32
          %sign3A_740 = arith.extui %sign3A_739 : i1 to i32
          %sign3A_741 = arith.subi %sign3A_737, %sign3A_740 : i32
          %sign3A_742 = arith.constant 0 : i32
          %sign3A_743 = arith.cmpi sgt, %jit3A, %sign3A_742 : i32
          %sign3A_744 = arith.extui %sign3A_743 : i1 to i32
          %sign3A_745 = arith.constant 0 : i32
          %sign3A_746 = arith.cmpi slt, %jit3A, %sign3A_745 : i32
          %sign3A_747 = arith.extui %sign3A_746 : i1 to i32
          %sign3A_748 = arith.subi %sign3A_744, %sign3A_747 : i32
          %ne3A = arith.cmpi ne, %sign3A_741, %sign3A_748 : i32
          %rem3A = arith.remsi %scan3A_735, %jit3A : i32
          %ne3A_749 = arith.constant 0 : i32
          %ne3A_750 = arith.cmpi ne, %rem3A, %ne3A_749 : i32
          %and3A_751 = arith.andi %ne3A, %ne3A_750 : i1
          %sub3A = arith.constant 1 : i32
          %sub3A_752 = arith.subi %div3A, %sub3A : i32
          %select_n3A = arith.select %and3A_751, %sub3A_752, %div3A : i32
          %jit3A_753 = arith.constant 50 : i32
          %eq3A_754 = arith.constant 0 : i32
          %eq3A_755 = arith.cmpi eq, %jit3A_753, %eq3A_754 : i32
          %jit3A_756 = arith.constant 1 : i32
          %select_n3A_757 = arith.select %eq3A_755, %jit3A_756, %jit3A_753 : i32
          %rem3A_758 = arith.remsi %scan3A_735, %select_n3A_757 : i32
          %ne3A_759 = arith.constant 0 : i32
          %ne3A_760 = arith.cmpi ne, %rem3A_758, %ne3A_759 : i32
          %lt3A_761 = arith.constant 0 : i32
          %lt3A_762 = arith.cmpi slt, %rem3A_758, %lt3A_761 : i32
          %lt3A_763 = arith.constant 0 : i32
          %lt3A_764 = arith.cmpi slt, %select_n3A_757, %lt3A_763 : i32
          %ne3A_765 = arith.xori %lt3A_762, %lt3A_764 : i1
          %and3A_766 = arith.andi %ne3A_765, %ne3A_760 : i1
          %add3A_767 = arith.addi %rem3A_758, %select_n3A_757 : i32
          %select_n3A_768 = arith.select %and3A_766, %add3A_767, %rem3A_758 : i32
          %mul3A_769 = arith.constant 16 : i32
          %mul3A_770 = arith.muli %add3A_227, %mul3A_769 : i32
          %add3A_771 = arith.addi %mul3A_770, %select_n3A : i32
          %broadcast_in_dim3A_772 = vector.broadcast %add3A_771 : i32 to vector<16xi32>
          %broadcast_in_dim3A_773 = vector.broadcast %select_n3A_768 : i32 to vector<16xi32>
          %gather3A_774 = tpu.vector_load_idx %arg5[%broadcast_in_dim3A_772, %broadcast_in_dim3A_773] : memref<512x50xi32, #tpu.memory_space<vmem>>[vector<16xi32>, vector<16xi32>], vector<16xi32>,
          %eq3A_775 = arith.constant 0 : i32
          %eq3A_776 = vector.broadcast %eq3A_775 : i32 to vector<16xi32>
          %eq3A_777 = arith.cmpi eq, %gather3A_774, %eq3A_776 : vector<16xi32>
          %jit3A_778 = arith.constant 0.000000e+00 : f32
          %jit3A_779 = arith.constant 1.000000e+00 : f32
          %broadcast_in_dim3A_780 = vector.broadcast %jit3A_778 : f32 to vector<16xf32>
          %broadcast_in_dim3A_781 = vector.broadcast %jit3A_779 : f32 to vector<16xf32>
          %select_n3A_782 = arith.select %eq3A_777, %broadcast_in_dim3A_780, %broadcast_in_dim3A_781 : vector<16xi1>, vector<16xf32>
          %broadcast_in_dim3A_783 = vector.broadcast %select_n3A : i32 to vector<16xi32>
          %broadcast_in_dim3A_784 = vector.broadcast %select_n3A_768 : i32 to vector<16xi32>
          %add3A_785 = arith.constant 0 : i32
          %add3A_786 = vector.broadcast %add3A_785 : i32 to vector<16xi32>
          %add3A_787 = arith.addi %iota3A, %add3A_786 : vector<16xi32>
          %gather3A_788 = tpu.vector_load_idx %arg6[%broadcast_in_dim3A_783, %broadcast_in_dim3A_784, %add3A_787] : memref<16x50x64xf32, #tpu.memory_space<vmem>>[vector<16xi32>, vector<16xi32>, vector<16xi32>], vector<16xf32>,
          %mul3A_789 = arith.mulf %gather3A_788, %select_n3A_782 : vector<16xf32>
          tpu.vector_store_idx %arg6[%broadcast_in_dim3A_783, %broadcast_in_dim3A_784, %add3A_787], %mul3A_789 : memref<16x50x64xf32, #tpu.memory_space<vmem>>[vector<16xi32>, vector<16xi32>, vector<16xi32>], vector<16xf32>,
          %add3A_790 = arith.constant 16 : i32
          %add3A_791 = vector.broadcast %add3A_790 : i32 to vector<16xi32>
          %add3A_792 = arith.addi %iota3A, %add3A_791 : vector<16xi32>
          %gather3A_793 = tpu.vector_load_idx %arg6[%broadcast_in_dim3A_783, %broadcast_in_dim3A_784, %add3A_792] : memref<16x50x64xf32, #tpu.memory_space<vmem>>[vector<16xi32>, vector<16xi32>, vector<16xi32>], vector<16xf32>,
          %mul3A_794 = arith.mulf %gather3A_793, %select_n3A_782 : vector<16xf32>
          tpu.vector_store_idx %arg6[%broadcast_in_dim3A_783, %broadcast_in_dim3A_784, %add3A_792], %mul3A_794 : memref<16x50x64xf32, #tpu.memory_space<vmem>>[vector<16xi32>, vector<16xi32>, vector<16xi32>], vector<16xf32>,
          %add3A_795 = arith.constant 32 : i32
          %add3A_796 = vector.broadcast %add3A_795 : i32 to vector<16xi32>
          %add3A_797 = arith.addi %iota3A, %add3A_796 : vector<16xi32>
          %gather3A_798 = tpu.vector_load_idx %arg6[%broadcast_in_dim3A_783, %broadcast_in_dim3A_784, %add3A_797] : memref<16x50x64xf32, #tpu.memory_space<vmem>>[vector<16xi32>, vector<16xi32>, vector<16xi32>], vector<16xf32>,
          %mul3A_799 = arith.mulf %gather3A_798, %select_n3A_782 : vector<16xf32>
          tpu.vector_store_idx %arg6[%broadcast_in_dim3A_783, %broadcast_in_dim3A_784, %add3A_797], %mul3A_799 : memref<16x50x64xf32, #tpu.memory_space<vmem>>[vector<16xi32>, vector<16xi32>, vector<16xi32>], vector<16xf32>,
          %add3A_800 = arith.constant 48 : i32
          %add3A_801 = vector.broadcast %add3A_800 : i32 to vector<16xi32>
          %add3A_802 = arith.addi %iota3A, %add3A_801 : vector<16xi32>
          %gather3A_803 = tpu.vector_load_idx %arg6[%broadcast_in_dim3A_783, %broadcast_in_dim3A_784, %add3A_802] : memref<16x50x64xf32, #tpu.memory_space<vmem>>[vector<16xi32>, vector<16xi32>, vector<16xi32>], vector<16xf32>,
          %mul3A_804 = arith.mulf %gather3A_803, %select_n3A_782 : vector<16xf32>
          tpu.vector_store_idx %arg6[%broadcast_in_dim3A_783, %broadcast_in_dim3A_784, %add3A_802], %mul3A_804 : memref<16x50x64xf32, #tpu.memory_space<vmem>>[vector<16xi32>, vector<16xi32>, vector<16xi32>], vector<16xf32>,
        }
        %scan3A_734 = arith.constant 800 : i32
      } else {
      }
      %mul3A_461 = arith.constant 16 : i32
      %mul3A_462 = arith.muli %add3A_227, %mul3A_461 : i32
      %add3A_463 = arith.addi %mul3A_2, %mul3A_462 : i32
      %dma_start3A_464 = arith.constant 0 : i32
      %dma_start3A_465 = arith.constant 0 : i32
      %dma_start3A_466 = tpu.memref_slice %arg4[%add3A_463, %dma_start3A_464, %dma_start3A_465] : memref<16384x50x64xf32, #tpu.memory_space<hbm>> -> memref<16x50x64xf32, #tpu.memory_space<hbm>>
      %dma_start3A_467 = arith.constant 0 : i32
      %dma_start3A_468 = arith.constant 0 : i32
      %dma_start3A_469 = tpu.memref_slice %arg4[%add3A_463, %dma_start3A_467, %dma_start3A_468] : memref<16384x50x64xf32, #tpu.memory_space<hbm>> -> memref<16x50x64xf32, #tpu.memory_space<hbm>>
      tpu.enqueue_dma source(%arg6 : memref<16x50x64xf32, #tpu.memory_space<vmem>>) target(%dma_start3A_469 : memref<16x50x64xf32, #tpu.memory_space<hbm>>) target_semaphore(%arg10 : memref<!tpu.dma_semaphore, #tpu.memory_space<semaphore_mem>>)
      %mul3A_470 = arith.constant 2 : i32
      %mul3A_471 = arith.muli %scan3A_223, %mul3A_470 : i32
      %add3A_472 = arith.constant 1 : i32
      %add3A_473 = arith.addi %mul3A_471, %add3A_472 : i32
      %ge3A_474 = arith.constant 1 : i32
      %ge3A_475 = arith.cmpi sge, %add3A_473, %ge3A_474 : i32
      %add3A_476 = arith.constant 1 : i32
      %add3A_477 = arith.addi %add3A_473, %add3A_476 : i32
      %lt3A_478 = arith.constant 32 : i32
      %lt3A_479 = arith.cmpi slt, %add3A_477, %lt3A_478 : i32
      %and3A_480 = arith.andi %ge3A_475, %lt3A_479 : i1
      %convert_element_type3A_481 = arith.extui %and3A_480 : i1 to i32
      %cond3A_482 = arith.constant 0 : i32
      %cond3A_483 = arith.cmpi ne, %convert_element_type3A_481, %cond3A_482 : i32
      scf.if %cond3A_483 {
        %dma_wait3A_729 = arith.constant 0 : i32
        %dma_wait3A_730 = arith.constant 0 : i32
        %dma_wait3A_731 = arith.constant 0 : i32
        %dma_wait3A_732 = tpu.memref_slice %arg4[%dma_wait3A_729, %dma_wait3A_730, %dma_wait3A_731] : memref<16384x50x64xf32, #tpu.memory_space<hbm>> -> memref<16x50x64xf32, #tpu.memory_space<hbm>>
        %dma_wait3A_733 = arith.constant 0 : i32
        %dma_wait3A_734 = arith.constant 0 : i32
        %dma_wait3A_735 = arith.constant 0 : i32
        %dma_wait3A_736 = tpu.memref_slice %arg4[%dma_wait3A_733, %dma_wait3A_734, %dma_wait3A_735] : memref<16384x50x64xf32, #tpu.memory_space<hbm>> -> memref<16x50x64xf32, #tpu.memory_space<hbm>>
        tpu.wait_dma2 semaphore(%arg10 : memref<!tpu.dma_semaphore, #tpu.memory_space<semaphore_mem>>) src(%arg6 : memref<16x50x64xf32, #tpu.memory_space<vmem>>) dst(%dma_wait3A_736 : memref<16x50x64xf32, #tpu.memory_space<hbm>>)
      } else {
      }
      %add3A_484 = arith.constant 1 : i32
      %add3A_485 = arith.addi %add3A_473, %add3A_484 : i32
      %lt3A_486 = arith.constant 32 : i32
      %lt3A_487 = arith.cmpi slt, %add3A_485, %lt3A_486 : i32
      %convert_element_type3A_488 = arith.extui %lt3A_487 : i1 to i32
      %cond3A_489 = arith.constant 0 : i32
      %cond3A_490 = arith.cmpi ne, %convert_element_type3A_488, %cond3A_489 : i32
      scf.if %cond3A_490 {
        %add3A_729 = arith.constant 1 : i32
        %add3A_730 = arith.addi %add3A_473, %add3A_729 : i32
        %mul3A_731 = arith.constant 16 : i32
        %mul3A_732 = arith.muli %add3A_730, %mul3A_731 : i32
        %add3A_733 = arith.constant 0 : i32
        %add3A_734 = arith.addi %mul3A_732, %add3A_733 : i32
        %dma_start3A_735 = arith.constant 0 : i32
        %dma_start3A_736 = arith.constant 0 : i32
        %dma_start3A_737 = arith.constant 0 : i32
        %dma_start3A_738 = tpu.memref_slice %arg6[%dma_start3A_735, %dma_start3A_736, %dma_start3A_737] : memref<16x50x64xf32, #tpu.memory_space<vmem>> -> memref<1x50x64xf32, #tpu.memory_space<vmem>>
        %dma_start3A_739 = tpu.memref_squeeze %dma_start3A_738 : memref<1x50x64xf32, #tpu.memory_space<vmem>> -> memref<50x64xf32, #tpu.memory_space<vmem>>
        %dma_start3A_740 = arith.constant 0 : i32
        %dma_start3A_741 = tpu.memref_slice %arg5[%add3A_734, %dma_start3A_740] : memref<512x50xi32, #tpu.memory_space<vmem>> -> memref<1x50xi32, #tpu.memory_space<vmem>>
        %dma_start3A_742 = tpu.memref_squeeze %dma_start3A_741 : memref<1x50xi32, #tpu.memory_space<vmem>> -> memref<50xi32, #tpu.memory_space<vmem>>
        %dma_start3A_743 = arith.constant 0 : i32
        %dma_start3A_744 = arith.constant 0 : i32
        %dma_start3A_745 = tpu.memref_slice %arg2[%dma_start3A_743, %dma_start3A_744] : memref<1000001x64xf32, #tpu.memory_space<hbm>> -> memref<1000001x64xf32, #tpu.memory_space<hbm>>
        tpu.enqueue_indirect_dma source(%dma_start3A_745 : memref<1000001x64xf32, #tpu.memory_space<hbm>>) target(%dma_start3A_739 : memref<50x64xf32, #tpu.memory_space<vmem>>) offsets(%dma_start3A_742 : memref<50xi32, #tpu.memory_space<vmem>>) semaphore(%arg8 : memref<!tpu.dma_semaphore, #tpu.memory_space<semaphore_mem>>)
        %mul3A_746 = arith.constant 16 : i32
        %mul3A_747 = arith.muli %add3A_730, %mul3A_746 : i32
        %add3A_748 = arith.constant 1 : i32
        %add3A_749 = arith.addi %mul3A_747, %add3A_748 : i32
        %dma_start3A_750 = arith.constant 1 : i32
        %dma_start3A_751 = arith.constant 0 : i32
        %dma_start3A_752 = arith.constant 0 : i32
        %dma_start3A_753 = tpu.memref_slice %arg6[%dma_start3A_750, %dma_start3A_751, %dma_start3A_752] : memref<16x50x64xf32, #tpu.memory_space<vmem>> -> memref<1x50x64xf32, #tpu.memory_space<vmem>>
        %dma_start3A_754 = tpu.memref_squeeze %dma_start3A_753 : memref<1x50x64xf32, #tpu.memory_space<vmem>> -> memref<50x64xf32, #tpu.memory_space<vmem>>
        %dma_start3A_755 = arith.constant 0 : i32
        %dma_start3A_756 = tpu.memref_slice %arg5[%add3A_749, %dma_start3A_755] : memref<512x50xi32, #tpu.memory_space<vmem>> -> memref<1x50xi32, #tpu.memory_space<vmem>>
        %dma_start3A_757 = tpu.memref_squeeze %dma_start3A_756 : memref<1x50xi32, #tpu.memory_space<vmem>> -> memref<50xi32, #tpu.memory_space<vmem>>
        %dma_start3A_758 = arith.constant 0 : i32
        %dma_start3A_759 = arith.constant 0 : i32
        %dma_start3A_760 = tpu.memref_slice %arg2[%dma_start3A_758, %dma_start3A_759] : memref<1000001x64xf32, #tpu.memory_space<hbm>> -> memref<1000001x64xf32, #tpu.memory_space<hbm>>
        tpu.enqueue_indirect_dma source(%dma_start3A_760 : memref<1000001x64xf32, #tpu.memory_space<hbm>>) target(%dma_start3A_754 : memref<50x64xf32, #tpu.memory_space<vmem>>) offsets(%dma_start3A_757 : memref<50xi32, #tpu.memory_space<vmem>>) semaphore(%arg8 : memref<!tpu.dma_semaphore, #tpu.memory_space<semaphore_mem>>)
        %mul3A_761 = arith.constant 16 : i32
        %mul3A_762 = arith.muli %add3A_730, %mul3A_761 : i32
        %add3A_763 = arith.constant 2 : i32
        %add3A_764 = arith.addi %mul3A_762, %add3A_763 : i32
        %dma_start3A_765 = arith.constant 2 : i32
        %dma_start3A_766 = arith.constant 0 : i32
        %dma_start3A_767 = arith.constant 0 : i32
        %dma_start3A_768 = tpu.memref_slice %arg6[%dma_start3A_765, %dma_start3A_766, %dma_start3A_767] : memref<16x50x64xf32, #tpu.memory_space<vmem>> -> memref<1x50x64xf32, #tpu.memory_space<vmem>>
        %dma_start3A_769 = tpu.memref_squeeze %dma_start3A_768 : memref<1x50x64xf32, #tpu.memory_space<vmem>> -> memref<50x64xf32, #tpu.memory_space<vmem>>
        %dma_start3A_770 = arith.constant 0 : i32
        %dma_start3A_771 = tpu.memref_slice %arg5[%add3A_764, %dma_start3A_770] : memref<512x50xi32, #tpu.memory_space<vmem>> -> memref<1x50xi32, #tpu.memory_space<vmem>>
        %dma_start3A_772 = tpu.memref_squeeze %dma_start3A_771 : memref<1x50xi32, #tpu.memory_space<vmem>> -> memref<50xi32, #tpu.memory_space<vmem>>
        %dma_start3A_773 = arith.constant 0 : i32
        %dma_start3A_774 = arith.constant 0 : i32
        %dma_start3A_775 = tpu.memref_slice %arg2[%dma_start3A_773, %dma_start3A_774] : memref<1000001x64xf32, #tpu.memory_space<hbm>> -> memref<1000001x64xf32, #tpu.memory_space<hbm>>
        tpu.enqueue_indirect_dma source(%dma_start3A_775 : memref<1000001x64xf32, #tpu.memory_space<hbm>>) target(%dma_start3A_769 : memref<50x64xf32, #tpu.memory_space<vmem>>) offsets(%dma_start3A_772 : memref<50xi32, #tpu.memory_space<vmem>>) semaphore(%arg8 : memref<!tpu.dma_semaphore, #tpu.memory_space<semaphore_mem>>)
        %mul3A_776 = arith.constant 16 : i32
        %mul3A_777 = arith.muli %add3A_730, %mul3A_776 : i32
        %add3A_778 = arith.constant 3 : i32
        %add3A_779 = arith.addi %mul3A_777, %add3A_778 : i32
        %dma_start3A_780 = arith.constant 3 : i32
        %dma_start3A_781 = arith.constant 0 : i32
        %dma_start3A_782 = arith.constant 0 : i32
        %dma_start3A_783 = tpu.memref_slice %arg6[%dma_start3A_780, %dma_start3A_781, %dma_start3A_782] : memref<16x50x64xf32, #tpu.memory_space<vmem>> -> memref<1x50x64xf32, #tpu.memory_space<vmem>>
        %dma_start3A_784 = tpu.memref_squeeze %dma_start3A_783 : memref<1x50x64xf32, #tpu.memory_space<vmem>> -> memref<50x64xf32, #tpu.memory_space<vmem>>
        %dma_start3A_785 = arith.constant 0 : i32
        %dma_start3A_786 = tpu.memref_slice %arg5[%add3A_779, %dma_start3A_785] : memref<512x50xi32, #tpu.memory_space<vmem>> -> memref<1x50xi32, #tpu.memory_space<vmem>>
        %dma_start3A_787 = tpu.memref_squeeze %dma_start3A_786 : memref<1x50xi32, #tpu.memory_space<vmem>> -> memref<50xi32, #tpu.memory_space<vmem>>
        %dma_start3A_788 = arith.constant 0 : i32
        %dma_start3A_789 = arith.constant 0 : i32
        %dma_start3A_790 = tpu.memref_slice %arg2[%dma_start3A_788, %dma_start3A_789] : memref<1000001x64xf32, #tpu.memory_space<hbm>> -> memref<1000001x64xf32, #tpu.memory_space<hbm>>
        tpu.enqueue_indirect_dma source(%dma_start3A_790 : memref<1000001x64xf32, #tpu.memory_space<hbm>>) target(%dma_start3A_784 : memref<50x64xf32, #tpu.memory_space<vmem>>) offsets(%dma_start3A_787 : memref<50xi32, #tpu.memory_space<vmem>>) semaphore(%arg8 : memref<!tpu.dma_semaphore, #tpu.memory_space<semaphore_mem>>)
        %mul3A_791 = arith.constant 16 : i32
        %mul3A_792 = arith.muli %add3A_730, %mul3A_791 : i32
        %add3A_793 = arith.constant 4 : i32
        %add3A_794 = arith.addi %mul3A_792, %add3A_793 : i32
        %dma_start3A_795 = arith.constant 4 : i32
        %dma_start3A_796 = arith.constant 0 : i32
        %dma_start3A_797 = arith.constant 0 : i32
        %dma_start3A_798 = tpu.memref_slice %arg6[%dma_start3A_795, %dma_start3A_796, %dma_start3A_797] : memref<16x50x64xf32, #tpu.memory_space<vmem>> -> memref<1x50x64xf32, #tpu.memory_space<vmem>>
        %dma_start3A_799 = tpu.memref_squeeze %dma_start3A_798 : memref<1x50x64xf32, #tpu.memory_space<vmem>> -> memref<50x64xf32, #tpu.memory_space<vmem>>
        %dma_start3A_800 = arith.constant 0 : i32
        %dma_start3A_801 = tpu.memref_slice %arg5[%add3A_794, %dma_start3A_800] : memref<512x50xi32, #tpu.memory_space<vmem>> -> memref<1x50xi32, #tpu.memory_space<vmem>>
        %dma_start3A_802 = tpu.memref_squeeze %dma_start3A_801 : memref<1x50xi32, #tpu.memory_space<vmem>> -> memref<50xi32, #tpu.memory_space<vmem>>
        %dma_start3A_803 = arith.constant 0 : i32
        %dma_start3A_804 = arith.constant 0 : i32
        %dma_start3A_805 = tpu.memref_slice %arg2[%dma_start3A_803, %dma_start3A_804] : memref<1000001x64xf32, #tpu.memory_space<hbm>> -> memref<1000001x64xf32, #tpu.memory_space<hbm>>
        tpu.enqueue_indirect_dma source(%dma_start3A_805 : memref<1000001x64xf32, #tpu.memory_space<hbm>>) target(%dma_start3A_799 : memref<50x64xf32, #tpu.memory_space<vmem>>) offsets(%dma_start3A_802 : memref<50xi32, #tpu.memory_space<vmem>>) semaphore(%arg8 : memref<!tpu.dma_semaphore, #tpu.memory_space<semaphore_mem>>)
        %mul3A_806 = arith.constant 16 : i32
        %mul3A_807 = arith.muli %add3A_730, %mul3A_806 : i32
        %add3A_808 = arith.constant 5 : i32
        %add3A_809 = arith.addi %mul3A_807, %add3A_808 : i32
        %dma_start3A_810 = arith.constant 5 : i32
        %dma_start3A_811 = arith.constant 0 : i32
        %dma_start3A_812 = arith.constant 0 : i32
        %dma_start3A_813 = tpu.memref_slice %arg6[%dma_start3A_810, %dma_start3A_811, %dma_start3A_812] : memref<16x50x64xf32, #tpu.memory_space<vmem>> -> memref<1x50x64xf32, #tpu.memory_space<vmem>>
        %dma_start3A_814 = tpu.memref_squeeze %dma_start3A_813 : memref<1x50x64xf32, #tpu.memory_space<vmem>> -> memref<50x64xf32, #tpu.memory_space<vmem>>
        %dma_start3A_815 = arith.constant 0 : i32
        %dma_start3A_816 = tpu.memref_slice %arg5[%add3A_809, %dma_start3A_815] : memref<512x50xi32, #tpu.memory_space<vmem>> -> memref<1x50xi32, #tpu.memory_space<vmem>>
        %dma_start3A_817 = tpu.memref_squeeze %dma_start3A_816 : memref<1x50xi32, #tpu.memory_space<vmem>> -> memref<50xi32, #tpu.memory_space<vmem>>
        %dma_start3A_818 = arith.constant 0 : i32
        %dma_start3A_819 = arith.constant 0 : i32
        %dma_start3A_820 = tpu.memref_slice %arg2[%dma_start3A_818, %dma_start3A_819] : memref<1000001x64xf32, #tpu.memory_space<hbm>> -> memref<1000001x64xf32, #tpu.memory_space<hbm>>
        tpu.enqueue_indirect_dma source(%dma_start3A_820 : memref<1000001x64xf32, #tpu.memory_space<hbm>>) target(%dma_start3A_814 : memref<50x64xf32, #tpu.memory_space<vmem>>) offsets(%dma_start3A_817 : memref<50xi32, #tpu.memory_space<vmem>>) semaphore(%arg8 : memref<!tpu.dma_semaphore, #tpu.memory_space<semaphore_mem>>)
        %mul3A_821 = arith.constant 16 : i32
        %mul3A_822 = arith.muli %add3A_730, %mul3A_821 : i32
        %add3A_823 = arith.constant 6 : i32
        %add3A_824 = arith.addi %mul3A_822, %add3A_823 : i32
        %dma_start3A_825 = arith.constant 6 : i32
        %dma_start3A_826 = arith.constant 0 : i32
        %dma_start3A_827 = arith.constant 0 : i32
        %dma_start3A_828 = tpu.memref_slice %arg6[%dma_start3A_825, %dma_start3A_826, %dma_start3A_827] : memref<16x50x64xf32, #tpu.memory_space<vmem>> -> memref<1x50x64xf32, #tpu.memory_space<vmem>>
        %dma_start3A_829 = tpu.memref_squeeze %dma_start3A_828 : memref<1x50x64xf32, #tpu.memory_space<vmem>> -> memref<50x64xf32, #tpu.memory_space<vmem>>
        %dma_start3A_830 = arith.constant 0 : i32
        %dma_start3A_831 = tpu.memref_slice %arg5[%add3A_824, %dma_start3A_830] : memref<512x50xi32, #tpu.memory_space<vmem>> -> memref<1x50xi32, #tpu.memory_space<vmem>>
        %dma_start3A_832 = tpu.memref_squeeze %dma_start3A_831 : memref<1x50xi32, #tpu.memory_space<vmem>> -> memref<50xi32, #tpu.memory_space<vmem>>
        %dma_start3A_833 = arith.constant 0 : i32
        %dma_start3A_834 = arith.constant 0 : i32
        %dma_start3A_835 = tpu.memref_slice %arg2[%dma_start3A_833, %dma_start3A_834] : memref<1000001x64xf32, #tpu.memory_space<hbm>> -> memref<1000001x64xf32, #tpu.memory_space<hbm>>
        tpu.enqueue_indirect_dma source(%dma_start3A_835 : memref<1000001x64xf32, #tpu.memory_space<hbm>>) target(%dma_start3A_829 : memref<50x64xf32, #tpu.memory_space<vmem>>) offsets(%dma_start3A_832 : memref<50xi32, #tpu.memory_space<vmem>>) semaphore(%arg8 : memref<!tpu.dma_semaphore, #tpu.memory_space<semaphore_mem>>)
        %mul3A_836 = arith.constant 16 : i32
        %mul3A_837 = arith.muli %add3A_730, %mul3A_836 : i32
        %add3A_838 = arith.constant 7 : i32
        %add3A_839 = arith.addi %mul3A_837, %add3A_838 : i32
        %dma_start3A_840 = arith.constant 7 : i32
        %dma_start3A_841 = arith.constant 0 : i32
        %dma_start3A_842 = arith.constant 0 : i32
        %dma_start3A_843 = tpu.memref_slice %arg6[%dma_start3A_840, %dma_start3A_841, %dma_start3A_842] : memref<16x50x64xf32, #tpu.memory_space<vmem>> -> memref<1x50x64xf32, #tpu.memory_space<vmem>>
        %dma_start3A_844 = tpu.memref_squeeze %dma_start3A_843 : memref<1x50x64xf32, #tpu.memory_space<vmem>> -> memref<50x64xf32, #tpu.memory_space<vmem>>
        %dma_start3A_845 = arith.constant 0 : i32
        %dma_start3A_846 = tpu.memref_slice %arg5[%add3A_839, %dma_start3A_845] : memref<512x50xi32, #tpu.memory_space<vmem>> -> memref<1x50xi32, #tpu.memory_space<vmem>>
        %dma_start3A_847 = tpu.memref_squeeze %dma_start3A_846 : memref<1x50xi32, #tpu.memory_space<vmem>> -> memref<50xi32, #tpu.memory_space<vmem>>
        %dma_start3A_848 = arith.constant 0 : i32
        %dma_start3A_849 = arith.constant 0 : i32
        %dma_start3A_850 = tpu.memref_slice %arg2[%dma_start3A_848, %dma_start3A_849] : memref<1000001x64xf32, #tpu.memory_space<hbm>> -> memref<1000001x64xf32, #tpu.memory_space<hbm>>
        tpu.enqueue_indirect_dma source(%dma_start3A_850 : memref<1000001x64xf32, #tpu.memory_space<hbm>>) target(%dma_start3A_844 : memref<50x64xf32, #tpu.memory_space<vmem>>) offsets(%dma_start3A_847 : memref<50xi32, #tpu.memory_space<vmem>>) semaphore(%arg8 : memref<!tpu.dma_semaphore, #tpu.memory_space<semaphore_mem>>)
        %mul3A_851 = arith.constant 16 : i32
        %mul3A_852 = arith.muli %add3A_730, %mul3A_851 : i32
        %add3A_853 = arith.constant 8 : i32
        %add3A_854 = arith.addi %mul3A_852, %add3A_853 : i32
        %dma_start3A_855 = arith.constant 8 : i32
        %dma_start3A_856 = arith.constant 0 : i32
        %dma_start3A_857 = arith.constant 0 : i32
        %dma_start3A_858 = tpu.memref_slice %arg6[%dma_start3A_855, %dma_start3A_856, %dma_start3A_857] : memref<16x50x64xf32, #tpu.memory_space<vmem>> -> memref<1x50x64xf32, #tpu.memory_space<vmem>>
        %dma_start3A_859 = tpu.memref_squeeze %dma_start3A_858 : memref<1x50x64xf32, #tpu.memory_space<vmem>> -> memref<50x64xf32, #tpu.memory_space<vmem>>
        %dma_start3A_860 = arith.constant 0 : i32
        %dma_start3A_861 = tpu.memref_slice %arg5[%add3A_854, %dma_start3A_860] : memref<512x50xi32, #tpu.memory_space<vmem>> -> memref<1x50xi32, #tpu.memory_space<vmem>>
        %dma_start3A_862 = tpu.memref_squeeze %dma_start3A_861 : memref<1x50xi32, #tpu.memory_space<vmem>> -> memref<50xi32, #tpu.memory_space<vmem>>
        %dma_start3A_863 = arith.constant 0 : i32
        %dma_start3A_864 = arith.constant 0 : i32
        %dma_start3A_865 = tpu.memref_slice %arg2[%dma_start3A_863, %dma_start3A_864] : memref<1000001x64xf32, #tpu.memory_space<hbm>> -> memref<1000001x64xf32, #tpu.memory_space<hbm>>
        tpu.enqueue_indirect_dma source(%dma_start3A_865 : memref<1000001x64xf32, #tpu.memory_space<hbm>>) target(%dma_start3A_859 : memref<50x64xf32, #tpu.memory_space<vmem>>) offsets(%dma_start3A_862 : memref<50xi32, #tpu.memory_space<vmem>>) semaphore(%arg8 : memref<!tpu.dma_semaphore, #tpu.memory_space<semaphore_mem>>)
        %mul3A_866 = arith.constant 16 : i32
        %mul3A_867 = arith.muli %add3A_730, %mul3A_866 : i32
        %add3A_868 = arith.constant 9 : i32
        %add3A_869 = arith.addi %mul3A_867, %add3A_868 : i32
        %dma_start3A_870 = arith.constant 9 : i32
        %dma_start3A_871 = arith.constant 0 : i32
        %dma_start3A_872 = arith.constant 0 : i32
        %dma_start3A_873 = tpu.memref_slice %arg6[%dma_start3A_870, %dma_start3A_871, %dma_start3A_872] : memref<16x50x64xf32, #tpu.memory_space<vmem>> -> memref<1x50x64xf32, #tpu.memory_space<vmem>>
        %dma_start3A_874 = tpu.memref_squeeze %dma_start3A_873 : memref<1x50x64xf32, #tpu.memory_space<vmem>> -> memref<50x64xf32, #tpu.memory_space<vmem>>
        %dma_start3A_875 = arith.constant 0 : i32
        %dma_start3A_876 = tpu.memref_slice %arg5[%add3A_869, %dma_start3A_875] : memref<512x50xi32, #tpu.memory_space<vmem>> -> memref<1x50xi32, #tpu.memory_space<vmem>>
        %dma_start3A_877 = tpu.memref_squeeze %dma_start3A_876 : memref<1x50xi32, #tpu.memory_space<vmem>> -> memref<50xi32, #tpu.memory_space<vmem>>
        %dma_start3A_878 = arith.constant 0 : i32
        %dma_start3A_879 = arith.constant 0 : i32
        %dma_start3A_880 = tpu.memref_slice %arg2[%dma_start3A_878, %dma_start3A_879] : memref<1000001x64xf32, #tpu.memory_space<hbm>> -> memref<1000001x64xf32, #tpu.memory_space<hbm>>
        tpu.enqueue_indirect_dma source(%dma_start3A_880 : memref<1000001x64xf32, #tpu.memory_space<hbm>>) target(%dma_start3A_874 : memref<50x64xf32, #tpu.memory_space<vmem>>) offsets(%dma_start3A_877 : memref<50xi32, #tpu.memory_space<vmem>>) semaphore(%arg8 : memref<!tpu.dma_semaphore, #tpu.memory_space<semaphore_mem>>)
        %mul3A_881 = arith.constant 16 : i32
        %mul3A_882 = arith.muli %add3A_730, %mul3A_881 : i32
        %add3A_883 = arith.constant 10 : i32
        %add3A_884 = arith.addi %mul3A_882, %add3A_883 : i32
        %dma_start3A_885 = arith.constant 10 : i32
        %dma_start3A_886 = arith.constant 0 : i32
        %dma_start3A_887 = arith.constant 0 : i32
        %dma_start3A_888 = tpu.memref_slice %arg6[%dma_start3A_885, %dma_start3A_886, %dma_start3A_887] : memref<16x50x64xf32, #tpu.memory_space<vmem>> -> memref<1x50x64xf32, #tpu.memory_space<vmem>>
        %dma_start3A_889 = tpu.memref_squeeze %dma_start3A_888 : memref<1x50x64xf32, #tpu.memory_space<vmem>> -> memref<50x64xf32, #tpu.memory_space<vmem>>
        %dma_start3A_890 = arith.constant 0 : i32
        %dma_start3A_891 = tpu.memref_slice %arg5[%add3A_884, %dma_start3A_890] : memref<512x50xi32, #tpu.memory_space<vmem>> -> memref<1x50xi32, #tpu.memory_space<vmem>>
        %dma_start3A_892 = tpu.memref_squeeze %dma_start3A_891 : memref<1x50xi32, #tpu.memory_space<vmem>> -> memref<50xi32, #tpu.memory_space<vmem>>
        %dma_start3A_893 = arith.constant 0 : i32
        %dma_start3A_894 = arith.constant 0 : i32
        %dma_start3A_895 = tpu.memref_slice %arg2[%dma_start3A_893, %dma_start3A_894] : memref<1000001x64xf32, #tpu.memory_space<hbm>> -> memref<1000001x64xf32, #tpu.memory_space<hbm>>
        tpu.enqueue_indirect_dma source(%dma_start3A_895 : memref<1000001x64xf32, #tpu.memory_space<hbm>>) target(%dma_start3A_889 : memref<50x64xf32, #tpu.memory_space<vmem>>) offsets(%dma_start3A_892 : memref<50xi32, #tpu.memory_space<vmem>>) semaphore(%arg8 : memref<!tpu.dma_semaphore, #tpu.memory_space<semaphore_mem>>)
        %mul3A_896 = arith.constant 16 : i32
        %mul3A_897 = arith.muli %add3A_730, %mul3A_896 : i32
        %add3A_898 = arith.constant 11 : i32
        %add3A_899 = arith.addi %mul3A_897, %add3A_898 : i32
        %dma_start3A_900 = arith.constant 11 : i32
        %dma_start3A_901 = arith.constant 0 : i32
        %dma_start3A_902 = arith.constant 0 : i32
        %dma_start3A_903 = tpu.memref_slice %arg6[%dma_start3A_900, %dma_start3A_901, %dma_start3A_902] : memref<16x50x64xf32, #tpu.memory_space<vmem>> -> memref<1x50x64xf32, #tpu.memory_space<vmem>>
        %dma_start3A_904 = tpu.memref_squeeze %dma_start3A_903 : memref<1x50x64xf32, #tpu.memory_space<vmem>> -> memref<50x64xf32, #tpu.memory_space<vmem>>
        %dma_start3A_905 = arith.constant 0 : i32
        %dma_start3A_906 = tpu.memref_slice %arg5[%add3A_899, %dma_start3A_905] : memref<512x50xi32, #tpu.memory_space<vmem>> -> memref<1x50xi32, #tpu.memory_space<vmem>>
        %dma_start3A_907 = tpu.memref_squeeze %dma_start3A_906 : memref<1x50xi32, #tpu.memory_space<vmem>> -> memref<50xi32, #tpu.memory_space<vmem>>
        %dma_start3A_908 = arith.constant 0 : i32
        %dma_start3A_909 = arith.constant 0 : i32
        %dma_start3A_910 = tpu.memref_slice %arg2[%dma_start3A_908, %dma_start3A_909] : memref<1000001x64xf32, #tpu.memory_space<hbm>> -> memref<1000001x64xf32, #tpu.memory_space<hbm>>
        tpu.enqueue_indirect_dma source(%dma_start3A_910 : memref<1000001x64xf32, #tpu.memory_space<hbm>>) target(%dma_start3A_904 : memref<50x64xf32, #tpu.memory_space<vmem>>) offsets(%dma_start3A_907 : memref<50xi32, #tpu.memory_space<vmem>>) semaphore(%arg8 : memref<!tpu.dma_semaphore, #tpu.memory_space<semaphore_mem>>)
        %mul3A_911 = arith.constant 16 : i32
        %mul3A_912 = arith.muli %add3A_730, %mul3A_911 : i32
        %add3A_913 = arith.constant 12 : i32
        %add3A_914 = arith.addi %mul3A_912, %add3A_913 : i32
        %dma_start3A_915 = arith.constant 12 : i32
        %dma_start3A_916 = arith.constant 0 : i32
        %dma_start3A_917 = arith.constant 0 : i32
        %dma_start3A_918 = tpu.memref_slice %arg6[%dma_start3A_915, %dma_start3A_916, %dma_start3A_917] : memref<16x50x64xf32, #tpu.memory_space<vmem>> -> memref<1x50x64xf32, #tpu.memory_space<vmem>>
        %dma_start3A_919 = tpu.memref_squeeze %dma_start3A_918 : memref<1x50x64xf32, #tpu.memory_space<vmem>> -> memref<50x64xf32, #tpu.memory_space<vmem>>
        %dma_start3A_920 = arith.constant 0 : i32
        %dma_start3A_921 = tpu.memref_slice %arg5[%add3A_914, %dma_start3A_920] : memref<512x50xi32, #tpu.memory_space<vmem>> -> memref<1x50xi32, #tpu.memory_space<vmem>>
        %dma_start3A_922 = tpu.memref_squeeze %dma_start3A_921 : memref<1x50xi32, #tpu.memory_space<vmem>> -> memref<50xi32, #tpu.memory_space<vmem>>
        %dma_start3A_923 = arith.constant 0 : i32
        %dma_start3A_924 = arith.constant 0 : i32
        %dma_start3A_925 = tpu.memref_slice %arg2[%dma_start3A_923, %dma_start3A_924] : memref<1000001x64xf32, #tpu.memory_space<hbm>> -> memref<1000001x64xf32, #tpu.memory_space<hbm>>
        tpu.enqueue_indirect_dma source(%dma_start3A_925 : memref<1000001x64xf32, #tpu.memory_space<hbm>>) target(%dma_start3A_919 : memref<50x64xf32, #tpu.memory_space<vmem>>) offsets(%dma_start3A_922 : memref<50xi32, #tpu.memory_space<vmem>>) semaphore(%arg8 : memref<!tpu.dma_semaphore, #tpu.memory_space<semaphore_mem>>)
        %mul3A_926 = arith.constant 16 : i32
        %mul3A_927 = arith.muli %add3A_730, %mul3A_926 : i32
        %add3A_928 = arith.constant 13 : i32
        %add3A_929 = arith.addi %mul3A_927, %add3A_928 : i32
        %dma_start3A_930 = arith.constant 13 : i32
        %dma_start3A_931 = arith.constant 0 : i32
        %dma_start3A_932 = arith.constant 0 : i32
        %dma_start3A_933 = tpu.memref_slice %arg6[%dma_start3A_930, %dma_start3A_931, %dma_start3A_932] : memref<16x50x64xf32, #tpu.memory_space<vmem>> -> memref<1x50x64xf32, #tpu.memory_space<vmem>>
        %dma_start3A_934 = tpu.memref_squeeze %dma_start3A_933 : memref<1x50x64xf32, #tpu.memory_space<vmem>> -> memref<50x64xf32, #tpu.memory_space<vmem>>
        %dma_start3A_935 = arith.constant 0 : i32
        %dma_start3A_936 = tpu.memref_slice %arg5[%add3A_929, %dma_start3A_935] : memref<512x50xi32, #tpu.memory_space<vmem>> -> memref<1x50xi32, #tpu.memory_space<vmem>>
        %dma_start3A_937 = tpu.memref_squeeze %dma_start3A_936 : memref<1x50xi32, #tpu.memory_space<vmem>> -> memref<50xi32, #tpu.memory_space<vmem>>
        %dma_start3A_938 = arith.constant 0 : i32
        %dma_start3A_939 = arith.constant 0 : i32
        %dma_start3A_940 = tpu.memref_slice %arg2[%dma_start3A_938, %dma_start3A_939] : memref<1000001x64xf32, #tpu.memory_space<hbm>> -> memref<1000001x64xf32, #tpu.memory_space<hbm>>
        tpu.enqueue_indirect_dma source(%dma_start3A_940 : memref<1000001x64xf32, #tpu.memory_space<hbm>>) target(%dma_start3A_934 : memref<50x64xf32, #tpu.memory_space<vmem>>) offsets(%dma_start3A_937 : memref<50xi32, #tpu.memory_space<vmem>>) semaphore(%arg8 : memref<!tpu.dma_semaphore, #tpu.memory_space<semaphore_mem>>)
        %mul3A_941 = arith.constant 16 : i32
        %mul3A_942 = arith.muli %add3A_730, %mul3A_941 : i32
        %add3A_943 = arith.constant 14 : i32
        %add3A_944 = arith.addi %mul3A_942, %add3A_943 : i32
        %dma_start3A_945 = arith.constant 14 : i32
        %dma_start3A_946 = arith.constant 0 : i32
        %dma_start3A_947 = arith.constant 0 : i32
        %dma_start3A_948 = tpu.memref_slice %arg6[%dma_start3A_945, %dma_start3A_946, %dma_start3A_947] : memref<16x50x64xf32, #tpu.memory_space<vmem>> -> memref<1x50x64xf32, #tpu.memory_space<vmem>>
        %dma_start3A_949 = tpu.memref_squeeze %dma_start3A_948 : memref<1x50x64xf32, #tpu.memory_space<vmem>> -> memref<50x64xf32, #tpu.memory_space<vmem>>
        %dma_start3A_950 = arith.constant 0 : i32
        %dma_start3A_951 = tpu.memref_slice %arg5[%add3A_944, %dma_start3A_950] : memref<512x50xi32, #tpu.memory_space<vmem>> -> memref<1x50xi32, #tpu.memory_space<vmem>>
        %dma_start3A_952 = tpu.memref_squeeze %dma_start3A_951 : memref<1x50xi32, #tpu.memory_space<vmem>> -> memref<50xi32, #tpu.memory_space<vmem>>
        %dma_start3A_953 = arith.constant 0 : i32
        %dma_start3A_954 = arith.constant 0 : i32
        %dma_start3A_955 = tpu.memref_slice %arg2[%dma_start3A_953, %dma_start3A_954] : memref<1000001x64xf32, #tpu.memory_space<hbm>> -> memref<1000001x64xf32, #tpu.memory_space<hbm>>
        tpu.enqueue_indirect_dma source(%dma_start3A_955 : memref<1000001x64xf32, #tpu.memory_space<hbm>>) target(%dma_start3A_949 : memref<50x64xf32, #tpu.memory_space<vmem>>) offsets(%dma_start3A_952 : memref<50xi32, #tpu.memory_space<vmem>>) semaphore(%arg8 : memref<!tpu.dma_semaphore, #tpu.memory_space<semaphore_mem>>)
        %mul3A_956 = arith.constant 16 : i32
        %mul3A_957 = arith.muli %add3A_730, %mul3A_956 : i32
        %add3A_958 = arith.constant 15 : i32
        %add3A_959 = arith.addi %mul3A_957, %add3A_958 : i32
        %dma_start3A_960 = arith.constant 15 : i32
        %dma_start3A_961 = arith.constant 0 : i32
        %dma_start3A_962 = arith.constant 0 : i32
        %dma_start3A_963 = tpu.memref_slice %arg6[%dma_start3A_960, %dma_start3A_961, %dma_start3A_962] : memref<16x50x64xf32, #tpu.memory_space<vmem>> -> memref<1x50x64xf32, #tpu.memory_space<vmem>>
        %dma_start3A_964 = tpu.memref_squeeze %dma_start3A_963 : memref<1x50x64xf32, #tpu.memory_space<vmem>> -> memref<50x64xf32, #tpu.memory_space<vmem>>
        %dma_start3A_965 = arith.constant 0 : i32
        %dma_start3A_966 = tpu.memref_slice %arg5[%add3A_959, %dma_start3A_965] : memref<512x50xi32, #tpu.memory_space<vmem>> -> memref<1x50xi32, #tpu.memory_space<vmem>>
        %dma_start3A_967 = tpu.memref_squeeze %dma_start3A_966 : memref<1x50xi32, #tpu.memory_space<vmem>> -> memref<50xi32, #tpu.memory_space<vmem>>
        %dma_start3A_968 = arith.constant 0 : i32
        %dma_start3A_969 = arith.constant 0 : i32
        %dma_start3A_970 = tpu.memref_slice %arg2[%dma_start3A_968, %dma_start3A_969] : memref<1000001x64xf32, #tpu.memory_space<hbm>> -> memref<1000001x64xf32, #tpu.memory_space<hbm>>
        tpu.enqueue_indirect_dma source(%dma_start3A_970 : memref<1000001x64xf32, #tpu.memory_space<hbm>>) target(%dma_start3A_964 : memref<50x64xf32, #tpu.memory_space<vmem>>) offsets(%dma_start3A_967 : memref<50xi32, #tpu.memory_space<vmem>>) semaphore(%arg8 : memref<!tpu.dma_semaphore, #tpu.memory_space<semaphore_mem>>)
      } else {
      }
      %broadcast_in_dim3A_491 = arith.constant 1 : i32
      %broadcast_in_dim3A_492 = vector.broadcast %broadcast_in_dim3A_491 : i32 to vector<16xi32>
      %mul3A_493 = arith.constant 16 : i32
      %mul3A_494 = arith.muli %add3A_473, %mul3A_493 : i32
      %add3A_495 = arith.constant 0 : i32
      %add3A_496 = arith.addi %mul3A_494, %add3A_495 : i32
      %broadcast_in_dim3A_497 = vector.broadcast %add3A_496 : i32 to vector<16xi32>
      %gather3A_498 = tpu.vector_load_idx %arg5[%broadcast_in_dim3A_497, %iota3A] : memref<512x50xi32, #tpu.memory_space<vmem>>[vector<16xi32>, vector<16xi32>], vector<16xi32>,
      %min3A_499 = arith.minsi %broadcast_in_dim3A_492, %gather3A_498 : vector<16xi32>
      %gather3A_500 = tpu.vector_load_idx %arg5[%broadcast_in_dim3A_497, %add3A_5] : memref<512x50xi32, #tpu.memory_space<vmem>>[vector<16xi32>, vector<16xi32>], vector<16xi32>,
      %min3A_501 = arith.minsi %min3A_499, %gather3A_500 : vector<16xi32>
      %gather3A_502 = tpu.vector_load_idx %arg5[%broadcast_in_dim3A_497, %add3A_8] : memref<512x50xi32, #tpu.memory_space<vmem>>[vector<16xi32>, vector<16xi32>], vector<16xi32>,
      %min3A_503 = arith.minsi %min3A_501, %gather3A_502 : vector<16xi32>
      %gather3A_504 = tpu.vector_load_idx %arg5[%broadcast_in_dim3A_497, %add3A_11] : memref<512x50xi32, #tpu.memory_space<vmem>>[vector<16xi32>, vector<16xi32>], vector<16xi32>,
      %min3A_505 = arith.minsi %min3A_503, %gather3A_504 : vector<16xi32>
      %mul3A_506 = arith.constant 16 : i32
      %mul3A_507 = arith.muli %add3A_473, %mul3A_506 : i32
      %add3A_508 = arith.constant 1 : i32
      %add3A_509 = arith.addi %mul3A_507, %add3A_508 : i32
      %broadcast_in_dim3A_510 = vector.broadcast %add3A_509 : i32 to vector<16xi32>
      %gather3A_511 = tpu.vector_load_idx %arg5[%broadcast_in_dim3A_510, %iota3A] : memref<512x50xi32, #tpu.memory_space<vmem>>[vector<16xi32>, vector<16xi32>], vector<16xi32>,
      %min3A_512 = arith.minsi %min3A_505, %gather3A_511 : vector<16xi32>
      %gather3A_513 = tpu.vector_load_idx %arg5[%broadcast_in_dim3A_510, %add3A_5] : memref<512x50xi32, #tpu.memory_space<vmem>>[vector<16xi32>, vector<16xi32>], vector<16xi32>,
      %min3A_514 = arith.minsi %min3A_512, %gather3A_513 : vector<16xi32>
      %gather3A_515 = tpu.vector_load_idx %arg5[%broadcast_in_dim3A_510, %add3A_8] : memref<512x50xi32, #tpu.memory_space<vmem>>[vector<16xi32>, vector<16xi32>], vector<16xi32>,
      %min3A_516 = arith.minsi %min3A_514, %gather3A_515 : vector<16xi32>
      %gather3A_517 = tpu.vector_load_idx %arg5[%broadcast_in_dim3A_510, %add3A_11] : memref<512x50xi32, #tpu.memory_space<vmem>>[vector<16xi32>, vector<16xi32>], vector<16xi32>,
      %min3A_518 = arith.minsi %min3A_516, %gather3A_517 : vector<16xi32>
      %mul3A_519 = arith.constant 16 : i32
      %mul3A_520 = arith.muli %add3A_473, %mul3A_519 : i32
      %add3A_521 = arith.constant 2 : i32
      %add3A_522 = arith.addi %mul3A_520, %add3A_521 : i32
      %broadcast_in_dim3A_523 = vector.broadcast %add3A_522 : i32 to vector<16xi32>
      %gather3A_524 = tpu.vector_load_idx %arg5[%broadcast_in_dim3A_523, %iota3A] : memref<512x50xi32, #tpu.memory_space<vmem>>[vector<16xi32>, vector<16xi32>], vector<16xi32>,
      %min3A_525 = arith.minsi %min3A_518, %gather3A_524 : vector<16xi32>
      %gather3A_526 = tpu.vector_load_idx %arg5[%broadcast_in_dim3A_523, %add3A_5] : memref<512x50xi32, #tpu.memory_space<vmem>>[vector<16xi32>, vector<16xi32>], vector<16xi32>,
      %min3A_527 = arith.minsi %min3A_525, %gather3A_526 : vector<16xi32>
      %gather3A_528 = tpu.vector_load_idx %arg5[%broadcast_in_dim3A_523, %add3A_8] : memref<512x50xi32, #tpu.memory_space<vmem>>[vector<16xi32>, vector<16xi32>], vector<16xi32>,
      %min3A_529 = arith.minsi %min3A_527, %gather3A_528 : vector<16xi32>
      %gather3A_530 = tpu.vector_load_idx %arg5[%broadcast_in_dim3A_523, %add3A_11] : memref<512x50xi32, #tpu.memory_space<vmem>>[vector<16xi32>, vector<16xi32>], vector<16xi32>,
      %min3A_531 = arith.minsi %min3A_529, %gather3A_530 : vector<16xi32>
      %mul3A_532 = arith.constant 16 : i32
      %mul3A_533 = arith.muli %add3A_473, %mul3A_532 : i32
      %add3A_534 = arith.constant 3 : i32
      %add3A_535 = arith.addi %mul3A_533, %add3A_534 : i32
      %broadcast_in_dim3A_536 = vector.broadcast %add3A_535 : i32 to vector<16xi32>
      %gather3A_537 = tpu.vector_load_idx %arg5[%broadcast_in_dim3A_536, %iota3A] : memref<512x50xi32, #tpu.memory_space<vmem>>[vector<16xi32>, vector<16xi32>], vector<16xi32>,
      %min3A_538 = arith.minsi %min3A_531, %gather3A_537 : vector<16xi32>
      %gather3A_539 = tpu.vector_load_idx %arg5[%broadcast_in_dim3A_536, %add3A_5] : memref<512x50xi32, #tpu.memory_space<vmem>>[vector<16xi32>, vector<16xi32>], vector<16xi32>,
      %min3A_540 = arith.minsi %min3A_538, %gather3A_539 : vector<16xi32>
      %gather3A_541 = tpu.vector_load_idx %arg5[%broadcast_in_dim3A_536, %add3A_8] : memref<512x50xi32, #tpu.memory_space<vmem>>[vector<16xi32>, vector<16xi32>], vector<16xi32>,
      %min3A_542 = arith.minsi %min3A_540, %gather3A_541 : vector<16xi32>
      %gather3A_543 = tpu.vector_load_idx %arg5[%broadcast_in_dim3A_536, %add3A_11] : memref<512x50xi32, #tpu.memory_space<vmem>>[vector<16xi32>, vector<16xi32>], vector<16xi32>,
      %min3A_544 = arith.minsi %min3A_542, %gather3A_543 : vector<16xi32>
      %mul3A_545 = arith.constant 16 : i32
      %mul3A_546 = arith.muli %add3A_473, %mul3A_545 : i32
      %add3A_547 = arith.constant 4 : i32
      %add3A_548 = arith.addi %mul3A_546, %add3A_547 : i32
      %broadcast_in_dim3A_549 = vector.broadcast %add3A_548 : i32 to vector<16xi32>
      %gather3A_550 = tpu.vector_load_idx %arg5[%broadcast_in_dim3A_549, %iota3A] : memref<512x50xi32, #tpu.memory_space<vmem>>[vector<16xi32>, vector<16xi32>], vector<16xi32>,
      %min3A_551 = arith.minsi %min3A_544, %gather3A_550 : vector<16xi32>
      %gather3A_552 = tpu.vector_load_idx %arg5[%broadcast_in_dim3A_549, %add3A_5] : memref<512x50xi32, #tpu.memory_space<vmem>>[vector<16xi32>, vector<16xi32>], vector<16xi32>,
      %min3A_553 = arith.minsi %min3A_551, %gather3A_552 : vector<16xi32>
      %gather3A_554 = tpu.vector_load_idx %arg5[%broadcast_in_dim3A_549, %add3A_8] : memref<512x50xi32, #tpu.memory_space<vmem>>[vector<16xi32>, vector<16xi32>], vector<16xi32>,
      %min3A_555 = arith.minsi %min3A_553, %gather3A_554 : vector<16xi32>
      %gather3A_556 = tpu.vector_load_idx %arg5[%broadcast_in_dim3A_549, %add3A_11] : memref<512x50xi32, #tpu.memory_space<vmem>>[vector<16xi32>, vector<16xi32>], vector<16xi32>,
      %min3A_557 = arith.minsi %min3A_555, %gather3A_556 : vector<16xi32>
      %mul3A_558 = arith.constant 16 : i32
      %mul3A_559 = arith.muli %add3A_473, %mul3A_558 : i32
      %add3A_560 = arith.constant 5 : i32
      %add3A_561 = arith.addi %mul3A_559, %add3A_560 : i32
      %broadcast_in_dim3A_562 = vector.broadcast %add3A_561 : i32 to vector<16xi32>
      %gather3A_563 = tpu.vector_load_idx %arg5[%broadcast_in_dim3A_562, %iota3A] : memref<512x50xi32, #tpu.memory_space<vmem>>[vector<16xi32>, vector<16xi32>], vector<16xi32>,
      %min3A_564 = arith.minsi %min3A_557, %gather3A_563 : vector<16xi32>
      %gather3A_565 = tpu.vector_load_idx %arg5[%broadcast_in_dim3A_562, %add3A_5] : memref<512x50xi32, #tpu.memory_space<vmem>>[vector<16xi32>, vector<16xi32>], vector<16xi32>,
      %min3A_566 = arith.minsi %min3A_564, %gather3A_565 : vector<16xi32>
      %gather3A_567 = tpu.vector_load_idx %arg5[%broadcast_in_dim3A_562, %add3A_8] : memref<512x50xi32, #tpu.memory_space<vmem>>[vector<16xi32>, vector<16xi32>], vector<16xi32>,
      %min3A_568 = arith.minsi %min3A_566, %gather3A_567 : vector<16xi32>
      %gather3A_569 = tpu.vector_load_idx %arg5[%broadcast_in_dim3A_562, %add3A_11] : memref<512x50xi32, #tpu.memory_space<vmem>>[vector<16xi32>, vector<16xi32>], vector<16xi32>,
      %min3A_570 = arith.minsi %min3A_568, %gather3A_569 : vector<16xi32>
      %mul3A_571 = arith.constant 16 : i32
      %mul3A_572 = arith.muli %add3A_473, %mul3A_571 : i32
      %add3A_573 = arith.constant 6 : i32
      %add3A_574 = arith.addi %mul3A_572, %add3A_573 : i32
      %broadcast_in_dim3A_575 = vector.broadcast %add3A_574 : i32 to vector<16xi32>
      %gather3A_576 = tpu.vector_load_idx %arg5[%broadcast_in_dim3A_575, %iota3A] : memref<512x50xi32, #tpu.memory_space<vmem>>[vector<16xi32>, vector<16xi32>], vector<16xi32>,
      %min3A_577 = arith.minsi %min3A_570, %gather3A_576 : vector<16xi32>
      %gather3A_578 = tpu.vector_load_idx %arg5[%broadcast_in_dim3A_575, %add3A_5] : memref<512x50xi32, #tpu.memory_space<vmem>>[vector<16xi32>, vector<16xi32>], vector<16xi32>,
      %min3A_579 = arith.minsi %min3A_577, %gather3A_578 : vector<16xi32>
      %gather3A_580 = tpu.vector_load_idx %arg5[%broadcast_in_dim3A_575, %add3A_8] : memref<512x50xi32, #tpu.memory_space<vmem>>[vector<16xi32>, vector<16xi32>], vector<16xi32>,
      %min3A_581 = arith.minsi %min3A_579, %gather3A_580 : vector<16xi32>
      %gather3A_582 = tpu.vector_load_idx %arg5[%broadcast_in_dim3A_575, %add3A_11] : memref<512x50xi32, #tpu.memory_space<vmem>>[vector<16xi32>, vector<16xi32>], vector<16xi32>,
      %min3A_583 = arith.minsi %min3A_581, %gather3A_582 : vector<16xi32>
      %mul3A_584 = arith.constant 16 : i32
      %mul3A_585 = arith.muli %add3A_473, %mul3A_584 : i32
      %add3A_586 = arith.constant 7 : i32
      %add3A_587 = arith.addi %mul3A_585, %add3A_586 : i32
      %broadcast_in_dim3A_588 = vector.broadcast %add3A_587 : i32 to vector<16xi32>
      %gather3A_589 = tpu.vector_load_idx %arg5[%broadcast_in_dim3A_588, %iota3A] : memref<512x50xi32, #tpu.memory_space<vmem>>[vector<16xi32>, vector<16xi32>], vector<16xi32>,
      %min3A_590 = arith.minsi %min3A_583, %gather3A_589 : vector<16xi32>
      %gather3A_591 = tpu.vector_load_idx %arg5[%broadcast_in_dim3A_588, %add3A_5] : memref<512x50xi32, #tpu.memory_space<vmem>>[vector<16xi32>, vector<16xi32>], vector<16xi32>,
      %min3A_592 = arith.minsi %min3A_590, %gather3A_591 : vector<16xi32>
      %gather3A_593 = tpu.vector_load_idx %arg5[%broadcast_in_dim3A_588, %add3A_8] : memref<512x50xi32, #tpu.memory_space<vmem>>[vector<16xi32>, vector<16xi32>], vector<16xi32>,
      %min3A_594 = arith.minsi %min3A_592, %gather3A_593 : vector<16xi32>
      %gather3A_595 = tpu.vector_load_idx %arg5[%broadcast_in_dim3A_588, %add3A_11] : memref<512x50xi32, #tpu.memory_space<vmem>>[vector<16xi32>, vector<16xi32>], vector<16xi32>,
      %min3A_596 = arith.minsi %min3A_594, %gather3A_595 : vector<16xi32>
      %mul3A_597 = arith.constant 16 : i32
      %mul3A_598 = arith.muli %add3A_473, %mul3A_597 : i32
      %add3A_599 = arith.constant 8 : i32
      %add3A_600 = arith.addi %mul3A_598, %add3A_599 : i32
      %broadcast_in_dim3A_601 = vector.broadcast %add3A_600 : i32 to vector<16xi32>
      %gather3A_602 = tpu.vector_load_idx %arg5[%broadcast_in_dim3A_601, %iota3A] : memref<512x50xi32, #tpu.memory_space<vmem>>[vector<16xi32>, vector<16xi32>], vector<16xi32>,
      %min3A_603 = arith.minsi %min3A_596, %gather3A_602 : vector<16xi32>
      %gather3A_604 = tpu.vector_load_idx %arg5[%broadcast_in_dim3A_601, %add3A_5] : memref<512x50xi32, #tpu.memory_space<vmem>>[vector<16xi32>, vector<16xi32>], vector<16xi32>,
      %min3A_605 = arith.minsi %min3A_603, %gather3A_604 : vector<16xi32>
      %gather3A_606 = tpu.vector_load_idx %arg5[%broadcast_in_dim3A_601, %add3A_8] : memref<512x50xi32, #tpu.memory_space<vmem>>[vector<16xi32>, vector<16xi32>], vector<16xi32>,
      %min3A_607 = arith.minsi %min3A_605, %gather3A_606 : vector<16xi32>
      %gather3A_608 = tpu.vector_load_idx %arg5[%broadcast_in_dim3A_601, %add3A_11] : memref<512x50xi32, #tpu.memory_space<vmem>>[vector<16xi32>, vector<16xi32>], vector<16xi32>,
      %min3A_609 = arith.minsi %min3A_607, %gather3A_608 : vector<16xi32>
      %mul3A_610 = arith.constant 16 : i32
      %mul3A_611 = arith.muli %add3A_473, %mul3A_610 : i32
      %add3A_612 = arith.constant 9 : i32
      %add3A_613 = arith.addi %mul3A_611, %add3A_612 : i32
      %broadcast_in_dim3A_614 = vector.broadcast %add3A_613 : i32 to vector<16xi32>
      %gather3A_615 = tpu.vector_load_idx %arg5[%broadcast_in_dim3A_614, %iota3A] : memref<512x50xi32, #tpu.memory_space<vmem>>[vector<16xi32>, vector<16xi32>], vector<16xi32>,
      %min3A_616 = arith.minsi %min3A_609, %gather3A_615 : vector<16xi32>
      %gather3A_617 = tpu.vector_load_idx %arg5[%broadcast_in_dim3A_614, %add3A_5] : memref<512x50xi32, #tpu.memory_space<vmem>>[vector<16xi32>, vector<16xi32>], vector<16xi32>,
      %min3A_618 = arith.minsi %min3A_616, %gather3A_617 : vector<16xi32>
      %gather3A_619 = tpu.vector_load_idx %arg5[%broadcast_in_dim3A_614, %add3A_8] : memref<512x50xi32, #tpu.memory_space<vmem>>[vector<16xi32>, vector<16xi32>], vector<16xi32>,
      %min3A_620 = arith.minsi %min3A_618, %gather3A_619 : vector<16xi32>
      %gather3A_621 = tpu.vector_load_idx %arg5[%broadcast_in_dim3A_614, %add3A_11] : memref<512x50xi32, #tpu.memory_space<vmem>>[vector<16xi32>, vector<16xi32>], vector<16xi32>,
      %min3A_622 = arith.minsi %min3A_620, %gather3A_621 : vector<16xi32>
      %mul3A_623 = arith.constant 16 : i32
      %mul3A_624 = arith.muli %add3A_473, %mul3A_623 : i32
      %add3A_625 = arith.constant 10 : i32
      %add3A_626 = arith.addi %mul3A_624, %add3A_625 : i32
      %broadcast_in_dim3A_627 = vector.broadcast %add3A_626 : i32 to vector<16xi32>
      %gather3A_628 = tpu.vector_load_idx %arg5[%broadcast_in_dim3A_627, %iota3A] : memref<512x50xi32, #tpu.memory_space<vmem>>[vector<16xi32>, vector<16xi32>], vector<16xi32>,
      %min3A_629 = arith.minsi %min3A_622, %gather3A_628 : vector<16xi32>
      %gather3A_630 = tpu.vector_load_idx %arg5[%broadcast_in_dim3A_627, %add3A_5] : memref<512x50xi32, #tpu.memory_space<vmem>>[vector<16xi32>, vector<16xi32>], vector<16xi32>,
      %min3A_631 = arith.minsi %min3A_629, %gather3A_630 : vector<16xi32>
      %gather3A_632 = tpu.vector_load_idx %arg5[%broadcast_in_dim3A_627, %add3A_8] : memref<512x50xi32, #tpu.memory_space<vmem>>[vector<16xi32>, vector<16xi32>], vector<16xi32>,
      %min3A_633 = arith.minsi %min3A_631, %gather3A_632 : vector<16xi32>
      %gather3A_634 = tpu.vector_load_idx %arg5[%broadcast_in_dim3A_627, %add3A_11] : memref<512x50xi32, #tpu.memory_space<vmem>>[vector<16xi32>, vector<16xi32>], vector<16xi32>,
      %min3A_635 = arith.minsi %min3A_633, %gather3A_634 : vector<16xi32>
      %mul3A_636 = arith.constant 16 : i32
      %mul3A_637 = arith.muli %add3A_473, %mul3A_636 : i32
      %add3A_638 = arith.constant 11 : i32
      %add3A_639 = arith.addi %mul3A_637, %add3A_638 : i32
      %broadcast_in_dim3A_640 = vector.broadcast %add3A_639 : i32 to vector<16xi32>
      %gather3A_641 = tpu.vector_load_idx %arg5[%broadcast_in_dim3A_640, %iota3A] : memref<512x50xi32, #tpu.memory_space<vmem>>[vector<16xi32>, vector<16xi32>], vector<16xi32>,
      %min3A_642 = arith.minsi %min3A_635, %gather3A_641 : vector<16xi32>
      %gather3A_643 = tpu.vector_load_idx %arg5[%broadcast_in_dim3A_640, %add3A_5] : memref<512x50xi32, #tpu.memory_space<vmem>>[vector<16xi32>, vector<16xi32>], vector<16xi32>,
      %min3A_644 = arith.minsi %min3A_642, %gather3A_643 : vector<16xi32>
      %gather3A_645 = tpu.vector_load_idx %arg5[%broadcast_in_dim3A_640, %add3A_8] : memref<512x50xi32, #tpu.memory_space<vmem>>[vector<16xi32>, vector<16xi32>], vector<16xi32>,
      %min3A_646 = arith.minsi %min3A_644, %gather3A_645 : vector<16xi32>
      %gather3A_647 = tpu.vector_load_idx %arg5[%broadcast_in_dim3A_640, %add3A_11] : memref<512x50xi32, #tpu.memory_space<vmem>>[vector<16xi32>, vector<16xi32>], vector<16xi32>,
      %min3A_648 = arith.minsi %min3A_646, %gather3A_647 : vector<16xi32>
      %mul3A_649 = arith.constant 16 : i32
      %mul3A_650 = arith.muli %add3A_473, %mul3A_649 : i32
      %add3A_651 = arith.constant 12 : i32
      %add3A_652 = arith.addi %mul3A_650, %add3A_651 : i32
      %broadcast_in_dim3A_653 = vector.broadcast %add3A_652 : i32 to vector<16xi32>
      %gather3A_654 = tpu.vector_load_idx %arg5[%broadcast_in_dim3A_653, %iota3A] : memref<512x50xi32, #tpu.memory_space<vmem>>[vector<16xi32>, vector<16xi32>], vector<16xi32>,
      %min3A_655 = arith.minsi %min3A_648, %gather3A_654 : vector<16xi32>
      %gather3A_656 = tpu.vector_load_idx %arg5[%broadcast_in_dim3A_653, %add3A_5] : memref<512x50xi32, #tpu.memory_space<vmem>>[vector<16xi32>, vector<16xi32>], vector<16xi32>,
      %min3A_657 = arith.minsi %min3A_655, %gather3A_656 : vector<16xi32>
      %gather3A_658 = tpu.vector_load_idx %arg5[%broadcast_in_dim3A_653, %add3A_8] : memref<512x50xi32, #tpu.memory_space<vmem>>[vector<16xi32>, vector<16xi32>], vector<16xi32>,
      %min3A_659 = arith.minsi %min3A_657, %gather3A_658 : vector<16xi32>
      %gather3A_660 = tpu.vector_load_idx %arg5[%broadcast_in_dim3A_653, %add3A_11] : memref<512x50xi32, #tpu.memory_space<vmem>>[vector<16xi32>, vector<16xi32>], vector<16xi32>,
      %min3A_661 = arith.minsi %min3A_659, %gather3A_660 : vector<16xi32>
      %mul3A_662 = arith.constant 16 : i32
      %mul3A_663 = arith.muli %add3A_473, %mul3A_662 : i32
      %add3A_664 = arith.constant 13 : i32
      %add3A_665 = arith.addi %mul3A_663, %add3A_664 : i32
      %broadcast_in_dim3A_666 = vector.broadcast %add3A_665 : i32 to vector<16xi32>
      %gather3A_667 = tpu.vector_load_idx %arg5[%broadcast_in_dim3A_666, %iota3A] : memref<512x50xi32, #tpu.memory_space<vmem>>[vector<16xi32>, vector<16xi32>], vector<16xi32>,
      %min3A_668 = arith.minsi %min3A_661, %gather3A_667 : vector<16xi32>
      %gather3A_669 = tpu.vector_load_idx %arg5[%broadcast_in_dim3A_666, %add3A_5] : memref<512x50xi32, #tpu.memory_space<vmem>>[vector<16xi32>, vector<16xi32>], vector<16xi32>,
      %min3A_670 = arith.minsi %min3A_668, %gather3A_669 : vector<16xi32>
      %gather3A_671 = tpu.vector_load_idx %arg5[%broadcast_in_dim3A_666, %add3A_8] : memref<512x50xi32, #tpu.memory_space<vmem>>[vector<16xi32>, vector<16xi32>], vector<16xi32>,
      %min3A_672 = arith.minsi %min3A_670, %gather3A_671 : vector<16xi32>
      %gather3A_673 = tpu.vector_load_idx %arg5[%broadcast_in_dim3A_666, %add3A_11] : memref<512x50xi32, #tpu.memory_space<vmem>>[vector<16xi32>, vector<16xi32>], vector<16xi32>,
      %min3A_674 = arith.minsi %min3A_672, %gather3A_673 : vector<16xi32>
      %mul3A_675 = arith.constant 16 : i32
      %mul3A_676 = arith.muli %add3A_473, %mul3A_675 : i32
      %add3A_677 = arith.constant 14 : i32
      %add3A_678 = arith.addi %mul3A_676, %add3A_677 : i32
      %broadcast_in_dim3A_679 = vector.broadcast %add3A_678 : i32 to vector<16xi32>
      %gather3A_680 = tpu.vector_load_idx %arg5[%broadcast_in_dim3A_679, %iota3A] : memref<512x50xi32, #tpu.memory_space<vmem>>[vector<16xi32>, vector<16xi32>], vector<16xi32>,
      %min3A_681 = arith.minsi %min3A_674, %gather3A_680 : vector<16xi32>
      %gather3A_682 = tpu.vector_load_idx %arg5[%broadcast_in_dim3A_679, %add3A_5] : memref<512x50xi32, #tpu.memory_space<vmem>>[vector<16xi32>, vector<16xi32>], vector<16xi32>,
      %min3A_683 = arith.minsi %min3A_681, %gather3A_682 : vector<16xi32>
      %gather3A_684 = tpu.vector_load_idx %arg5[%broadcast_in_dim3A_679, %add3A_8] : memref<512x50xi32, #tpu.memory_space<vmem>>[vector<16xi32>, vector<16xi32>], vector<16xi32>,
      %min3A_685 = arith.minsi %min3A_683, %gather3A_684 : vector<16xi32>
      %gather3A_686 = tpu.vector_load_idx %arg5[%broadcast_in_dim3A_679, %add3A_11] : memref<512x50xi32, #tpu.memory_space<vmem>>[vector<16xi32>, vector<16xi32>], vector<16xi32>,
      %min3A_687 = arith.minsi %min3A_685, %gather3A_686 : vector<16xi32>
      %mul3A_688 = arith.constant 16 : i32
      %mul3A_689 = arith.muli %add3A_473, %mul3A_688 : i32
      %add3A_690 = arith.constant 15 : i32
      %add3A_691 = arith.addi %mul3A_689, %add3A_690 : i32
      %broadcast_in_dim3A_692 = vector.broadcast %add3A_691 : i32 to vector<16xi32>
      %gather3A_693 = tpu.vector_load_idx %arg5[%broadcast_in_dim3A_692, %iota3A] : memref<512x50xi32, #tpu.memory_space<vmem>>[vector<16xi32>, vector<16xi32>], vector<16xi32>,
      %min3A_694 = arith.minsi %min3A_687, %gather3A_693 : vector<16xi32>
      %gather3A_695 = tpu.vector_load_idx %arg5[%broadcast_in_dim3A_692, %add3A_5] : memref<512x50xi32, #tpu.memory_space<vmem>>[vector<16xi32>, vector<16xi32>], vector<16xi32>,
      %min3A_696 = arith.minsi %min3A_694, %gather3A_695 : vector<16xi32>
      %gather3A_697 = tpu.vector_load_idx %arg5[%broadcast_in_dim3A_692, %add3A_8] : memref<512x50xi32, #tpu.memory_space<vmem>>[vector<16xi32>, vector<16xi32>], vector<16xi32>,
      %min3A_698 = arith.minsi %min3A_696, %gather3A_697 : vector<16xi32>
      %gather3A_699 = tpu.vector_load_idx %arg5[%broadcast_in_dim3A_692, %add3A_11] : memref<512x50xi32, #tpu.memory_space<vmem>>[vector<16xi32>, vector<16xi32>], vector<16xi32>,
      %min3A_700 = arith.minsi %min3A_698, %gather3A_699 : vector<16xi32>
      %eq3A_701 = arith.constant 0 : i32
      %eq3A_702 = vector.broadcast %eq3A_701 : i32 to vector<16xi32>
      %eq3A_703 = arith.cmpi eq, %min3A_700, %eq3A_702 : vector<16xi32>
      %all_reduce_population_count3A_704 = tpu.all_reduce %eq3A_703 {dim = 0 : i64, kind = #tpu.reduction_kind<sum>} : vector<16xi1> -> vector<16xi32>
      %slice3A_705 = vector.extract_strided_slice %all_reduce_population_count3A_704 {offsets = [0], sizes = [1], strides = [1]} : vector<16xi32> to vector<1xi32>
      %squeeze3A_706 = vector.extract %slice3A_705[0] : i32 from vector<1xi32>
      %gt3A_707 = arith.constant 0 : i32
      %gt3A_708 = arith.cmpi sgt, %squeeze3A_706, %gt3A_707 : i32
      %dma_wait3A_709 = arith.constant 0 : i32
      %dma_wait3A_710 = arith.constant 0 : i32
      %dma_wait3A_711 = arith.constant 0 : i32
      %dma_wait3A_712 = tpu.memref_slice %arg4[%dma_wait3A_709, %dma_wait3A_710, %dma_wait3A_711] : memref<16384x50x64xf32, #tpu.memory_space<hbm>> -> memref<16x50x64xf32, #tpu.memory_space<hbm>>
      %dma_wait3A_713 = arith.constant 0 : i32
      %dma_wait3A_714 = arith.constant 0 : i32
      %dma_wait3A_715 = arith.constant 0 : i32
      %dma_wait3A_716 = tpu.memref_slice %arg4[%dma_wait3A_713, %dma_wait3A_714, %dma_wait3A_715] : memref<16384x50x64xf32, #tpu.memory_space<hbm>> -> memref<16x50x64xf32, #tpu.memory_space<hbm>>
      tpu.wait_dma2 semaphore(%arg9 : memref<!tpu.dma_semaphore, #tpu.memory_space<semaphore_mem>>) src(%arg7 : memref<16x50x64xf32, #tpu.memory_space<vmem>>) dst(%dma_wait3A_716 : memref<16x50x64xf32, #tpu.memory_space<hbm>>)
      %convert_element_type3A_717 = arith.extui %gt3A_708 : i1 to i32
      %cond3A_718 = arith.constant 0 : i32
      %cond3A_719 = arith.cmpi ne, %convert_element_type3A_717, %cond3A_718 : i32
      scf.if %cond3A_719 {
        %scan3A_729 = arith.constant 0 : i32
        %scan3A_730 = arith.constant 0 : i32
        %scan3A_731 = arith.constant 800 : i32
        %scan3A_732 = arith.addi %scan3A_730, %scan3A_731 : i32
        %scan3A_733 = arith.constant 1 : i32
        scf.for %scan3A_735 = %scan3A_730 to %scan3A_732 step %scan3A_733  : i32 {
          %jit3A = arith.constant 50 : i32
          %div3A = arith.divsi %scan3A_735, %jit3A : i32
          %sign3A = arith.constant 0 : i32
          %sign3A_736 = arith.cmpi sgt, %scan3A_735, %sign3A : i32
          %sign3A_737 = arith.extui %sign3A_736 : i1 to i32
          %sign3A_738 = arith.constant 0 : i32
          %sign3A_739 = arith.cmpi slt, %scan3A_735, %sign3A_738 : i32
          %sign3A_740 = arith.extui %sign3A_739 : i1 to i32
          %sign3A_741 = arith.subi %sign3A_737, %sign3A_740 : i32
          %sign3A_742 = arith.constant 0 : i32
          %sign3A_743 = arith.cmpi sgt, %jit3A, %sign3A_742 : i32
          %sign3A_744 = arith.extui %sign3A_743 : i1 to i32
          %sign3A_745 = arith.constant 0 : i32
          %sign3A_746 = arith.cmpi slt, %jit3A, %sign3A_745 : i32
          %sign3A_747 = arith.extui %sign3A_746 : i1 to i32
          %sign3A_748 = arith.subi %sign3A_744, %sign3A_747 : i32
          %ne3A = arith.cmpi ne, %sign3A_741, %sign3A_748 : i32
          %rem3A = arith.remsi %scan3A_735, %jit3A : i32
          %ne3A_749 = arith.constant 0 : i32
          %ne3A_750 = arith.cmpi ne, %rem3A, %ne3A_749 : i32
          %and3A_751 = arith.andi %ne3A, %ne3A_750 : i1
          %sub3A = arith.constant 1 : i32
          %sub3A_752 = arith.subi %div3A, %sub3A : i32
          %select_n3A = arith.select %and3A_751, %sub3A_752, %div3A : i32
          %jit3A_753 = arith.constant 50 : i32
          %eq3A_754 = arith.constant 0 : i32
          %eq3A_755 = arith.cmpi eq, %jit3A_753, %eq3A_754 : i32
          %jit3A_756 = arith.constant 1 : i32
          %select_n3A_757 = arith.select %eq3A_755, %jit3A_756, %jit3A_753 : i32
          %rem3A_758 = arith.remsi %scan3A_735, %select_n3A_757 : i32
          %ne3A_759 = arith.constant 0 : i32
          %ne3A_760 = arith.cmpi ne, %rem3A_758, %ne3A_759 : i32
          %lt3A_761 = arith.constant 0 : i32
          %lt3A_762 = arith.cmpi slt, %rem3A_758, %lt3A_761 : i32
          %lt3A_763 = arith.constant 0 : i32
          %lt3A_764 = arith.cmpi slt, %select_n3A_757, %lt3A_763 : i32
          %ne3A_765 = arith.xori %lt3A_762, %lt3A_764 : i1
          %and3A_766 = arith.andi %ne3A_765, %ne3A_760 : i1
          %add3A_767 = arith.addi %rem3A_758, %select_n3A_757 : i32
          %select_n3A_768 = arith.select %and3A_766, %add3A_767, %rem3A_758 : i32
          %mul3A_769 = arith.constant 16 : i32
          %mul3A_770 = arith.muli %add3A_473, %mul3A_769 : i32
          %add3A_771 = arith.addi %mul3A_770, %select_n3A : i32
          %broadcast_in_dim3A_772 = vector.broadcast %add3A_771 : i32 to vector<16xi32>
          %broadcast_in_dim3A_773 = vector.broadcast %select_n3A_768 : i32 to vector<16xi32>
          %gather3A_774 = tpu.vector_load_idx %arg5[%broadcast_in_dim3A_772, %broadcast_in_dim3A_773] : memref<512x50xi32, #tpu.memory_space<vmem>>[vector<16xi32>, vector<16xi32>], vector<16xi32>,
          %eq3A_775 = arith.constant 0 : i32
          %eq3A_776 = vector.broadcast %eq3A_775 : i32 to vector<16xi32>
          %eq3A_777 = arith.cmpi eq, %gather3A_774, %eq3A_776 : vector<16xi32>
          %jit3A_778 = arith.constant 0.000000e+00 : f32
          %jit3A_779 = arith.constant 1.000000e+00 : f32
          %broadcast_in_dim3A_780 = vector.broadcast %jit3A_778 : f32 to vector<16xf32>
          %broadcast_in_dim3A_781 = vector.broadcast %jit3A_779 : f32 to vector<16xf32>
          %select_n3A_782 = arith.select %eq3A_777, %broadcast_in_dim3A_780, %broadcast_in_dim3A_781 : vector<16xi1>, vector<16xf32>
          %broadcast_in_dim3A_783 = vector.broadcast %select_n3A : i32 to vector<16xi32>
          %broadcast_in_dim3A_784 = vector.broadcast %select_n3A_768 : i32 to vector<16xi32>
          %add3A_785 = arith.constant 0 : i32
          %add3A_786 = vector.broadcast %add3A_785 : i32 to vector<16xi32>
          %add3A_787 = arith.addi %iota3A, %add3A_786 : vector<16xi32>
          %gather3A_788 = tpu.vector_load_idx %arg7[%broadcast_in_dim3A_783, %broadcast_in_dim3A_784, %add3A_787] : memref<16x50x64xf32, #tpu.memory_space<vmem>>[vector<16xi32>, vector<16xi32>, vector<16xi32>], vector<16xf32>,
          %mul3A_789 = arith.mulf %gather3A_788, %select_n3A_782 : vector<16xf32>
          tpu.vector_store_idx %arg7[%broadcast_in_dim3A_783, %broadcast_in_dim3A_784, %add3A_787], %mul3A_789 : memref<16x50x64xf32, #tpu.memory_space<vmem>>[vector<16xi32>, vector<16xi32>, vector<16xi32>], vector<16xf32>,
          %add3A_790 = arith.constant 16 : i32
          %add3A_791 = vector.broadcast %add3A_790 : i32 to vector<16xi32>
          %add3A_792 = arith.addi %iota3A, %add3A_791 : vector<16xi32>
          %gather3A_793 = tpu.vector_load_idx %arg7[%broadcast_in_dim3A_783, %broadcast_in_dim3A_784, %add3A_792] : memref<16x50x64xf32, #tpu.memory_space<vmem>>[vector<16xi32>, vector<16xi32>, vector<16xi32>], vector<16xf32>,
          %mul3A_794 = arith.mulf %gather3A_793, %select_n3A_782 : vector<16xf32>
          tpu.vector_store_idx %arg7[%broadcast_in_dim3A_783, %broadcast_in_dim3A_784, %add3A_792], %mul3A_794 : memref<16x50x64xf32, #tpu.memory_space<vmem>>[vector<16xi32>, vector<16xi32>, vector<16xi32>], vector<16xf32>,
          %add3A_795 = arith.constant 32 : i32
          %add3A_796 = vector.broadcast %add3A_795 : i32 to vector<16xi32>
          %add3A_797 = arith.addi %iota3A, %add3A_796 : vector<16xi32>
          %gather3A_798 = tpu.vector_load_idx %arg7[%broadcast_in_dim3A_783, %broadcast_in_dim3A_784, %add3A_797] : memref<16x50x64xf32, #tpu.memory_space<vmem>>[vector<16xi32>, vector<16xi32>, vector<16xi32>], vector<16xf32>,
          %mul3A_799 = arith.mulf %gather3A_798, %select_n3A_782 : vector<16xf32>
          tpu.vector_store_idx %arg7[%broadcast_in_dim3A_783, %broadcast_in_dim3A_784, %add3A_797], %mul3A_799 : memref<16x50x64xf32, #tpu.memory_space<vmem>>[vector<16xi32>, vector<16xi32>, vector<16xi32>], vector<16xf32>,
          %add3A_800 = arith.constant 48 : i32
          %add3A_801 = vector.broadcast %add3A_800 : i32 to vector<16xi32>
          %add3A_802 = arith.addi %iota3A, %add3A_801 : vector<16xi32>
          %gather3A_803 = tpu.vector_load_idx %arg7[%broadcast_in_dim3A_783, %broadcast_in_dim3A_784, %add3A_802] : memref<16x50x64xf32, #tpu.memory_space<vmem>>[vector<16xi32>, vector<16xi32>, vector<16xi32>], vector<16xf32>,
          %mul3A_804 = arith.mulf %gather3A_803, %select_n3A_782 : vector<16xf32>
          tpu.vector_store_idx %arg7[%broadcast_in_dim3A_783, %broadcast_in_dim3A_784, %add3A_802], %mul3A_804 : memref<16x50x64xf32, #tpu.memory_space<vmem>>[vector<16xi32>, vector<16xi32>, vector<16xi32>], vector<16xf32>,
        }
        %scan3A_734 = arith.constant 800 : i32
      } else {
      }
      %mul3A_720 = arith.constant 16 : i32
      %mul3A_721 = arith.muli %add3A_473, %mul3A_720 : i32
      %add3A_722 = arith.addi %mul3A_2, %mul3A_721 : i32
      %dma_start3A_723 = arith.constant 0 : i32
      %dma_start3A_724 = arith.constant 0 : i32
      %dma_start3A_725 = tpu.memref_slice %arg4[%add3A_722, %dma_start3A_723, %dma_start3A_724] : memref<16384x50x64xf32, #tpu.memory_space<hbm>> -> memref<16x50x64xf32, #tpu.memory_space<hbm>>
      %dma_start3A_726 = arith.constant 0 : i32
      %dma_start3A_727 = arith.constant 0 : i32
      %dma_start3A_728 = tpu.memref_slice %arg4[%add3A_722, %dma_start3A_726, %dma_start3A_727] : memref<16384x50x64xf32, #tpu.memory_space<hbm>> -> memref<16x50x64xf32, #tpu.memory_space<hbm>>
      tpu.enqueue_dma source(%arg7 : memref<16x50x64xf32, #tpu.memory_space<vmem>>) target(%dma_start3A_728 : memref<16x50x64xf32, #tpu.memory_space<hbm>>) target_semaphore(%arg11 : memref<!tpu.dma_semaphore, #tpu.memory_space<semaphore_mem>>)
    }
    %scan3A_207 = arith.constant 16 : i32
    %dma_wait3A = arith.constant 0 : i32
    %dma_wait3A_208 = arith.constant 0 : i32
    %dma_wait3A_209 = arith.constant 0 : i32
    %dma_wait3A_210 = tpu.memref_slice %arg4[%dma_wait3A, %dma_wait3A_208, %dma_wait3A_209] : memref<16384x50x64xf32, #tpu.memory_space<hbm>> -> memref<16x50x64xf32, #tpu.memory_space<hbm>>
    %dma_wait3A_211 = arith.constant 0 : i32
    %dma_wait3A_212 = arith.constant 0 : i32
    %dma_wait3A_213 = arith.constant 0 : i32
    %dma_wait3A_214 = tpu.memref_slice %arg4[%dma_wait3A_211, %dma_wait3A_212, %dma_wait3A_213] : memref<16384x50x64xf32, #tpu.memory_space<hbm>> -> memref<16x50x64xf32, #tpu.memory_space<hbm>>
    tpu.wait_dma2 semaphore(%arg10 : memref<!tpu.dma_semaphore, #tpu.memory_space<semaphore_mem>>) src(%arg6 : memref<16x50x64xf32, #tpu.memory_space<vmem>>) dst(%dma_wait3A_214 : memref<16x50x64xf32, #tpu.memory_space<hbm>>)
    %dma_wait3A_215 = arith.constant 0 : i32
    %dma_wait3A_216 = arith.constant 0 : i32
    %dma_wait3A_217 = arith.constant 0 : i32
    %dma_wait3A_218 = tpu.memref_slice %arg4[%dma_wait3A_215, %dma_wait3A_216, %dma_wait3A_217] : memref<16384x50x64xf32, #tpu.memory_space<hbm>> -> memref<16x50x64xf32, #tpu.memory_space<hbm>>
    %dma_wait3A_219 = arith.constant 0 : i32
    %dma_wait3A_220 = arith.constant 0 : i32
    %dma_wait3A_221 = arith.constant 0 : i32
    %dma_wait3A_222 = tpu.memref_slice %arg4[%dma_wait3A_219, %dma_wait3A_220, %dma_wait3A_221] : memref<16384x50x64xf32, #tpu.memory_space<hbm>> -> memref<16x50x64xf32, #tpu.memory_space<hbm>>
    tpu.wait_dma2 semaphore(%arg11 : memref<!tpu.dma_semaphore, #tpu.memory_space<semaphore_mem>>) src(%arg7 : memref<16x50x64xf32, #tpu.memory_space<vmem>>) dst(%dma_wait3A_222 : memref<16x50x64xf32, #tpu.memory_space<hbm>>)
    return
  }
}

</mosaic_0001>

<sc_bundles>
// kernel: kernel.3.cloned.1.call-start
scs
__scs_entry_jumppad:
0x0: {  	(pc) =	sbr.rel $0x88, $3  }
0x1: {  	(tag) =	ssettag $0x0;
	lr =	simm.s32 $0x1  }
0x2: {  	[smem:$0x3F9F] =	sst lr;
	_ =	strace $0xD0000000  }
0x3: {  	_ = 	snop  }
0x4: {  	_ = 	snop  }
0x5: {  	_ = 	snop  }
0x6: {  	_ = 	snop  }
0x7: {  	_ = 	snop  }
__scs_overlays_trampoline_lowered:
0x8: {  	[smem:$0x3FAE] =	sst s0  }
0x9: {  	[smem:$0x3FAF] =	sst s1  }
0xa: {  	[smem:$0x3FB0] =	sst s2  }
0xb: {  	[smem:$0x3FB1] =	sst s3  }
0xc: {  	[smem:$0x3FB2] =	sst s4  }
0xd: {  	[smem:$0x3FB3] =	sst s5  }
0xe: {  	[smem:$0x3FB4] =	sst s6  }
0xf: {  	[smem:$0x3FB5] =	sst s7  }
0x10: {  	[smem:$0x3FB6] =	sst s8  }
0x11: {  	[smem:$0x3FB7] =	sst s9;
	s0 =	simm.s32 @!p0 $0x0  }
0x12: {  	s1 =	sld [smem:$0x3F9D];
	s0 =	simm.s32 @p0 $0x1  }
0x13: {  	[smem:$0x3FB8] =	sst s0;
	s0 =	simm.s32 @!p1 $0x0  }
0x14: {  	s2 =	sld [smem:$0x3F9C];
	s0 =	simm.s32 @p1 $0x1  }
0x15: {  	[smem:$0x3FB9] =	sst s0;
	s0 =	simm.s32 @!p2 $0x0  }
0x16: {  	s3 =	sld [smem:$0x3FDB];
	s0 =	simm.s32 @p2 $0x1  }
0x17: {  	s4 =	simm.s32 $0x1BF5;
	[smem:$0x3FBB] =	sst s0  }
0x18: {  	s0 =	sld [smem:$0x3F9E];
	_ =	swait.ge [sflag:s4], $0x0  }
0x19: {  	s7 =	sld [smem:$0x3F9F]  }
0x1a: {  	s8 =	sadd.s32 $0xFFFFE003, lr  }
0x1b: {  	s9 =	sadd.s32 $0xFFFFFEF7, lr;
	s5 =	simm.s32 $0xFFFFFFFF;
	p2 =	slt.u32 s8, $0xFFFFF086  }
0x1c: {  	p1 =	slt.u32 s9, $0xF7A;
	s5 =	simm.s32 @!p2 $0x0  }
0x1d: {  	s5 =	simm.s32 @p1 $0x1;
	p0 =	seq.s32 s7, s2  }
0x1e: {  	s7 =	smul.u32 @!p0 $0xF7A, s2;
	p2 =	seq.s32 @!p0 s5, $0x0  }
0x1f: {  	s9 =	smul.u32 $0xF7A, s1;
	s8 =	simm.s32 @!p0 $0x1BF5;
	p2 =	por !p2, p0  }
0x20: {  	[sflag:s8] =	ssyncset.s32 @!p0 $0xFFFFF086;
	s6 =	sadd.s32 @!p0 s3, s7;
	s7 =	simm.s32 @!p0 $0x108  }
0x21: {  	s3 =	sadd.s32 s3, s9;
	s6 =	sadd.s32 @!p0 $0x88, s6;
	s7 =	simm.s32 @p2 $0x1082  }
0x22: {  	[simem:s7], [sflag:s8] =	dma.local @!p0 [hbm:s6], $0xF7A  }
0x23: {  	s9 =	sor.u32 $0xD0000000, s2;
	s6 =	simm.s32 $0x108;
	_ =	swait.ge @!p0 [sflag:s8], $0x0  }
0x24: {  	s3 =	sadd.s32 $0x88, s3;
	s6 =	simm.s32 @!p1 $0x1082;
	[sflag:s4] =	ssyncset.s32 $0xFFFFF086  }
0x25: {  	[simem:s6], [sflag:s4] =	dma.local [hbm:s3], $0xF7A  }
0x26: {  	[smem:$0x3F9F] =	sst s1;
	(tag) =	ssettag s2;
	_ =	strace s9  }
0x27: {  	s1 =	sld [smem:$0x3FAF]  }
0x28: {  	s2 =	sld [smem:$0x3FB0]  }
0x29: {  	s4 =	sld [smem:$0x3FB2]  }
0x2a: {  	p0 =	seq.s32 s5, $0x0;
	s5 =	sld [smem:$0x3FB3]  }
0x2b: {  	s6 =	sld [smem:$0x3FB4]  }
0x2c: {  	s7 =	sld [smem:$0x3FB5]  }
0x2d: {  	s3 =	simm.s32 $0x108;
	s8 =	sld [smem:$0x3FB6]  }
0x2e: {  	s3 =	simm.s32 @!p0 $0x1082;
	s9 =	sld [smem:$0x3FB7]  }
0x2f: {  	lr =	sadd.s32 s0, s3;
	s0 =	sld [smem:$0x3FAE]  }
0x30: {  	s3 =	sld [smem:$0x3FB1]  }
0x31: {  	[smem:$0x3FBA] =	sst s10  }
0x32: {  	s10 =	sld [smem:$0x3FB8];
	_ =	sdelay $0x3  }
0x33: {  	p0 =	seq.s32 s10, $0x1;
	s10 =	sld [smem:$0x3FBA];
	_ =	sdelay $0x3  }
0x34: {  	[smem:$0x3FBA] =	sst s10  }
0x35: {  	s10 =	sld [smem:$0x3FB9];
	_ =	sdelay $0x3  }
0x36: {  	p1 =	seq.s32 s10, $0x1;
	s10 =	sld [smem:$0x3FBA];
	_ =	sdelay $0x3  }
0x37: {  	[smem:$0x3FBA] =	sst s10  }
0x38: {  	s10 =	sld [smem:$0x3FBB]  }
0x39: {  	_ = 	snop;
	(pc) =	sbr.ind lr, $3  }
0x3a: {  	_ = 	snop  }
0x3b: {  	_ = 	snop  }
0x3c: {  	p2 =	seq.s32 s10, $0x1;
	s10 =	sld [smem:$0x3FBA]  }
0x3d: {  	_ =	shalt  }
0x3e: {  	_ =	shalt  }
0x3f: {  	_ =	shalt  }
0x40: {  	_ =	shalt  }
0x41: {  	_ =	shalt  }
0x42: {  	_ =	shalt  }
0x43: {  	_ =	shalt  }
0x44: {  	_ =	shalt  }
0x45: {  	_ =	shalt  }
0x46: {  	_ =	shalt  }
0x47: {  	_ =	shalt  }
0x48: {  	_ =	shalt  }
0x49: {  	_ =	shalt  }
0x4a: {  	_ =	shalt  }
0x4b: {  	_ =	shalt  }
0x4c: {  	_ =	shalt  }
0x4d: {  	_ =	shalt  }
0x4e: {  	_ =	shalt  }
0x4f: {  	_ =	shalt  }
0x50: {  	_ =	shalt  }
0x51: {  	_ =	shalt  }
0x52: {  	_ =	shalt  }
0x53: {  	_ =	shalt  }
0x54: {  	_ =	shalt  }
0x55: {  	_ =	shalt  }
0x56: {  	_ =	shalt  }
0x57: {  	_ =	shalt  }
0x58: {  	_ =	shalt  }
0x59: {  	_ =	shalt  }
0x5a: {  	_ =	shalt  }
0x5b: {  	_ =	shalt  }
0x5c: {  	_ =	shalt  }
0x5d: {  	_ =	shalt  }
0x5e: {  	_ =	shalt  }
0x5f: {  	_ =	shalt  }
0x60: {  	_ =	shalt  }
0x61: {  	_ =	shalt  }
0x62: {  	_ =	shalt  }
0x63: {  	_ =	shalt  }
0x64: {  	_ =	shalt  }
0x65: {  	_ =	shalt  }
0x66: {  	_ =	shalt  }
0x67: {  	_ =	shalt  }
0x68: {  	_ =	shalt  }
0x69: {  	_ =	shalt  }
0x6a: {  	_ =	shalt  }
0x6b: {  	_ =	shalt  }
0x6c: {  	_ =	shalt  }
0x6d: {  	_ =	shalt  }
0x6e: {  	_ =	shalt  }
0x6f: {  	_ =	shalt  }
0x70: {  	_ =	shalt  }
0x71: {  	_ =	shalt  }
0x72: {  	_ =	shalt  }
0x73: {  	_ =	shalt  }
0x74: {  	_ =	shalt  }
0x75: {  	_ =	shalt  }
0x76: {  	_ =	shalt  }
0x77: {  	_ =	shalt  }
0x78: {  	_ =	shalt  }
0x79: {  	_ =	shalt  }
0x7a: {  	_ =	shalt  }
0x7b: {  	_ =	shalt  }
0x7c: {  	_ =	shalt  }
0x7d: {  	_ =	shalt  }
0x7e: {  	_ =	shalt  }
0x7f: {  	_ =	shalt  }
0x80: {  	_ =	shalt  }
0x81: {  	_ =	shalt  }
0x82: {  	_ =	shalt  }
0x83: {  	_ =	shalt  }
0x84: {  	_ =	shalt  }
0x85: {  	_ =	shalt  }
0x86: {  	_ =	shalt  }
0x87: {  	_ =	shalt  }
.Lfunc_end0:
.L_simem_size_0:
called_computation.1_lowered:
.L_overlay_start_0:
0x88: {  	s2 =	sld [smem:$0x3FD9]  }
0x89: {  	s3 =	sld [smem:$0x3FFE];
	_ =	sdelay $0x1  }
0x8a: {  	s1 =	srdreg.scid  }
0x8b: {  	s0 =	sand.u32 $0x1, s1  }
0x8c: {  	s17 =	sshll.u32 s0, $0xA;
	s2 =	sadd.s32 s3, s2  }
0x8d: {  	s2 =	sadd.s32 s2, s17  }
0x8e: {  	[smem:$0x3FC6] =	sst s2  }
0x8f: {  	_ = 	snop  }
0x90: {  	s2 =	sld [smem:$0x3FD0];
	(tm) =	ssettm $0x1  }
0x91: {  	s18 =	sld [smem:$0x3FFB];
	_ =	sdelay $0x3  }
0x92: {  	_ =	strace s18  }
0x93: {  	s3 =	sld [smem:$0x3FFC];
	_ =	sdelay $0x3  }
0x94: {  	_ =	strace s3  }
0x95: {  	s3 =	sld [smem:$0x3FFD];
	_ =	sdelay $0x3  }
0x96: {  	_ =	strace s3  }
0x97: {  	_ =	strace $0x8FFFFFFF  }
0x98: {  	s19 =	sld [smem:$0x3FDB];
	_ =	sdelay $0x1  }
0x99: {  	s4 =	simm.s32 $_scs_section_size  }
0x9a: {  	s5 =	simm.s32 $_size__tile_overlayer_lowered;
	s6 =	simm.s32 $_tile_overlayer_lowered  }
0x9b: {  	s22 =	simm.s32 $0x1BFF;
	s21 =	sshll.u32 s6, $0x1;
	s3 =	sadd.s32 s4, s19  }
0x9c: {  	s7 =	simm.s32 $0x0;
	s20 =	sshll.u32 s5, $0x1;
	s5 =	sadd.s32 s21, s3  }
0x9d: {  	[timem:s7], [sflag:s22] =	dma.local [hbm:s5], s20  }
0x9e: {  	_ =	swait.ge [sflag:s22], s20  }
0x9f: {  	s4 =	ssub.s32 $0x0, s20;
	[sflag:s22] =	ssyncset.done $0x0  }
0xa0: {  	[sflag:s22] =	ssyncadd.s32 s4;
	_ =	sdelay $0x1  }
0xa1: {  	s23 =	simm.s32 $0x1B8B  }
0xa2: {  	_ =	swait.ge [sflag:s23], $0x1  }
0xa3: {  	[sflag:s23] =	ssyncset.done $0x0  }
0xa4: {  	s25 =	simm.s32 $0x1B8E;
	s24 =	sld [smem:$0x3FFE];
	[sflag:s23] =	ssyncadd.s32 $0xFFFFFFFF  }
0xa5: {  	s26 =	simm.s32 $execute0_lowered;
	[smem:$0x3FD2] =	sst s25  }
0xa6: {  	s5 =	sshll.u32 s26, $0x1;
	_ =	strace $0x80000046;
	[dreg:$0x1] =	wrdreg $0xFFFFFFFF  }
0xa7: {  	s28 =	simm.s32 $_size_execute0_lowered;
	s3 =	sadd.s32 s3, s5;
	[dreg:$0x0] =	wrdreg $0x0  }
0xa8: {  	s5 =	sshll.u32 s28, $0x1;
	[dreg:$0x2] =	wrdreg s3  }
0xa9: {  	[dreg:$0x3] =	wrdreg s5  }
0xaa: {  	[dreg:$0x4] =	wrdreg $0xC0  }
0xab: {  	_ =	task [dreg:s7], $0x5FFFF  }
0xac: {  	[dreg:$0x1] =	wrdreg $0xFFFFFFFF  }
0xad: {  	[dreg:$0x0] =	wrdreg $0x60  }
0xae: {  	[dreg:$0x2] =	wrdreg s24  }
0xaf: {  	[dreg:$0x3] =	wrdreg s2  }
0xb0: {  	[dreg:$0x4] =	wrdreg $0x9  }
0xb1: {  	_ =	task.clear_ibuf [dreg:s7], $0x5FFFF;
	_ =	strace $0x90000046  }
0xb2: {  	s29 =	simm.s32 $0x9;
	_ =	strace $0x80000048  }
0xb3: {  	_ =	swait.ge [sflag:s29], $0x1  }
0xb4: {  	[sflag:s29] =	ssyncadd.s32 $0xFFFFFFFF  }
0xb5: {  	_ =	strace $0x90000048  }
0xb6: {  	_ =	sfence  }
0xb7: {  	s30 =	sld [smem:$0x0];
	_ =	sdelay $0x2  }
0xb8: {  	s31 =	sshll.u32 s1, $0xD;
	s1 =	sshrl.u32 s1, $0x2  }
0xb9: {  	s3 =	sand.u32 $0x4000, s31;
	s1 =	sadd.s32 s1, s30  }
0xba: {  	s0 =	sor.u32 s3, s0;
	s1 =	sshll.u32 s1, $0x11  }
0xbb: {  	s0 =	sor.u32 s1, s0  }
0xbc: {  	s0 =	sadd.s32 $0x8F2B, s0  }
0xbd: {  	[sflag:s0] =	ssyncadd.remote.s32 $0x1  }
0xbe: {  	_ =	sfence.sel $0xFFFF  }
0xbf: {  	[dreg:$0x0] =	wrdreg $0xFFFFFFFF;
	(pc) =	sbr.abs _section_cstart, $3  }
0xc0: {  	[dreg:$0x1] =	wrdreg $0xFFFFFFFF  }
0xc1: {  	_ =	task.clear_ibuf [dreg:s7], $0x2FFFF;
	_ =	strace $0x9FFFFFFF  }
0xc2: {  	(tm) =	ssettm $0x7FFFFFFF  }
0xc3: {  	_ =	shalt  }
tec
execute0_lowered:
.L_overlay_start_1:
0x0: {  	(tag) =	ssettag $0x1  }
0x1: {  	s0 =	srdreg.scid;
	s1 =	rddreg [dreg:$0x0]  }
0x2: {  	s3 =	stileid.u32;
	s2 =	rddreg [dreg:$0x1];
	s9 =	simm.s32 $0x32  }
0x3: {  	s10 =	simm.s32 $0x7000;
	s19 =	simm.s32 $0x13800;
	s22 =	simm.s32 $0x15D80  }
0x4: {  	s23 =	simm.s32 $0x16A00;
	s24 =	simm.s32 $0x17680;
	s25 =	simm.s32 $0x18300  }
0x5: {  	s28 =	simm.s32 $0x19C00;
	s29 =	simm.s32 $0x1A880;
	s30 =	simm.s32 $0x1B500  }
0x6: {  	s31 =	simm.s32 $0x1C180;
	s11 =	simm.s32 $0x1E700;
	s0 =	sand.u32 $0x1, s0  }
0x7: {  	s12 =	simm.s32 $0x1F380;
	s3 =	sshll.u32 s3, $0xA;
	s4 =	sshll.u32 s0, $0x9  }
0x8: {  	s13 =	simm.s32 $0x1;
	s14 =	simm.s32 $0x2;
	s3 =	sor.u32 s4, s3  }
0x9: {  	s0 =	ssub.s32 $0x2, s0;
	s4 =	simm.s32 $0x0;
	s5 =	smul.u32 $0x7, s3  }
.Ltmp0:
0xa: {  	s6 =	sshrl.u32 s0, $0x1;
	[smem:$0x7FF] =	sst s4;
	(pc) =	sbr.rel .LBB2_1-.Ltmp0, $4  }
0xb: {  	s8 =	simm.s32 $0x0;
	s0 =	ssub.s32 s0, s6;
	_ =	strace $0x80000047  }
0xc: {  	s0 =	smax.u32 s0, $0x1;
	s7 =	sadd.s32 s5, s1;
	s5 =	sadd.s32 $0xF43000, s1  }
0xd: {  	v0 =	vlaneseq.u32;
	v4 =	vimm.f32 $1.000000000e+00;
	[dreg:$0x4] =	wrdreg s0;
	s1 =	simm.s32 $0x1CE00;
	s26 =	sadd.s32 $0xA00, s7  }
0xe: {  	v1 =	vor.u32 $0x10, v0;
	v2 =	vor.u32 $0x20, v0;
	v3 =	vadd.s32 $0x22, v0;
	s0 =	simm.s32 $0x1DA80;
	[dreg:$0x3] =	wrdreg s26;
	s26 =	simm.s32 $0x18F80  }
.LBB2_11:
0xf: {  	s6 =	simm.s32 $0x3  }
0x10: {  	_ =	swait.ge [sflag:s6], $0xC800  }
0x11: {  	[sflag:s6] =	ssyncset.done $0x0  }
0x12: {  	s7 =	simm.s32 $0x4;
	[sflag:s6] =	ssyncadd.s32 $0xFFFF3800  }
0x13: {  	_ =	swait.ge [sflag:s7], $0xC800  }
0x14: {  	s8 =	rddreg [dreg:$0x5]  }
0x15: {  	s21 =	rddreg [dreg:$0x4];
	s8 =	sadd.s32 $0x1, s8  }
0x16: {  	p0 =	sne.s32 s8, s21  }
.Ltmp1:
0x17: {  	_ = 	snop;
	(pc) =	sbr.rel @!p0 .LBB2_12-.Ltmp1, $3  }
0x18: {  	_ =	sdelay $0x1  }
0x19: {  	[sflag:s7] =	ssyncset.done $0x0  }
0x1a: {  	[sflag:s7] =	ssyncadd.s32 $0xFFFF3800  }
.LBB2_1:
0x1b: {  	[dreg:$0x5] =	wrdreg s8  }
0x1c: {  	s6 =	rddreg [dreg:$0x3];
	s15 =	simm.s32 $0x5  }
0x1d: {  	[tilespmem:s4], [sflag:$0x5] =	stream.linear.gather [hbm4b:s6+s4], $0x7000, $0x38;
	v63 =	vld [tilespmem:$0x0]  }
0x1e: {  	_ =	swait.ge [sflag:s15], $0x7000  }
0x1f: {  	[sflag:s15] =	ssyncset.done $0x0  }
0x20: {  	[sflag:s15] =	ssyncadd.s32 $0xFFFF9000  }
0x21: {  	[tilespmem:s10], [sflag:$0x1] =	stream.indirect.gather [hbm4b:s5+s9], $0x40, s4, s9, $0xb8;
	v63 =	vld [tilespmem:$0x0]  }
0x22: {  	s16 =	simm.s32 $0x38;
	s7 =	simm.s32 $0x7C80  }
0x23: {  	[tilespmem:s7], [sflag:$0x1] =	stream.indirect.gather [hbm4b:s5+s9], $0x40, s16, s9, $0xb8;
	v63 =	vld [tilespmem:$0x0]  }
0x24: {  	s17 =	simm.s32 $0x70;
	s18 =	simm.s32 $0x8900  }
0x25: {  	[tilespmem:s18], [sflag:$0x1] =	stream.indirect.gather [hbm4b:s5+s9], $0x40, s17, s9, $0xb8;
	v63 =	vld [tilespmem:$0x0]  }
0x26: {  	s20 =	simm.s32 $0xA8;
	s21 =	simm.s32 $0x9580  }
0x27: {  	[tilespmem:s21], [sflag:$0x1] =	stream.indirect.gather [hbm4b:s5+s9], $0x40, s20, s9, $0xb8;
	v63 =	vld [tilespmem:$0x0]  }
0x28: {  	s8 =	simm.s32 $0xA200;
	s7 =	simm.s32 $0xE0  }
0x29: {  	[tilespmem:s8], [sflag:$0x1] =	stream.indirect.gather [hbm4b:s5+s9], $0x40, s7, s9, $0xb8;
	v63 =	vld [tilespmem:$0x0]  }
0x2a: {  	s15 =	simm.s32 $0x118;
	s16 =	simm.s32 $0xAE80  }
0x2b: {  	[tilespmem:s16], [sflag:$0x1] =	stream.indirect.gather [hbm4b:s5+s9], $0x40, s15, s9, $0xb8;
	v63 =	vld [tilespmem:$0x0]  }
0x2c: {  	s17 =	simm.s32 $0x150;
	s18 =	simm.s32 $0xBB00  }
0x2d: {  	[tilespmem:s18], [sflag:$0x1] =	stream.indirect.gather [hbm4b:s5+s9], $0x40, s17, s9, $0xb8;
	v63 =	vld [tilespmem:$0x0]  }
0x2e: {  	s20 =	simm.s32 $0x188;
	s21 =	simm.s32 $0xC780  }
0x2f: {  	[tilespmem:s21], [sflag:$0x1] =	stream.indirect.gather [hbm4b:s5+s9], $0x40, s20, s9, $0xb8;
	v63 =	vld [tilespmem:$0x0]  }
0x30: {  	s7 =	simm.s32 $0x1C0;
	s8 =	simm.s32 $0xD400  }
0x31: {  	[tilespmem:s8], [sflag:$0x1] =	stream.indirect.gather [hbm4b:s5+s9], $0x40, s7, s9, $0xb8;
	v63 =	vld [tilespmem:$0x0]  }
0x32: {  	s15 =	simm.s32 $0x1F8;
	s16 =	simm.s32 $0xE080  }
0x33: {  	[tilespmem:s16], [sflag:$0x1] =	stream.indirect.gather [hbm4b:s5+s9], $0x40, s15, s9, $0xb8;
	v63 =	vld [tilespmem:$0x0]  }
0x34: {  	s17 =	simm.s32 $0x230;
	s18 =	simm.s32 $0xED00  }
0x35: {  	[tilespmem:s18], [sflag:$0x1] =	stream.indirect.gather [hbm4b:s5+s9], $0x40, s17, s9, $0xb8;
	v63 =	vld [tilespmem:$0x0]  }
0x36: {  	s20 =	simm.s32 $0x268;
	s21 =	simm.s32 $0xF980  }
0x37: {  	[tilespmem:s21], [sflag:$0x1] =	stream.indirect.gather [hbm4b:s5+s9], $0x40, s20, s9, $0xb8;
	v63 =	vld [tilespmem:$0x0]  }
0x38: {  	s7 =	simm.s32 $0x2A0;
	s8 =	simm.s32 $0x10600  }
0x39: {  	[tilespmem:s8], [sflag:$0x1] =	stream.indirect.gather [hbm4b:s5+s9], $0x40, s7, s9, $0xb8;
	v63 =	vld [tilespmem:$0x0]  }
0x3a: {  	s15 =	simm.s32 $0x2D8;
	s16 =	simm.s32 $0x11280  }
0x3b: {  	[tilespmem:s16], [sflag:$0x1] =	stream.indirect.gather [hbm4b:s5+s9], $0x40, s15, s9, $0xb8;
	v63 =	vld [tilespmem:$0x0]  }
.Ltmp2:
0x3c: {  	_ = 	snop;
	(pc) =	sbr.rel .LBB2_2-.Ltmp2, $4  }
0x3d: {  	s17 =	simm.s32 $0x310;
	s18 =	simm.s32 $0x11F00  }
0x3e: {  	[tilespmem:s18], [sflag:$0x1] =	stream.indirect.gather [hbm4b:s5+s9], $0x40, s17, s9, $0xb8;
	v63 =	vld [tilespmem:$0x0]  }
0x3f: {  	s20 =	simm.s32 $0x348;
	s21 =	simm.s32 $0x12B80;
	s18 =	simm.s32 $0x0  }
0x40: {  	[tilespmem:s21], [sflag:$0x1] =	stream.indirect.gather [hbm4b:s5+s9], $0x40, s20, s9, $0xb8;
	v63 =	vld [tilespmem:$0x0]  }
.LBB2_10:
0x41: {  	s18 =	sadd.s32 $0x1, s18  }
0x42: {  	p0 =	sne.s32 s18, $0x10  }
.Ltmp3:
0x43: {  	s6 =	sadd.s32 s3, s8;
	(pc) =	sbr.rel @!p0 .LBB2_11-.Ltmp3, $3  }
0x44: {  	s6 =	smul.u32 $0x190, s6;
	_ =	sdelay $0x1  }
0x45: {  	s6 =	sadd.s32 s2, s6  }
0x46: {  	[hbm4b:s6+s4] =	stream.linear.scatter [tilespmem:s19], [sflag:$0x4], $0xC800, $0x38;
	v63 =	vld [tilespmem:$0x0]  }
.LBB2_2:
0x47: {  	p0 =	seq.s32 s18, $0x0  }
0x48: {  	s7 =	sshllo.u32 s18, $0x1;
	s6 =	simm.s32 @!p0 $0x4  }
0x49: {  	s8 =	smul.u32 $0xE00, s7;
	_ =	swait.ge @!p0 [sflag:s6], $0xC800  }
0x4a: {  	[sflag:s6] =	ssyncset.done @!p0 $0x0  }
0x4b: {  	[sflag:s6] =	ssyncadd.s32 @!p0 $0xFFFF3800;
	s6 =	sshra.s32 s8, $0x2  }
0x4c: {  	[tilespmem:s19], [sflag:$0x2] =	stream.indirect.gather [hbm4b:s5+s9], $0x40, s6, s9, $0xb8;
	v63 =	vld [tilespmem:$0x0]  }
0x4d: {  	s15 =	simm.s32 $0x14480;
	s8 =	sor.u32 $0x38, s6  }
0x4e: {  	[tilespmem:s15], [sflag:$0x2] =	stream.indirect.gather [hbm4b:s5+s9], $0x40, s8, s9, $0xb8;
	v63 =	vld [tilespmem:$0x0]  }
0x4f: {  	s17 =	simm.s32 $0x15100;
	s16 =	sor.u32 $0x70, s6  }
0x50: {  	[tilespmem:s17], [sflag:$0x2] =	stream.indirect.gather [hbm4b:s5+s9], $0x40, s16, s9, $0xb8;
	v63 =	vld [tilespmem:$0x0]  }
0x51: {  	s20 =	sadd.s32 $0xA8, s6  }
0x52: {  	[tilespmem:s22], [sflag:$0x2] =	stream.indirect.gather [hbm4b:s5+s9], $0x40, s20, s9, $0xb8;
	v63 =	vld [tilespmem:$0x0]  }
0x53: {  	s21 =	sadd.s32 $0xE0, s6  }
0x54: {  	[tilespmem:s23], [sflag:$0x2] =	stream.indirect.gather [hbm4b:s5+s9], $0x40, s21, s9, $0xb8;
	v63 =	vld [tilespmem:$0x0]  }
0x55: {  	s15 =	sadd.s32 $0x118, s6  }
0x56: {  	[tilespmem:s24], [sflag:$0x2] =	stream.indirect.gather [hbm4b:s5+s9], $0x40, s15, s9, $0xb8;
	v63 =	vld [tilespmem:$0x0]  }
0x57: {  	s16 =	sadd.s32 $0x150, s6  }
0x58: {  	[tilespmem:s25], [sflag:$0x2] =	stream.indirect.gather [hbm4b:s5+s9], $0x40, s16, s9, $0xb8;
	v63 =	vld [tilespmem:$0x0]  }
0x59: {  	s17 =	sadd.s32 $0x188, s6  }
0x5a: {  	[tilespmem:s26], [sflag:$0x2] =	stream.indirect.gather [hbm4b:s5+s9], $0x40, s17, s9, $0xb8;
	v63 =	vld [tilespmem:$0x0]  }
0x5b: {  	s20 =	sadd.s32 $0x1C0, s6  }
0x5c: {  	[tilespmem:s28], [sflag:$0x2] =	stream.indirect.gather [hbm4b:s5+s9], $0x40, s20, s9, $0xb8;
	v63 =	vld [tilespmem:$0x0]  }
0x5d: {  	s21 =	sadd.s32 $0x1F8, s6  }
0x5e: {  	[tilespmem:s29], [sflag:$0x2] =	stream.indirect.gather [hbm4b:s5+s9], $0x40, s21, s9, $0xb8;
	v63 =	vld [tilespmem:$0x0]  }
0x5f: {  	s15 =	sadd.s32 $0x230, s6  }
0x60: {  	[tilespmem:s30], [sflag:$0x2] =	stream.indirect.gather [hbm4b:s5+s9], $0x40, s15, s9, $0xb8;
	v63 =	vld [tilespmem:$0x0]  }
0x61: {  	s8 =	sshll.u32 s18, $0x5;
	s16 =	sadd.s32 $0x268, s6  }
0x62: {  	v5 =	vmov s8;
	[tilespmem:s31], [sflag:$0x2] =	stream.indirect.gather [hbm4b:s5+s9], $0x40, s16, s9, $0xb8;
	v63 =	vld [tilespmem:$0x0]  }
0x63: {  	v5 =	vmul.u32 $0x38, v5;
	s17 =	sadd.s32 $0x2A0, s6  }
0x64: {  	[tilespmem:s1], [sflag:$0x2] =	stream.indirect.gather [hbm4b:s5+s9], $0x40, s17, s9, $0xb8;
	v63 =	vld [tilespmem:$0x0]  }
0x65: {  	v5 =	vbroadcast v5, $0x0;
	s20 =	sadd.s32 $0x2D8, s6  }
0x66: {  	[tilespmem:s0], [sflag:$0x2] =	stream.indirect.gather [hbm4b:s5+s9], $0x40, s20, s9, $0xb8;
	v63 =	vld [tilespmem:$0x0]  }
0x67: {  	v6 =	vor.u32 v0, v5;
	s21 =	sadd.s32 $0x310, s6;
	s16 =	sor.u32 $0x1, s8  }
0x68: {  	v7 =	vor.u32 v1, v5;
	[tilespmem:s11], [sflag:$0x2] =	stream.indirect.gather [hbm4b:s5+s9], $0x40, s21, s9, $0xb8;
	v63 =	vld [tilespmem:$0x0]  }
0x69: {  	s6 =	sadd.s32 $0x348, s6;
	v8 =	vmov s16  }
0x6a: {  	v9 =	vor.u32 v2, v5;
	v8 =	vmul.u32 $0x38, v8;
	[tilespmem:s12], [sflag:$0x2] =	stream.indirect.gather [hbm4b:s5+s9], $0x40, s6, s9, $0xb8;
	v63 =	vld [tilespmem:$0x0]  }
0x6b: {  	s6 =	simm.s32 $0x0  }
0x6c: {  	v5 =	vor.u32 v3, v5;
	v8 =	vbroadcast v8, $0x0;
	v6 =	vld.idx.msk [tilespmem:v6+s6+$0x0], $0xffff  }
0x6d: {  	v7 =	vld.idx.msk [tilespmem:v7+s6+$0x0], $0xffff  }
0x6e: {  	v10 =	vadd.s32 v0, v8  }
0x6f: {  	v9 =	vld.idx.msk [tilespmem:v9+s6+$0x0], $0xffff  }
0x70: {  	s17 =	sor.u32 $0x2, s8;
	v11 =	vadd.s32 v1, v8  }
0x71: {  	v12 =	vmov s17;
	v5 =	vld.idx.msk [tilespmem:v5+s6+$0x0], $0xffff  }
0x72: {  	v12 =	vmul.u32 $0x38, v12;
	v13 =	vadd.s32 v2, v8;
	vm0 =	vlt.s32 v6, v7  }
0x73: {  	v6 =	vsel vm0, v6, v7;
	v7 =	vld.idx.msk [tilespmem:v10+s6+$0x0], $0xffff  }
0x74: {  	v8 =	vadd.s32 v3, v8;
	v36 =	vbroadcast v12, $0x0;
	vm0 =	vlt.s32 v6, v9  }
0x75: {  	v37 =	vld.idx.msk [tilespmem:v11+s6+$0x0], $0xffff;
	v6 =	vsel vm0, v6, v9  }
0x76: {  	v38 =	vor.u32 v0, v36;
	vm0 =	vlt.s32 v6, v5  }
0x77: {  	v5 =	vsel vm0, v6, v5;
	v6 =	vld.idx.msk [tilespmem:v13+s6+$0x0], $0xffff  }
0x78: {  	s20 =	sor.u32 $0x3, s8;
	v12 =	vadd.s32 v1, v36;
	vm0 =	vlt.s32 v5, v7  }
0x79: {  	v39 =	vmov s20;
	v5 =	vsel vm0, v5, v7;
	v7 =	vld.idx.msk [tilespmem:v8+s6+$0x0], $0xffff  }
0x7a: {  	v40 =	vadd.s32 v2, v36;
	v8 =	vmul.u32 $0x38, v39;
	vm0 =	vlt.s32 v5, v37  }
0x7b: {  	v41 =	vld.idx.msk [tilespmem:v38+s6+$0x0], $0xffff;
	v5 =	vsel vm0, v5, v37  }
0x7c: {  	v10 =	vadd.s32 v3, v36;
	v8 =	vbroadcast v8, $0x0;
	vm0 =	vlt.s32 v5, v6  }
0x7d: {  	v5 =	vsel vm0, v5, v6;
	v6 =	vld.idx.msk [tilespmem:v12+s6+$0x0], $0xffff  }
0x7e: {  	v42 =	vadd.s32 v0, v8;
	vm0 =	vlt.s32 v5, v7  }
0x7f: {  	v5 =	vsel vm0, v5, v7;
	v7 =	vld.idx.msk [tilespmem:v40+s6+$0x0], $0xffff  }
0x80: {  	s21 =	sor.u32 $0x4, s8;
	v43 =	vadd.s32 v1, v8;
	vm0 =	vlt.s32 v5, v41  }
0x81: {  	v45 =	vmov s21;
	v44 =	vld.idx.msk [tilespmem:v10+s6+$0x0], $0xffff;
	v5 =	vsel vm0, v5, v41  }
0x82: {  	v10 =	vmul.u32 $0x38, v45;
	v46 =	vadd.s32 v2, v8;
	vm0 =	vlt.s32 v5, v6  }
0x83: {  	v5 =	vsel vm0, v5, v6;
	v6 =	vld.idx.msk [tilespmem:v42+s6+$0x0], $0xffff  }
0x84: {  	v10 =	vbroadcast v10, $0x0;
	v8 =	vadd.s32 v3, v8;
	vm0 =	vlt.s32 v5, v7  }
0x85: {  	v5 =	vsel vm0, v5, v7;
	v7 =	vld.idx.msk [tilespmem:v43+s6+$0x0], $0xffff  }
0x86: {  	v47 =	vor.u32 v0, v10;
	vm0 =	vlt.s32 v5, v44  }
0x87: {  	v48 =	vld.idx.msk [tilespmem:v46+s6+$0x0], $0xffff;
	v5 =	vsel vm0, v5, v44  }
0x88: {  	s16 =	sor.u32 $0x5, s8;
	v49 =	vor.u32 v1, v10;
	vm0 =	vlt.s32 v5, v6  }
0x89: {  	v50 =	vmov s16;
	v5 =	vsel vm0, v5, v6;
	v6 =	vld.idx.msk [tilespmem:v8+s6+$0x0], $0xffff  }
0x8a: {  	v51 =	vadd.s32 v2, v10;
	v8 =	vmul.u32 $0x38, v50;
	vm0 =	vlt.s32 v5, v7  }
0x8b: {  	v5 =	vsel vm0, v5, v7;
	v7 =	vld.idx.msk [tilespmem:v47+s6+$0x0], $0xffff  }
0x8c: {  	v10 =	vadd.s32 v3, v10;
	v8 =	vbroadcast v8, $0x0;
	vm0 =	vlt.s32 v5, v48  }
0x8d: {  	v52 =	vld.idx.msk [tilespmem:v49+s6+$0x0], $0xffff;
	v5 =	vsel vm0, v5, v48  }
0x8e: {  	v53 =	vadd.s32 v0, v8;
	vm0 =	vlt.s32 v5, v6  }
0x8f: {  	v5 =	vsel vm0, v5, v6;
	v6 =	vld.idx.msk [tilespmem:v51+s6+$0x0], $0xffff  }
0x90: {  	s17 =	sor.u32 $0x6, s8;
	v54 =	vadd.s32 v1, v8;
	vm0 =	vlt.s32 v5, v7  }
0x91: {  	v55 =	vmov s17;
	v5 =	vsel vm0, v5, v7;
	v7 =	vld.idx.msk [tilespmem:v10+s6+$0x0], $0xffff  }
0x92: {  	v56 =	vadd.s32 v2, v8;
	v10 =	vmul.u32 $0x38, v55;
	vm0 =	vlt.s32 v5, v52  }
0x93: {  	v57 =	vld.idx.msk [tilespmem:v53+s6+$0x0], $0xffff;
	v5 =	vsel vm0, v5, v52  }
0x94: {  	v8 =	vadd.s32 v3, v8;
	v10 =	vbroadcast v10, $0x0;
	vm0 =	vlt.s32 v5, v6  }
0x95: {  	v5 =	vsel vm0, v5, v6;
	v6 =	vld.idx.msk [tilespmem:v54+s6+$0x0], $0xffff  }
0x96: {  	v58 =	vor.u32 v0, v10;
	vm0 =	vlt.s32 v5, v7  }
0x97: {  	v5 =	vsel vm0, v5, v7;
	v7 =	vld.idx.msk [tilespmem:v56+s6+$0x0], $0xffff  }
0x98: {  	s20 =	sor.u32 $0x7, s8;
	v59 =	vadd.s32 v1, v10;
	vm0 =	vlt.s32 v5, v57  }
0x99: {  	v60 =	vmov s20;
	v8 =	vld.idx.msk [tilespmem:v8+s6+$0x0], $0xffff;
	v5 =	vsel vm0, v5, v57  }
0x9a: {  	v9 =	vmul.u32 $0x38, v60;
	v61 =	vor.u32 v2, v10;
	vm0 =	vlt.s32 v5, v6  }
0x9b: {  	v5 =	vsel vm0, v5, v6;
	v6 =	vld.idx.msk [tilespmem:v58+s6+$0x0], $0xffff  }
0x9c: {  	v9 =	vbroadcast v9, $0x0;
	v10 =	vadd.s32 v3, v10;
	vm0 =	vlt.s32 v5, v7  }
0x9d: {  	v5 =	vsel vm0, v5, v7;
	v7 =	vld.idx.msk [tilespmem:v59+s6+$0x0], $0xffff  }
0x9e: {  	v62 =	vadd.s32 v0, v9;
	vm0 =	vlt.s32 v5, v8  }
0x9f: {  	v16 =	vld.idx.msk [tilespmem:v61+s6+$0x0], $0xffff;
	v5 =	vsel vm0, v5, v8  }
0xa0: {  	s21 =	sor.u32 $0x8, s8;
	v17 =	vadd.s32 v1, v9;
	vm0 =	vlt.s32 v5, v6  }
0xa1: {  	v18 =	vmov s21;
	v5 =	vsel vm0, v5, v6;
	v6 =	vld.idx.msk [tilespmem:v10+s6+$0x0], $0xffff  }
0xa2: {  	v19 =	vadd.s32 v2, v9;
	v10 =	vmul.u32 $0x38, v18;
	vm0 =	vlt.s32 v5, v7  }
0xa3: {  	v5 =	vsel vm0, v5, v7;
	v7 =	vld.idx.msk [tilespmem:v62+s6+$0x0], $0xffff  }
0xa4: {  	v9 =	vadd.s32 v3, v9;
	v10 =	vbroadcast v10, $0x0;
	vm0 =	vlt.s32 v5, v16  }
0xa5: {  	v20 =	vld.idx.msk [tilespmem:v17+s6+$0x0], $0xffff;
	v5 =	vsel vm0, v5, v16  }
0xa6: {  	v21 =	vor.u32 v0, v10;
	vm0 =	vlt.s32 v5, v6  }
0xa7: {  	v5 =	vsel vm0, v5, v6;
	v6 =	vld.idx.msk [tilespmem:v19+s6+$0x0], $0xffff  }
0xa8: {  	s16 =	sor.u32 $0x9, s8;
	v22 =	vor.u32 v1, v10;
	vm0 =	vlt.s32 v5, v7  }
0xa9: {  	v23 =	vmov s16;
	v5 =	vsel vm0, v5, v7;
	v7 =	vld.idx.msk [tilespmem:v9+s6+$0x0], $0xffff  }
0xaa: {  	v24 =	vor.u32 v2, v10;
	v9 =	vmul.u32 $0x38, v23;
	vm0 =	vlt.s32 v5, v20  }
0xab: {  	v25 =	vld.idx.msk [tilespmem:v21+s6+$0x0], $0xffff;
	v5 =	vsel vm0, v5, v20  }
0xac: {  	v10 =	vor.u32 v3, v10;
	v9 =	vbroadcast v9, $0x0;
	vm0 =	vlt.s32 v5, v6  }
0xad: {  	v5 =	vsel vm0, v5, v6;
	v6 =	vld.idx.msk [tilespmem:v22+s6+$0x0], $0xffff  }
0xae: {  	v26 =	vadd.s32 v0, v9;
	vm0 =	vlt.s32 v5, v7  }
0xaf: {  	v5 =	vsel vm0, v5, v7;
	v7 =	vld.idx.msk [tilespmem:v24+s6+$0x0], $0xffff  }
0xb0: {  	s17 =	sor.u32 $0xA, s8;
	v27 =	vadd.s32 v1, v9;
	vm0 =	vlt.s32 v5, v25  }
0xb1: {  	v29 =	vmov s17;
	v28 =	vld.idx.msk [tilespmem:v10+s6+$0x0], $0xffff;
	v5 =	vsel vm0, v5, v25  }
0xb2: {  	v10 =	vmul.u32 $0x38, v29;
	v30 =	vadd.s32 v2, v9;
	vm0 =	vlt.s32 v5, v6  }
0xb3: {  	v5 =	vsel vm0, v5, v6;
	v6 =	vld.idx.msk [tilespmem:v26+s6+$0x0], $0xffff  }
0xb4: {  	v10 =	vbroadcast v10, $0x0;
	v9 =	vadd.s32 v3, v9;
	vm0 =	vlt.s32 v5, v7  }
0xb5: {  	v5 =	vsel vm0, v5, v7;
	v7 =	vld.idx.msk [tilespmem:v27+s6+$0x0], $0xffff  }
0xb6: {  	v31 =	vor.u32 v0, v10;
	vm0 =	vlt.s32 v5, v28  }
0xb7: {  	v32 =	vld.idx.msk [tilespmem:v30+s6+$0x0], $0xffff;
	v5 =	vsel vm0, v5, v28  }
0xb8: {  	s20 =	sor.u32 $0xB, s8;
	v33 =	vadd.s32 v1, v10;
	vm0 =	vlt.s32 v5, v6  }
0xb9: {  	v34 =	vmov s20;
	v5 =	vsel vm0, v5, v6;
	v6 =	vld.idx.msk [tilespmem:v9+s6+$0x0], $0xffff  }
0xba: {  	v35 =	vadd.s32 v2, v10;
	v9 =	vmul.u32 $0x38, v34;
	vm0 =	vlt.s32 v5, v7  }
0xbb: {  	v5 =	vsel vm0, v5, v7;
	v7 =	vld.idx.msk [tilespmem:v31+s6+$0x0], $0xffff  }
0xbc: {  	v10 =	vadd.s32 v3, v10;
	v9 =	vbroadcast v9, $0x0;
	vm0 =	vlt.s32 v5, v32  }
0xbd: {  	v36 =	vld.idx.msk [tilespmem:v33+s6+$0x0], $0xffff;
	v5 =	vsel vm0, v5, v32  }
0xbe: {  	v37 =	vadd.s32 v0, v9;
	vm0 =	vlt.s32 v5, v6  }
0xbf: {  	v5 =	vsel vm0, v5, v6;
	v6 =	vld.idx.msk [tilespmem:v35+s6+$0x0], $0xffff  }
0xc0: {  	s21 =	sor.u32 $0xC, s8;
	v38 =	vadd.s32 v1, v9;
	vm0 =	vlt.s32 v5, v7  }
0xc1: {  	v39 =	vmov s21;
	v5 =	vsel vm0, v5, v7;
	v7 =	vld.idx.msk [tilespmem:v10+s6+$0x0], $0xffff  }
0xc2: {  	v40 =	vadd.s32 v2, v9;
	v10 =	vmul.u32 $0x38, v39;
	vm0 =	vlt.s32 v5, v36  }
0xc3: {  	v41 =	vld.idx.msk [tilespmem:v37+s6+$0x0], $0xffff;
	v5 =	vsel vm0, v5, v36  }
0xc4: {  	v9 =	vadd.s32 v3, v9;
	v10 =	vbroadcast v10, $0x0;
	vm0 =	vlt.s32 v5, v6  }
0xc5: {  	v5 =	vsel vm0, v5, v6;
	v6 =	vld.idx.msk [tilespmem:v38+s6+$0x0], $0xffff  }
0xc6: {  	v42 =	vor.u32 v0, v10;
	vm0 =	vlt.s32 v5, v7  }
0xc7: {  	v5 =	vsel vm0, v5, v7;
	v7 =	vld.idx.msk [tilespmem:v40+s6+$0x0], $0xffff  }
0xc8: {  	s16 =	sor.u32 $0xD, s8;
	v43 =	vor.u32 v1, v10;
	vm0 =	vlt.s32 v5, v41  }
0xc9: {  	v45 =	vmov s16;
	v44 =	vld.idx.msk [tilespmem:v9+s6+$0x0], $0xffff;
	v5 =	vsel vm0, v5, v41  }
0xca: {  	v9 =	vmul.u32 $0x38, v45;
	v46 =	vadd.s32 v2, v10;
	vm0 =	vlt.s32 v5, v6  }
0xcb: {  	v5 =	vsel vm0, v5, v6;
	v6 =	vld.idx.msk [tilespmem:v42+s6+$0x0], $0xffff  }
0xcc: {  	v9 =	vbroadcast v9, $0x0;
	v10 =	vadd.s32 v3, v10;
	vm0 =	vlt.s32 v5, v7  }
0xcd: {  	v5 =	vsel vm0, v5, v7;
	v7 =	vld.idx.msk [tilespmem:v43+s6+$0x0], $0xffff  }
0xce: {  	v47 =	vadd.s32 v0, v9;
	vm0 =	vlt.s32 v5, v44  }
0xcf: {  	v48 =	vld.idx.msk [tilespmem:v46+s6+$0x0], $0xffff;
	v5 =	vsel vm0, v5, v44  }
0xd0: {  	s17 =	sor.u32 $0xE, s8;
	v49 =	vadd.s32 v1, v9;
	vm0 =	vlt.s32 v5, v6  }
0xd1: {  	v50 =	vmov s17;
	v5 =	vsel vm0, v5, v6;
	v6 =	vld.idx.msk [tilespmem:v10+s6+$0x0], $0xffff  }
0xd2: {  	v51 =	vadd.s32 v2, v9;
	v10 =	vmul.u32 $0x38, v50;
	vm0 =	vlt.s32 v5, v7  }
0xd3: {  	v5 =	vsel vm0, v5, v7;
	v7 =	vld.idx.msk [tilespmem:v47+s6+$0x0], $0xffff  }
0xd4: {  	v9 =	vadd.s32 v3, v9;
	v10 =	vbroadcast v10, $0x0;
	vm0 =	vlt.s32 v5, v48  }
0xd5: {  	v52 =	vld.idx.msk [tilespmem:v49+s6+$0x0], $0xffff;
	v5 =	vsel vm0, v5, v48  }
0xd6: {  	v53 =	vor.u32 v0, v10;
	vm0 =	vlt.s32 v5, v6  }
0xd7: {  	v5 =	vsel vm0, v5, v6;
	v6 =	vld.idx.msk [tilespmem:v51+s6+$0x0], $0xffff  }
0xd8: {  	s20 =	sor.u32 $0xF, s8;
	v54 =	vadd.s32 v1, v10;
	vm0 =	vlt.s32 v5, v7  }
0xd9: {  	v55 =	vmov s20;
	v5 =	vsel vm0, v5, v7;
	v7 =	vld.idx.msk [tilespmem:v9+s6+$0x0], $0xffff  }
0xda: {  	v56 =	vor.u32 v2, v10;
	v9 =	vmul.u32 $0x38, v55;
	vm0 =	vlt.s32 v5, v52  }
0xdb: {  	v57 =	vld.idx.msk [tilespmem:v53+s6+$0x0], $0xffff;
	v5 =	vsel vm0, v5, v52  }
0xdc: {  	v10 =	vadd.s32 v3, v10;
	v9 =	vbroadcast v9, $0x0;
	vm0 =	vlt.s32 v5, v6  }
0xdd: {  	v5 =	vsel vm0, v5, v6;
	v6 =	vld.idx.msk [tilespmem:v54+s6+$0x0], $0xffff  }
0xde: {  	v58 =	vadd.s32 v0, v9;
	vm0 =	vlt.s32 v5, v7  }
0xdf: {  	v5 =	vsel vm0, v5, v7;
	v7 =	vld.idx.msk [tilespmem:v56+s6+$0x0], $0xffff  }
0xe0: {  	v59 =	vadd.s32 v1, v9;
	vm0 =	vlt.s32 v5, v57  }
0xe1: {  	v60 =	vld.idx.msk [tilespmem:v10+s6+$0x0], $0xffff;
	v5 =	vsel vm0, v5, v57  }
0xe2: {  	v61 =	vadd.s32 v2, v9;
	vm0 =	vlt.s32 v5, v6  }
0xe3: {  	v5 =	vsel vm0, v5, v6;
	v6 =	vld.idx.msk [tilespmem:v58+s6+$0x0], $0xffff  }
0xe4: {  	v9 =	vadd.s32 v3, v9;
	vm0 =	vlt.s32 v5, v7  }
0xe5: {  	v5 =	vsel vm0, v5, v7;
	v7 =	vld.idx.msk [tilespmem:v59+s6+$0x0], $0xffff  }
0xe6: {  	vm0 =	vlt.s32 v5, v60  }
0xe7: {  	v62 =	vld.idx.msk [tilespmem:v61+s6+$0x0], $0xffff;
	v5 =	vsel vm0, v5, v60  }
0xe8: {  	vm0 =	vlt.s32 v5, v6  }
0xe9: {  	v5 =	vsel vm0, v5, v6;
	v6 =	vld.idx.msk [tilespmem:v9+s6+$0x0], $0xffff  }
0xea: {  	vm0 =	vlt.s32 v5, v7  }
0xeb: {  	v5 =	vsel vm0, v5, v7  }
0xec: {  	vm0 =	vlt.s32 v5, v62  }
0xed: {  	v5 =	vsel vm0, v5, v62  }
0xee: {  	vm0 =	vlt.s32 v5, v6  }
0xef: {  	v5 =	vsel vm0, v5, v6  }
0xf0: {  	vm0 =	veq.s32 v5, $0x0  }
0xf1: {  	v5 =	vmpcnt.ones.xlane vm0;
	_ =	sdelay $0x1  }
0xf2: {  	(v2sf) =	vpush v5, $0x0;
	_ =	sdelay $0xe  }
0xf3: {  	s21 =	spop (v2sf)  }
0xf4: {  	p0 =	slt.s32 s21, $0x1  }
.Ltmp4:
0xf5: {  	_ = 	snop;
	(pc) =	sbr.rel @p0 .LBB2_6-.Ltmp4, $4  }
0xf6: {  	_ = 	snop  }
0xf7: {  	_ =	swait.ge [sflag:s13], $0xC800  }
0xf8: {  	[sflag:s13] =	ssyncset.done $0x0  }
0xf9: {  	[sflag:s13] =	ssyncadd.s32 $0xFFFF3800  }
0xfa: {  	s15 =	sand.u32 $0xFFFE, s6  }
0xfb: {  	s15 =	sshrl.u32 s15, $0x1  }
0xfc: {  	s15 =	smul.u32 $0x147B, s15;
	_ =	sdelay $0x1  }
0xfd: {  	s15 =	sshrl.u32 s15, $0x11  }
0xfe: {  	s16 =	smul.u32 $0x32, s15;
	s17 =	sor.u32 s15, s8  }
0xff: {  	v5 =	vmov s17  }
0x100: {  	s16 =	ssub.s32 $0x0, s16;
	v5 =	vmul.u32 $0x38, v5  }
0x101: {  	v6 =	vmov s15;
	s17 =	sand.u32 $0xFFFF, s16  }
0x102: {  	v6 =	vmul.u32 $0xC80, v6;
	v7 =	vmov s17;
	v5 =	vbroadcast v5, $0x0  }
0x103: {  	v8 =	vand.u32 $0x38, v7  }
0x104: {  	v6 =	vbroadcast v6, $0x0;
	v9 =	vand.u32 $0x7, v7;
	v5 =	vadd.s32 v8, v5  }
0x105: {  	v7 =	vshll.u32 v7, $0x6;
	v5 =	vor.u32 v9, v5  }
0x106: {  	v6 =	vadd.s32 v7, v6  }
0x107: {  	v7 =	vor.u32 v0, v6;
	_ =	sdelay $0x2  }
0x108: {  	v5 =	vld.idx.msk [tilespmem:v5+s4+$0x0], $0xffff;
	_ =	sdelay $0x1  }
0x109: {  	v8 =	vld.idx.msk [tilespmem:v7+s10+$0x0], $0xffff;
	_ =	sdelay $0x2  }
0x10a: {  	vm0 =	veq.s32 v5, $0x0;
	v5 =	vor.u32 v1, v6  }
0x10b: {  	v10 =	vsel vm0, $0x0, v4  }
0x10c: {  	v8 =	vmul.f32 v10, v8;
	_ =	sdelay $0x1  }
0x10d: {  	[tilespmem:v7+s10+$0x0] =	vst.idx.msk $0xffff, v8  }
0x10e: {  	v7 =	vld.idx.msk [tilespmem:v5+s10+$0x0], $0xffff;
	_ =	sdelay $0x2  }
0x10f: {  	v8 =	vor.u32 v2, v6;
	_ =	sdelay $0x1  }
0x110: {  	v7 =	vmul.f32 v7, v10;
	_ =	sdelay $0x1  }
0x111: {  	s20 =	simm.s32 $0x1;
	[tilespmem:v5+s10+$0x0] =	vst.idx.msk $0xffff, v7  }
0x112: {  	s15 =	sand.u32 $0xFFFE, s20;
	v9 =	vld.idx.msk [tilespmem:v8+s10+$0x0], $0xffff  }
0x113: {  	s15 =	sshrl.u32 s15, $0x1  }
0x114: {  	s15 =	smul.u32 $0x147B, s15  }
0x115: {  	v5 =	vor.u32 $0x30, v0  }
0x116: {  	s15 =	sshrl.u32 s15, $0x11;
	v7 =	vor.u32 v5, v6  }
0x117: {  	s21 =	smul.u32 $0x32, s15;
	s20 =	sor.u32 s15, s8;
	v6 =	vmul.f32 v9, v10  }
0x118: {  	v11 =	vmov s20  }
0x119: {  	s21 =	ssub.s32 $0x1, s21;
	[tilespmem:v8+s10+$0x0] =	vst.idx.msk $0xffff, v6;
	v8 =	vmul.u32 $0x38, v11  }
0x11a: {  	v9 =	vmov s15;
	s15 =	sand.u32 $0xFFFF, s21  }
0x11b: {  	v6 =	vmul.u32 $0xC80, v9;
	v9 =	vmov s15;
	v11 =	vld.idx.msk [tilespmem:v7+s10+$0x0], $0xffff;
	v8 =	vbroadcast v8, $0x0  }
0x11c: {  	v12 =	vand.u32 $0x38, v9;
	v13 =	vshll.u32 v9, $0x6  }
0x11d: {  	v9 =	vand.u32 $0x7, v9;
	v6 =	vbroadcast v6, $0x0;
	v8 =	vadd.s32 v12, v8  }
0x11e: {  	v9 =	vor.u32 v9, v8  }
0x11f: {  	v6 =	vadd.s32 v13, v6  }
0x120: {  	s15 =	simm.s32 $0x2;
	v8 =	vor.u32 v0, v6;
	v10 =	vmul.f32 v11, v10  }
.LBB2_4:
0x121: {  	_ = 	snop  }
0x122: {  	p0 =	sne.s32 s15, $0x31F;
	s16 =	smov.u32 s15;
	s15 =	sadd.s32 $0x1, s15;
	[tilespmem:v7+s10+$0x0] =	vst.idx.msk $0xffff, v10  }
0x123: {  	v7 =	vld.idx.msk [tilespmem:v9+s4+$0x0], $0xffff;
	_ =	sdelay $0x1  }
0x124: {  	v9 =	vld.idx.msk [tilespmem:v8+s10+$0x0], $0xffff;
	_ =	sdelay $0x3  }
0x125: {  	vm0 =	veq.s32 v7, $0x0;
	v7 =	vor.u32 v1, v6  }
0x126: {  	v10 =	vsel vm0, $0x0, v4  }
0x127: {  	v9 =	vmul.f32 v10, v9;
	_ =	sdelay $0x1  }
0x128: {  	[tilespmem:v8+s10+$0x0] =	vst.idx.msk $0xffff, v9  }
0x129: {  	v8 =	vld.idx.msk [tilespmem:v7+s10+$0x0], $0xffff;
	_ =	sdelay $0x3  }
0x12a: {  	v9 =	vor.u32 v2, v6;
	_ =	sdelay $0x1  }
0x12b: {  	v8 =	vmul.f32 v8, v10;
	_ =	sdelay $0x1  }
0x12c: {  	[tilespmem:v7+s10+$0x0] =	vst.idx.msk $0xffff, v8  }
0x12d: {  	v8 =	vld.idx.msk [tilespmem:v9+s10+$0x0], $0xffff  }
0x12e: {  	s17 =	sand.u32 $0xFFFE, s16  }
0x12f: {  	s17 =	sshrl.u32 s17, $0x1  }
0x130: {  	s17 =	smul.u32 $0x147B, s17  }
0x131: {  	v7 =	vor.u32 v5, v6  }
0x132: {  	s17 =	sshrl.u32 s17, $0x11  }
0x133: {  	s20 =	smul.u32 $0x32, s17;
	s21 =	sor.u32 s17, s8;
	v6 =	vmov s17;
	v8 =	vmul.f32 v8, v10  }
0x134: {  	v11 =	vmov s21;
	v6 =	vmul.u32 $0xC80, v6  }
0x135: {  	s16 =	ssub.s32 s16, s20;
	v11 =	vmul.u32 $0x38, v11;
	[tilespmem:v9+s10+$0x0] =	vst.idx.msk $0xffff, v8  }
0x136: {  	s16 =	sand.u32 $0xFFFF, s16;
	v12 =	vld.idx.msk [tilespmem:v7+s10+$0x0], $0xffff  }
0x137: {  	v6 =	vbroadcast v6, $0x0;
	v8 =	vmov s16;
	v9 =	vbroadcast v11, $0x0  }
.Ltmp5:
0x138: {  	v11 =	vand.u32 $0x38, v8;
	v13 =	vshll.u32 v8, $0x6;
	(pc) =	sbr.rel @p0 .LBB2_4-.Ltmp5, $3  }
0x139: {  	v8 =	vand.u32 $0x7, v8;
	v9 =	vadd.s32 v11, v9;
	v6 =	vadd.s32 v13, v6  }
0x13a: {  	v9 =	vor.u32 v8, v9;
	_ =	sdelay $0x1  }
0x13b: {  	v8 =	vor.u32 v0, v6;
	v10 =	vmul.f32 v12, v10  }
0x13c: {  	_ =	sdelay $0x3  }
0x13d: {  	[tilespmem:v7+s10+$0x0] =	vst.idx.msk $0xffff, v10  }
0x13e: {  	v7 =	vld.idx.msk [tilespmem:v9+s4+$0x0], $0xffff;
	_ =	sdelay $0x1  }
0x13f: {  	v60 =	vld.idx.msk [tilespmem:v8+s10+$0x0], $0xffff;
	_ =	sdelay $0x2  }
0x140: {  	vm0 =	veq.s32 v7, $0x0;
	v7 =	vor.u32 v1, v6  }
0x141: {  	v61 =	vsel vm0, $0x0, v4  }
0x142: {  	v9 =	vmul.f32 v61, v60;
	_ =	sdelay $0x1  }
0x143: {  	[tilespmem:v8+s10+$0x0] =	vst.idx.msk $0xffff, v9  }
0x144: {  	v8 =	vld.idx.msk [tilespmem:v7+s10+$0x0], $0xffff;
	_ =	sdelay $0x2  }
0x145: {  	v62 =	vor.u32 v2, v6;
	_ =	sdelay $0x1  }
0x146: {  	v8 =	vmul.f32 v8, v61;
	_ =	sdelay $0x1  }
0x147: {  	[tilespmem:v7+s10+$0x0] =	vst.idx.msk $0xffff, v8  }
0x148: {  	v7 =	vld.idx.msk [tilespmem:v62+s10+$0x0], $0xffff;
	_ =	sdelay $0x2  }
0x149: {  	v5 =	vor.u32 v5, v6;
	_ =	sdelay $0x1  }
0x14a: {  	v6 =	vmul.f32 v7, v61;
	_ =	sdelay $0x1  }
0x14b: {  	[tilespmem:v62+s10+$0x0] =	vst.idx.msk $0xffff, v6  }
0x14c: {  	v6 =	vld.idx.msk [tilespmem:v5+s10+$0x0], $0xffff;
	_ =	sdelay $0x4  }
0x14d: {  	v6 =	vmul.f32 v6, v61;
	_ =	sdelay $0x1  }
0x14e: {  	[tilespmem:v5+s10+$0x0] =	vst.idx.msk $0xffff, v6  }
.LBB2_6:
0x14f: {  	s8 =	sadd.s32 s3, s8  }
0x150: {  	s8 =	smul.u32 $0x190, s8;
	_ =	sdelay $0x1  }
0x151: {  	p0 =	seq.s32 s18, $0xF;
	s8 =	sadd.s32 s2, s8  }
0x152: {  	[hbm4b:s8+s4] =	stream.linear.scatter [tilespmem:s10], [sflag:$0x3], $0xC800, $0x38;
	v63 =	vld [tilespmem:$0x0]  }
0x153: {  	s15 =	smul.u32 @!p0 $0x1C00, s18;
	s8 =	simm.s32 @!p0 $0x3  }
0x154: {  	_ =	swait.ge @!p0 [sflag:s8], $0xC800  }
0x155: {  	s16 =	simm.s32 @!p0 $0x32;
	s15 =	sshra.s32 @!p0 s15, $0x2;
	[sflag:s8] =	ssyncset.done @!p0 $0x0  }
0x156: {  	s17 =	simm.s32 @!p0 $0x7000;
	[sflag:s8] =	ssyncadd.s32 @!p0 $0xFFFF3800;
	s8 =	sadd.s32 @!p0 $0x700, s15  }
0x157: {  	[tilespmem:s17], [sflag:$0x1] =	stream.indirect.gather @!p0 [hbm4b:s5+s16], $0x40, s8, s16, $0xb8;
	v63 =	vld [tilespmem:$0x0]  }
0x158: {  	s8 =	sadd.s32 @!p0 $0x738, s15;
	s17 =	simm.s32 @!p0 $0x7C80  }
0x159: {  	[tilespmem:s17], [sflag:$0x1] =	stream.indirect.gather @!p0 [hbm4b:s5+s16], $0x40, s8, s16, $0xb8;
	v63 =	vld [tilespmem:$0x0]  }
0x15a: {  	s8 =	sadd.s32 @!p0 $0x770, s15;
	s17 =	simm.s32 @!p0 $0x8900  }
0x15b: {  	[tilespmem:s17], [sflag:$0x1] =	stream.indirect.gather @!p0 [hbm4b:s5+s16], $0x40, s8, s16, $0xb8;
	v63 =	vld [tilespmem:$0x0]  }
0x15c: {  	s8 =	sadd.s32 @!p0 $0x7A8, s15;
	s17 =	simm.s32 @!p0 $0x9580  }
0x15d: {  	[tilespmem:s17], [sflag:$0x1] =	stream.indirect.gather @!p0 [hbm4b:s5+s16], $0x40, s8, s16, $0xb8;
	v63 =	vld [tilespmem:$0x0]  }
0x15e: {  	s8 =	sadd.s32 @!p0 $0x7E0, s15;
	s17 =	simm.s32 @!p0 $0xA200  }
0x15f: {  	[tilespmem:s17], [sflag:$0x1] =	stream.indirect.gather @!p0 [hbm4b:s5+s16], $0x40, s8, s16, $0xb8;
	v63 =	vld [tilespmem:$0x0]  }
0x160: {  	s8 =	sadd.s32 @!p0 $0x818, s15;
	s17 =	simm.s32 @!p0 $0xAE80  }
0x161: {  	[tilespmem:s17], [sflag:$0x1] =	stream.indirect.gather @!p0 [hbm4b:s5+s16], $0x40, s8, s16, $0xb8;
	v63 =	vld [tilespmem:$0x0]  }
0x162: {  	s8 =	sadd.s32 @!p0 $0x850, s15;
	s17 =	simm.s32 @!p0 $0xBB00  }
0x163: {  	[tilespmem:s17], [sflag:$0x1] =	stream.indirect.gather @!p0 [hbm4b:s5+s16], $0x40, s8, s16, $0xb8;
	v63 =	vld [tilespmem:$0x0]  }
0x164: {  	s8 =	sadd.s32 @!p0 $0x888, s15;
	s17 =	simm.s32 @!p0 $0xC780  }
0x165: {  	[tilespmem:s17], [sflag:$0x1] =	stream.indirect.gather @!p0 [hbm4b:s5+s16], $0x40, s8, s16, $0xb8;
	v63 =	vld [tilespmem:$0x0]  }
0x166: {  	s8 =	sadd.s32 @!p0 $0x8C0, s15;
	s17 =	simm.s32 @!p0 $0xD400  }
0x167: {  	[tilespmem:s17], [sflag:$0x1] =	stream.indirect.gather @!p0 [hbm4b:s5+s16], $0x40, s8, s16, $0xb8;
	v63 =	vld [tilespmem:$0x0]  }
0x168: {  	s8 =	sadd.s32 @!p0 $0x8F8, s15;
	s17 =	simm.s32 @!p0 $0xE080  }
0x169: {  	[tilespmem:s17], [sflag:$0x1] =	stream.indirect.gather @!p0 [hbm4b:s5+s16], $0x40, s8, s16, $0xb8;
	v63 =	vld [tilespmem:$0x0]  }
0x16a: {  	s8 =	sadd.s32 @!p0 $0x930, s15;
	s17 =	simm.s32 @!p0 $0xED00  }
0x16b: {  	[tilespmem:s17], [sflag:$0x1] =	stream.indirect.gather @!p0 [hbm4b:s5+s16], $0x40, s8, s16, $0xb8;
	v63 =	vld [tilespmem:$0x0]  }
0x16c: {  	s8 =	sshll.u32 s7, $0x4  }
0x16d: {  	s20 =	simm.s32 @!p0 $0xF980;
	s17 =	sadd.s32 @!p0 $0x968, s15;
	v5 =	vmov s8  }
0x16e: {  	[tilespmem:s20], [sflag:$0x1] =	stream.indirect.gather @!p0 [hbm4b:s5+s16], $0x40, s17, s16, $0xb8;
	v5 =	vmul.u32 $0x38, v5;
	v63 =	vld [tilespmem:$0x0]  }
0x16f: {  	s17 =	sadd.s32 @!p0 $0x9A0, s15;
	s20 =	simm.s32 @!p0 $0x10600  }
0x170: {  	[tilespmem:s20], [sflag:$0x1] =	stream.indirect.gather @!p0 [hbm4b:s5+s16], $0x40, s17, s16, $0xb8;
	v5 =	vbroadcast v5, $0x0;
	v63 =	vld [tilespmem:$0x0]  }
0x171: {  	s17 =	sadd.s32 @!p0 $0x9D8, s15;
	s20 =	simm.s32 @!p0 $0x11280  }
0x172: {  	[tilespmem:s20], [sflag:$0x1] =	stream.indirect.gather @!p0 [hbm4b:s5+s16], $0x40, s17, s16, $0xb8;
	v6 =	vor.u32 v0, v5;
	v63 =	vld [tilespmem:$0x0]  }
0x173: {  	s21 =	sor.u32 $0x1, s8;
	s17 =	sadd.s32 @!p0 $0xA10, s15;
	s20 =	simm.s32 @!p0 $0x11F00;
	v7 =	vor.u32 v1, v5  }
0x174: {  	v8 =	vmov s21;
	[tilespmem:s20], [sflag:$0x1] =	stream.indirect.gather @!p0 [hbm4b:s5+s16], $0x40, s17, s16, $0xb8;
	v63 =	vld [tilespmem:$0x0]  }
0x175: {  	v8 =	vmul.u32 $0x38, v8;
	s15 =	sadd.s32 @!p0 $0xA48, s15;
	v9 =	vor.u32 v2, v5;
	s17 =	simm.s32 @!p0 $0x12B80  }
0x176: {  	[tilespmem:s17], [sflag:$0x1] =	stream.indirect.gather @!p0 [hbm4b:s5+s16], $0x40, s15, s16, $0xb8;
	v63 =	vld [tilespmem:$0x0]  }
0x177: {  	v8 =	vbroadcast v8, $0x0;
	v5 =	vor.u32 v3, v5;
	v6 =	vld.idx.msk [tilespmem:v6+s6+$0x0], $0xffff  }
0x178: {  	v7 =	vld.idx.msk [tilespmem:v7+s6+$0x0], $0xffff  }
0x179: {  	v10 =	vadd.s32 v0, v8  }
0x17a: {  	v9 =	vld.idx.msk [tilespmem:v9+s6+$0x0], $0xffff  }
0x17b: {  	v11 =	vadd.s32 v1, v8;
	s17 =	sor.u32 $0x2, s8  }
0x17c: {  	v5 =	vld.idx.msk [tilespmem:v5+s6+$0x0], $0xffff;
	v12 =	vmov s17  }
0x17d: {  	v13 =	vadd.s32 v2, v8;
	v12 =	vmul.u32 $0x38, v12;
	vm0 =	vlt.s32 v6, v7  }
0x17e: {  	v6 =	vsel vm0, v6, v7;
	v7 =	vld.idx.msk [tilespmem:v10+s6+$0x0], $0xffff  }
0x17f: {  	v8 =	vadd.s32 v3, v8;
	v36 =	vbroadcast v12, $0x0;
	vm0 =	vlt.s32 v6, v9  }
0x180: {  	v37 =	vld.idx.msk [tilespmem:v11+s6+$0x0], $0xffff;
	v6 =	vsel vm0, v6, v9  }
0x181: {  	v38 =	vor.u32 v0, v36;
	vm0 =	vlt.s32 v6, v5  }
0x182: {  	v5 =	vsel vm0, v6, v5;
	v6 =	vld.idx.msk [tilespmem:v13+s6+$0x0], $0xffff  }
0x183: {  	s20 =	sor.u32 $0x3, s8;
	v12 =	vadd.s32 v1, v36;
	vm0 =	vlt.s32 v5, v7  }
0x184: {  	v39 =	vmov s20;
	v5 =	vsel vm0, v5, v7;
	v7 =	vld.idx.msk [tilespmem:v8+s6+$0x0], $0xffff  }
0x185: {  	v40 =	vadd.s32 v2, v36;
	v8 =	vmul.u32 $0x38, v39;
	vm0 =	vlt.s32 v5, v37  }
0x186: {  	v41 =	vld.idx.msk [tilespmem:v38+s6+$0x0], $0xffff;
	v5 =	vsel vm0, v5, v37  }
0x187: {  	v10 =	vadd.s32 v3, v36;
	v8 =	vbroadcast v8, $0x0;
	vm0 =	vlt.s32 v5, v6  }
0x188: {  	v5 =	vsel vm0, v5, v6;
	v6 =	vld.idx.msk [tilespmem:v12+s6+$0x0], $0xffff  }
0x189: {  	v42 =	vadd.s32 v0, v8;
	vm0 =	vlt.s32 v5, v7  }
0x18a: {  	v5 =	vsel vm0, v5, v7;
	v7 =	vld.idx.msk [tilespmem:v40+s6+$0x0], $0xffff  }
0x18b: {  	s21 =	sor.u32 $0x4, s8;
	v43 =	vadd.s32 v1, v8;
	vm0 =	vlt.s32 v5, v41  }
0x18c: {  	v45 =	vmov s21;
	v44 =	vld.idx.msk [tilespmem:v10+s6+$0x0], $0xffff;
	v5 =	vsel vm0, v5, v41  }
0x18d: {  	v10 =	vmul.u32 $0x38, v45;
	v46 =	vadd.s32 v2, v8;
	vm0 =	vlt.s32 v5, v6  }
0x18e: {  	v5 =	vsel vm0, v5, v6;
	v6 =	vld.idx.msk [tilespmem:v42+s6+$0x0], $0xffff  }
0x18f: {  	v10 =	vbroadcast v10, $0x0;
	v8 =	vadd.s32 v3, v8;
	vm0 =	vlt.s32 v5, v7  }
0x190: {  	v5 =	vsel vm0, v5, v7;
	v7 =	vld.idx.msk [tilespmem:v43+s6+$0x0], $0xffff  }
0x191: {  	v47 =	vor.u32 v0, v10;
	vm0 =	vlt.s32 v5, v44  }
0x192: {  	v48 =	vld.idx.msk [tilespmem:v46+s6+$0x0], $0xffff;
	v5 =	vsel vm0, v5, v44  }
0x193: {  	s16 =	sor.u32 $0x5, s8;
	v49 =	vor.u32 v1, v10;
	vm0 =	vlt.s32 v5, v6  }
0x194: {  	v50 =	vmov s16;
	v5 =	vsel vm0, v5, v6;
	v6 =	vld.idx.msk [tilespmem:v8+s6+$0x0], $0xffff  }
0x195: {  	v51 =	vadd.s32 v2, v10;
	v8 =	vmul.u32 $0x38, v50;
	vm0 =	vlt.s32 v5, v7  }
0x196: {  	v5 =	vsel vm0, v5, v7;
	v7 =	vld.idx.msk [tilespmem:v47+s6+$0x0], $0xffff  }
0x197: {  	v10 =	vadd.s32 v3, v10;
	v8 =	vbroadcast v8, $0x0;
	vm0 =	vlt.s32 v5, v48  }
0x198: {  	v52 =	vld.idx.msk [tilespmem:v49+s6+$0x0], $0xffff;
	v5 =	vsel vm0, v5, v48  }
0x199: {  	v53 =	vadd.s32 v0, v8;
	vm0 =	vlt.s32 v5, v6  }
0x19a: {  	v5 =	vsel vm0, v5, v6;
	v6 =	vld.idx.msk [tilespmem:v51+s6+$0x0], $0xffff  }
0x19b: {  	s17 =	sor.u32 $0x6, s8;
	v54 =	vadd.s32 v1, v8;
	vm0 =	vlt.s32 v5, v7  }
0x19c: {  	v55 =	vmov s17;
	v5 =	vsel vm0, v5, v7;
	v7 =	vld.idx.msk [tilespmem:v10+s6+$0x0], $0xffff  }
0x19d: {  	v56 =	vadd.s32 v2, v8;
	v10 =	vmul.u32 $0x38, v55;
	vm0 =	vlt.s32 v5, v52  }
0x19e: {  	v57 =	vld.idx.msk [tilespmem:v53+s6+$0x0], $0xffff;
	v5 =	vsel vm0, v5, v52  }
0x19f: {  	v8 =	vadd.s32 v3, v8;
	v10 =	vbroadcast v10, $0x0;
	vm0 =	vlt.s32 v5, v6  }
0x1a0: {  	v5 =	vsel vm0, v5, v6;
	v6 =	vld.idx.msk [tilespmem:v54+s6+$0x0], $0xffff  }
0x1a1: {  	v58 =	vor.u32 v0, v10;
	vm0 =	vlt.s32 v5, v7  }
0x1a2: {  	v5 =	vsel vm0, v5, v7;
	v7 =	vld.idx.msk [tilespmem:v56+s6+$0x0], $0xffff  }
0x1a3: {  	s20 =	sor.u32 $0x7, s8;
	v59 =	vadd.s32 v1, v10;
	vm0 =	vlt.s32 v5, v57  }
0x1a4: {  	v60 =	vmov s20;
	v8 =	vld.idx.msk [tilespmem:v8+s6+$0x0], $0xffff;
	v5 =	vsel vm0, v5, v57  }
0x1a5: {  	v9 =	vmul.u32 $0x38, v60;
	v61 =	vor.u32 v2, v10;
	vm0 =	vlt.s32 v5, v6  }
0x1a6: {  	v5 =	vsel vm0, v5, v6;
	v6 =	vld.idx.msk [tilespmem:v58+s6+$0x0], $0xffff  }
0x1a7: {  	v9 =	vbroadcast v9, $0x0;
	v10 =	vadd.s32 v3, v10;
	vm0 =	vlt.s32 v5, v7  }
0x1a8: {  	v5 =	vsel vm0, v5, v7;
	v7 =	vld.idx.msk [tilespmem:v59+s6+$0x0], $0xffff  }
0x1a9: {  	v62 =	vadd.s32 v0, v9;
	vm0 =	vlt.s32 v5, v8  }
0x1aa: {  	v16 =	vld.idx.msk [tilespmem:v61+s6+$0x0], $0xffff;
	v5 =	vsel vm0, v5, v8  }
0x1ab: {  	s21 =	sor.u32 $0x8, s8;
	v17 =	vadd.s32 v1, v9;
	vm0 =	vlt.s32 v5, v6  }
0x1ac: {  	v18 =	vmov s21;
	v5 =	vsel vm0, v5, v6;
	v6 =	vld.idx.msk [tilespmem:v10+s6+$0x0], $0xffff  }
0x1ad: {  	v19 =	vadd.s32 v2, v9;
	v10 =	vmul.u32 $0x38, v18;
	vm0 =	vlt.s32 v5, v7  }
0x1ae: {  	v5 =	vsel vm0, v5, v7;
	v7 =	vld.idx.msk [tilespmem:v62+s6+$0x0], $0xffff  }
0x1af: {  	v9 =	vadd.s32 v3, v9;
	v10 =	vbroadcast v10, $0x0;
	vm0 =	vlt.s32 v5, v16  }
0x1b0: {  	v20 =	vld.idx.msk [tilespmem:v17+s6+$0x0], $0xffff;
	v5 =	vsel vm0, v5, v16  }
0x1b1: {  	v21 =	vor.u32 v0, v10;
	vm0 =	vlt.s32 v5, v6  }
0x1b2: {  	v5 =	vsel vm0, v5, v6;
	v6 =	vld.idx.msk [tilespmem:v19+s6+$0x0], $0xffff  }
0x1b3: {  	s16 =	sor.u32 $0x9, s8;
	v22 =	vor.u32 v1, v10;
	vm0 =	vlt.s32 v5, v7  }
0x1b4: {  	v23 =	vmov s16;
	v5 =	vsel vm0, v5, v7;
	v7 =	vld.idx.msk [tilespmem:v9+s6+$0x0], $0xffff  }
0x1b5: {  	v24 =	vor.u32 v2, v10;
	v9 =	vmul.u32 $0x38, v23;
	vm0 =	vlt.s32 v5, v20  }
0x1b6: {  	v25 =	vld.idx.msk [tilespmem:v21+s6+$0x0], $0xffff;
	v5 =	vsel vm0, v5, v20  }
0x1b7: {  	v10 =	vor.u32 v3, v10;
	v9 =	vbroadcast v9, $0x0;
	vm0 =	vlt.s32 v5, v6  }
0x1b8: {  	v5 =	vsel vm0, v5, v6;
	v6 =	vld.idx.msk [tilespmem:v22+s6+$0x0], $0xffff  }
0x1b9: {  	v26 =	vadd.s32 v0, v9;
	vm0 =	vlt.s32 v5, v7  }
0x1ba: {  	v5 =	vsel vm0, v5, v7;
	v7 =	vld.idx.msk [tilespmem:v24+s6+$0x0], $0xffff  }
0x1bb: {  	s17 =	sor.u32 $0xA, s8;
	v27 =	vadd.s32 v1, v9;
	vm0 =	vlt.s32 v5, v25  }
0x1bc: {  	v29 =	vmov s17;
	v28 =	vld.idx.msk [tilespmem:v10+s6+$0x0], $0xffff;
	v5 =	vsel vm0, v5, v25  }
0x1bd: {  	v10 =	vmul.u32 $0x38, v29;
	v30 =	vadd.s32 v2, v9;
	vm0 =	vlt.s32 v5, v6  }
0x1be: {  	v5 =	vsel vm0, v5, v6;
	v6 =	vld.idx.msk [tilespmem:v26+s6+$0x0], $0xffff  }
0x1bf: {  	v10 =	vbroadcast v10, $0x0;
	v9 =	vadd.s32 v3, v9;
	vm0 =	vlt.s32 v5, v7  }
0x1c0: {  	v5 =	vsel vm0, v5, v7;
	v7 =	vld.idx.msk [tilespmem:v27+s6+$0x0], $0xffff  }
0x1c1: {  	v31 =	vor.u32 v0, v10;
	vm0 =	vlt.s32 v5, v28  }
0x1c2: {  	v32 =	vld.idx.msk [tilespmem:v30+s6+$0x0], $0xffff;
	v5 =	vsel vm0, v5, v28  }
0x1c3: {  	s20 =	sor.u32 $0xB, s8;
	v33 =	vadd.s32 v1, v10;
	vm0 =	vlt.s32 v5, v6  }
0x1c4: {  	v34 =	vmov s20;
	v5 =	vsel vm0, v5, v6;
	v6 =	vld.idx.msk [tilespmem:v9+s6+$0x0], $0xffff  }
0x1c5: {  	v35 =	vadd.s32 v2, v10;
	v9 =	vmul.u32 $0x38, v34;
	vm0 =	vlt.s32 v5, v7  }
0x1c6: {  	v5 =	vsel vm0, v5, v7;
	v7 =	vld.idx.msk [tilespmem:v31+s6+$0x0], $0xffff  }
0x1c7: {  	v10 =	vadd.s32 v3, v10;
	v9 =	vbroadcast v9, $0x0;
	vm0 =	vlt.s32 v5, v32  }
0x1c8: {  	v36 =	vld.idx.msk [tilespmem:v33+s6+$0x0], $0xffff;
	v5 =	vsel vm0, v5, v32  }
0x1c9: {  	v37 =	vadd.s32 v0, v9;
	vm0 =	vlt.s32 v5, v6  }
0x1ca: {  	v5 =	vsel vm0, v5, v6;
	v6 =	vld.idx.msk [tilespmem:v35+s6+$0x0], $0xffff  }
0x1cb: {  	s21 =	sor.u32 $0xC, s8;
	v38 =	vadd.s32 v1, v9;
	vm0 =	vlt.s32 v5, v7  }
0x1cc: {  	v39 =	vmov s21;
	v5 =	vsel vm0, v5, v7;
	v7 =	vld.idx.msk [tilespmem:v10+s6+$0x0], $0xffff  }
0x1cd: {  	v40 =	vadd.s32 v2, v9;
	v10 =	vmul.u32 $0x38, v39;
	vm0 =	vlt.s32 v5, v36  }
0x1ce: {  	v41 =	vld.idx.msk [tilespmem:v37+s6+$0x0], $0xffff;
	v5 =	vsel vm0, v5, v36  }
0x1cf: {  	v9 =	vadd.s32 v3, v9;
	v10 =	vbroadcast v10, $0x0;
	vm0 =	vlt.s32 v5, v6  }
0x1d0: {  	v5 =	vsel vm0, v5, v6;
	v6 =	vld.idx.msk [tilespmem:v38+s6+$0x0], $0xffff  }
0x1d1: {  	v42 =	vor.u32 v0, v10;
	vm0 =	vlt.s32 v5, v7  }
0x1d2: {  	v5 =	vsel vm0, v5, v7;
	v7 =	vld.idx.msk [tilespmem:v40+s6+$0x0], $0xffff  }
0x1d3: {  	s16 =	sor.u32 $0xD, s8;
	v43 =	vor.u32 v1, v10;
	vm0 =	vlt.s32 v5, v41  }
0x1d4: {  	v45 =	vmov s16;
	v44 =	vld.idx.msk [tilespmem:v9+s6+$0x0], $0xffff;
	v5 =	vsel vm0, v5, v41  }
0x1d5: {  	v9 =	vmul.u32 $0x38, v45;
	v46 =	vadd.s32 v2, v10;
	vm0 =	vlt.s32 v5, v6  }
0x1d6: {  	v5 =	vsel vm0, v5, v6;
	v6 =	vld.idx.msk [tilespmem:v42+s6+$0x0], $0xffff  }
0x1d7: {  	v9 =	vbroadcast v9, $0x0;
	v10 =	vadd.s32 v3, v10;
	vm0 =	vlt.s32 v5, v7  }
0x1d8: {  	v5 =	vsel vm0, v5, v7;
	v7 =	vld.idx.msk [tilespmem:v43+s6+$0x0], $0xffff  }
0x1d9: {  	v47 =	vadd.s32 v0, v9;
	vm0 =	vlt.s32 v5, v44  }
0x1da: {  	v48 =	vld.idx.msk [tilespmem:v46+s6+$0x0], $0xffff;
	v5 =	vsel vm0, v5, v44  }
0x1db: {  	s17 =	sor.u32 $0xE, s8;
	v49 =	vadd.s32 v1, v9;
	vm0 =	vlt.s32 v5, v6  }
0x1dc: {  	v50 =	vmov s17;
	v5 =	vsel vm0, v5, v6;
	v6 =	vld.idx.msk [tilespmem:v10+s6+$0x0], $0xffff  }
0x1dd: {  	v51 =	vadd.s32 v2, v9;
	v10 =	vmul.u32 $0x38, v50;
	vm0 =	vlt.s32 v5, v7  }
0x1de: {  	v5 =	vsel vm0, v5, v7;
	v7 =	vld.idx.msk [tilespmem:v47+s6+$0x0], $0xffff  }
0x1df: {  	v9 =	vadd.s32 v3, v9;
	v10 =	vbroadcast v10, $0x0;
	vm0 =	vlt.s32 v5, v48  }
0x1e0: {  	v52 =	vld.idx.msk [tilespmem:v49+s6+$0x0], $0xffff;
	v5 =	vsel vm0, v5, v48  }
0x1e1: {  	v53 =	vor.u32 v0, v10;
	vm0 =	vlt.s32 v5, v6  }
0x1e2: {  	v5 =	vsel vm0, v5, v6;
	v6 =	vld.idx.msk [tilespmem:v51+s6+$0x0], $0xffff  }
0x1e3: {  	s20 =	sshllo.u32 s7, $0x4;
	v54 =	vadd.s32 v1, v10;
	vm0 =	vlt.s32 v5, v7  }
0x1e4: {  	v55 =	vmov s20;
	v5 =	vsel vm0, v5, v7;
	v7 =	vld.idx.msk [tilespmem:v9+s6+$0x0], $0xffff  }
0x1e5: {  	v56 =	vor.u32 v2, v10;
	v9 =	vmul.u32 $0x38, v55;
	vm0 =	vlt.s32 v5, v52  }
0x1e6: {  	v57 =	vld.idx.msk [tilespmem:v53+s6+$0x0], $0xffff;
	v5 =	vsel vm0, v5, v52  }
0x1e7: {  	v10 =	vadd.s32 v3, v10;
	v9 =	vbroadcast v9, $0x0;
	vm0 =	vlt.s32 v5, v6  }
0x1e8: {  	v5 =	vsel vm0, v5, v6;
	v6 =	vld.idx.msk [tilespmem:v54+s6+$0x0], $0xffff  }
0x1e9: {  	v58 =	vadd.s32 v0, v9;
	vm0 =	vlt.s32 v5, v7  }
0x1ea: {  	v5 =	vsel vm0, v5, v7;
	v7 =	vld.idx.msk [tilespmem:v56+s6+$0x0], $0xffff  }
0x1eb: {  	v59 =	vadd.s32 v1, v9;
	vm0 =	vlt.s32 v5, v57  }
0x1ec: {  	v60 =	vld.idx.msk [tilespmem:v10+s6+$0x0], $0xffff;
	v5 =	vsel vm0, v5, v57  }
0x1ed: {  	v61 =	vadd.s32 v2, v9;
	vm0 =	vlt.s32 v5, v6  }
0x1ee: {  	v5 =	vsel vm0, v5, v6;
	v6 =	vld.idx.msk [tilespmem:v58+s6+$0x0], $0xffff  }
0x1ef: {  	v9 =	vadd.s32 v3, v9;
	vm0 =	vlt.s32 v5, v7  }
0x1f0: {  	v5 =	vsel vm0, v5, v7;
	v7 =	vld.idx.msk [tilespmem:v59+s6+$0x0], $0xffff  }
0x1f1: {  	vm0 =	vlt.s32 v5, v60  }
0x1f2: {  	v62 =	vld.idx.msk [tilespmem:v61+s6+$0x0], $0xffff;
	v5 =	vsel vm0, v5, v60  }
0x1f3: {  	vm0 =	vlt.s32 v5, v6  }
0x1f4: {  	v5 =	vsel vm0, v5, v6;
	v6 =	vld.idx.msk [tilespmem:v9+s6+$0x0], $0xffff  }
0x1f5: {  	vm0 =	vlt.s32 v5, v7  }
0x1f6: {  	v5 =	vsel vm0, v5, v7  }
0x1f7: {  	vm0 =	vlt.s32 v5, v62  }
0x1f8: {  	v5 =	vsel vm0, v5, v62  }
0x1f9: {  	vm0 =	vlt.s32 v5, v6  }
0x1fa: {  	v5 =	vsel vm0, v5, v6  }
0x1fb: {  	vm0 =	veq.s32 v5, $0x0  }
0x1fc: {  	v5 =	vmpcnt.ones.xlane vm0;
	_ =	sdelay $0x1  }
0x1fd: {  	(v2sf) =	vpush v5, $0x0;
	_ =	sdelay $0xe  }
0x1fe: {  	s21 =	spop (v2sf)  }
0x1ff: {  	p0 =	slt.s32 s21, $0x1  }
.Ltmp6:
0x200: {  	_ = 	snop;
	(pc) =	sbr.rel @p0 .LBB2_10-.Ltmp6, $4  }
0x201: {  	_ = 	snop  }
0x202: {  	_ =	swait.ge [sflag:s14], $0xC800  }
0x203: {  	[sflag:s14] =	ssyncset.done $0x0  }
0x204: {  	[sflag:s14] =	ssyncadd.s32 $0xFFFF3800  }
0x205: {  	s6 =	sand.u32 $0xFFFE, s6  }
0x206: {  	s6 =	sshrl.u32 s6, $0x1  }
0x207: {  	s6 =	smul.u32 $0x147B, s6;
	_ =	sdelay $0x1  }
0x208: {  	s6 =	sshrl.u32 s6, $0x11  }
0x209: {  	s7 =	smul.u32 $0x32, s6;
	s15 =	sadd.s32 s6, s8  }
0x20a: {  	v5 =	vmov s15  }
0x20b: {  	s7 =	ssub.s32 $0x0, s7;
	v5 =	vmul.u32 $0x38, v5  }
0x20c: {  	v6 =	vmov s6;
	s15 =	sand.u32 $0xFFFF, s7  }
0x20d: {  	v6 =	vmul.u32 $0xC80, v6;
	v7 =	vmov s15;
	v5 =	vbroadcast v5, $0x0  }
0x20e: {  	v8 =	vand.u32 $0x38, v7  }
0x20f: {  	v6 =	vbroadcast v6, $0x0;
	v9 =	vand.u32 $0x7, v7;
	v5 =	vadd.s32 v8, v5  }
0x210: {  	v7 =	vshll.u32 v7, $0x6;
	v5 =	vor.u32 v9, v5  }
0x211: {  	v6 =	vadd.s32 v7, v6  }
0x212: {  	v7 =	vor.u32 v0, v6;
	_ =	sdelay $0x2  }
0x213: {  	v5 =	vld.idx.msk [tilespmem:v5+s4+$0x0], $0xffff;
	_ =	sdelay $0x1  }
0x214: {  	v8 =	vld.idx.msk [tilespmem:v7+s19+$0x0], $0xffff;
	_ =	sdelay $0x2  }
0x215: {  	vm0 =	veq.s32 v5, $0x0;
	v5 =	vor.u32 v1, v6  }
0x216: {  	v10 =	vsel vm0, $0x0, v4  }
0x217: {  	v8 =	vmul.f32 v10, v8;
	_ =	sdelay $0x1  }
0x218: {  	[tilespmem:v7+s19+$0x0] =	vst.idx.msk $0xffff, v8  }
0x219: {  	v7 =	vld.idx.msk [tilespmem:v5+s19+$0x0], $0xffff;
	_ =	sdelay $0x2  }
0x21a: {  	v8 =	vor.u32 v2, v6;
	_ =	sdelay $0x1  }
0x21b: {  	v7 =	vmul.f32 v7, v10;
	_ =	sdelay $0x1  }
0x21c: {  	s16 =	simm.s32 $0x1;
	[tilespmem:v5+s19+$0x0] =	vst.idx.msk $0xffff, v7  }
0x21d: {  	s6 =	sand.u32 $0xFFFE, s16;
	v9 =	vld.idx.msk [tilespmem:v8+s19+$0x0], $0xffff  }
0x21e: {  	s6 =	sshrl.u32 s6, $0x1  }
0x21f: {  	s6 =	smul.u32 $0x147B, s6  }
0x220: {  	v5 =	vor.u32 $0x30, v0  }
0x221: {  	s6 =	sshrl.u32 s6, $0x11;
	v7 =	vor.u32 v5, v6  }
0x222: {  	s17 =	smul.u32 $0x32, s6;
	s20 =	sadd.s32 s6, s8;
	v6 =	vmul.f32 v9, v10  }
0x223: {  	v11 =	vmov s20  }
0x224: {  	s21 =	ssub.s32 $0x1, s17;
	[tilespmem:v8+s19+$0x0] =	vst.idx.msk $0xffff, v6;
	v8 =	vmul.u32 $0x38, v11  }
0x225: {  	v9 =	vmov s6;
	s6 =	sand.u32 $0xFFFF, s21  }
0x226: {  	v6 =	vmul.u32 $0xC80, v9;
	v9 =	vmov s6;
	v11 =	vld.idx.msk [tilespmem:v7+s19+$0x0], $0xffff;
	v8 =	vbroadcast v8, $0x0  }
0x227: {  	v12 =	vand.u32 $0x38, v9;
	v13 =	vshll.u32 v9, $0x6  }
0x228: {  	v9 =	vand.u32 $0x7, v9;
	v6 =	vbroadcast v6, $0x0;
	v8 =	vadd.s32 v12, v8  }
0x229: {  	v9 =	vor.u32 v9, v8  }
0x22a: {  	v6 =	vadd.s32 v13, v6  }
0x22b: {  	s6 =	simm.s32 $0x2;
	v8 =	vor.u32 v0, v6;
	v10 =	vmul.f32 v11, v10  }
.LBB2_8:
0x22c: {  	_ = 	snop  }
0x22d: {  	p0 =	sne.s32 s6, $0x31F;
	s7 =	smov.u32 s6;
	s6 =	sadd.s32 $0x1, s6;
	[tilespmem:v7+s19+$0x0] =	vst.idx.msk $0xffff, v10  }
0x22e: {  	v7 =	vld.idx.msk [tilespmem:v9+s4+$0x0], $0xffff;
	_ =	sdelay $0x1  }
0x22f: {  	v9 =	vld.idx.msk [tilespmem:v8+s19+$0x0], $0xffff;
	_ =	sdelay $0x3  }
0x230: {  	vm0 =	veq.s32 v7, $0x0;
	v7 =	vor.u32 v1, v6  }
0x231: {  	v10 =	vsel vm0, $0x0, v4  }
0x232: {  	v9 =	vmul.f32 v10, v9;
	_ =	sdelay $0x1  }
0x233: {  	[tilespmem:v8+s19+$0x0] =	vst.idx.msk $0xffff, v9  }
0x234: {  	v8 =	vld.idx.msk [tilespmem:v7+s19+$0x0], $0xffff;
	_ =	sdelay $0x3  }
0x235: {  	v9 =	vor.u32 v2, v6;
	_ =	sdelay $0x1  }
0x236: {  	v8 =	vmul.f32 v8, v10;
	_ =	sdelay $0x1  }
0x237: {  	[tilespmem:v7+s19+$0x0] =	vst.idx.msk $0xffff, v8  }
0x238: {  	v8 =	vld.idx.msk [tilespmem:v9+s19+$0x0], $0xffff  }
0x239: {  	s15 =	sand.u32 $0xFFFE, s7  }
0x23a: {  	s15 =	sshrl.u32 s15, $0x1  }
0x23b: {  	s15 =	smul.u32 $0x147B, s15  }
0x23c: {  	v7 =	vor.u32 v5, v6  }
0x23d: {  	s15 =	sshrl.u32 s15, $0x11  }
0x23e: {  	s16 =	smul.u32 $0x32, s15;
	s17 =	sadd.s32 s15, s8;
	v6 =	vmov s15;
	v8 =	vmul.f32 v8, v10  }
0x23f: {  	v11 =	vmov s17;
	v6 =	vmul.u32 $0xC80, v6  }
0x240: {  	s7 =	ssub.s32 s7, s16;
	v11 =	vmul.u32 $0x38, v11;
	[tilespmem:v9+s19+$0x0] =	vst.idx.msk $0xffff, v8  }
0x241: {  	s7 =	sand.u32 $0xFFFF, s7;
	v12 =	vld.idx.msk [tilespmem:v7+s19+$0x0], $0xffff  }
0x242: {  	v6 =	vbroadcast v6, $0x0;
	v8 =	vmov s7;
	v9 =	vbroadcast v11, $0x0  }
.Ltmp7:
0x243: {  	v11 =	vand.u32 $0x38, v8;
	v13 =	vshll.u32 v8, $0x6;
	(pc) =	sbr.rel @p0 .LBB2_8-.Ltmp7, $3  }
0x244: {  	v8 =	vand.u32 $0x7, v8;
	v9 =	vadd.s32 v11, v9;
	v6 =	vadd.s32 v13, v6  }
0x245: {  	v9 =	vor.u32 v8, v9;
	_ =	sdelay $0x1  }
0x246: {  	v8 =	vor.u32 v0, v6;
	v10 =	vmul.f32 v12, v10  }
0x247: {  	_ =	sdelay $0x3  }
0x248: {  	[tilespmem:v7+s19+$0x0] =	vst.idx.msk $0xffff, v10  }
0x249: {  	v7 =	vld.idx.msk [tilespmem:v9+s4+$0x0], $0xffff;
	_ =	sdelay $0x1  }
0x24a: {  	v60 =	vld.idx.msk [tilespmem:v8+s19+$0x0], $0xffff;
	_ =	sdelay $0x2  }
0x24b: {  	vm0 =	veq.s32 v7, $0x0;
	v7 =	vor.u32 v1, v6  }
0x24c: {  	v61 =	vsel vm0, $0x0, v4  }
0x24d: {  	v9 =	vmul.f32 v61, v60;
	_ =	sdelay $0x1  }
0x24e: {  	[tilespmem:v8+s19+$0x0] =	vst.idx.msk $0xffff, v9  }
0x24f: {  	v8 =	vld.idx.msk [tilespmem:v7+s19+$0x0], $0xffff;
	_ =	sdelay $0x2  }
0x250: {  	v62 =	vor.u32 v2, v6;
	_ =	sdelay $0x1  }
0x251: {  	v8 =	vmul.f32 v8, v61;
	_ =	sdelay $0x1  }
0x252: {  	[tilespmem:v7+s19+$0x0] =	vst.idx.msk $0xffff, v8  }
0x253: {  	v7 =	vld.idx.msk [tilespmem:v62+s19+$0x0], $0xffff;
	_ =	sdelay $0x2  }
0x254: {  	v5 =	vor.u32 v5, v6;
	_ =	sdelay $0x1  }
0x255: {  	v6 =	vmul.f32 v7, v61;
	_ =	sdelay $0x1  }
0x256: {  	[tilespmem:v62+s19+$0x0] =	vst.idx.msk $0xffff, v6  }
0x257: {  	v6 =	vld.idx.msk [tilespmem:v5+s19+$0x0], $0xffff;
	_ =	sdelay $0x2  }
.Ltmp8:
0x258: {  	_ = 	snop;
	(pc) =	sbr.rel .LBB2_10-.Ltmp8, $3  }
0x259: {  	_ = 	snop  }
0x25a: {  	v6 =	vmul.f32 v6, v61;
	_ =	sdelay $0x1  }
0x25b: {  	[tilespmem:v5+s19+$0x0] =	vst.idx.msk $0xffff, v6  }
.LBB2_12:
0x25c: {  	_ =	sfence.sel $0x180000  }
0x25d: {  	[bflag:$0x0] =	sbarrier.arrive $0xFFFF  }
0x25e: {  	_ =	strace $0x90000047  }
0x25f: {  	s0 =	stileid.u32;
	[bflag:$0x2] =	sbarrier.arrive $0xFFFF  }
0x260: {  	p0 =	sne.s32 s0, $0x0;
	s0 =	rddreg [dreg:$0x2]  }
0x261: {  	s0 =	sadd.s32 @!p0 $0x100000, s0  }
0x262: {  	[sflag:s0] =	ssyncadd.tile.s32 @!p0 $0x1;
	_ =	shalt  }
.Lfunc_end2:
_tile_overlayer_lowered:
.L_overlay_start_2:
0x263: {  	(tag) =	ssettag $0x2  }
0x264: {  	s0 =	rddreg [dreg:$0x0];
	s2 =	stileid.u32  }
0x265: {  	s1 =	rddreg [dreg:$0x1];
	p0 =	sne.s32 s2, $0x0  }
0x266: {  	s3 =	rddreg [dreg:$0x2];
	[bflag:$0x3] =	sbarrier.arrive $0xFFFF;
	s2 =	simm.s32 @!p0 $0x1C05  }
0x267: {  	[timem:s3], [sflag:s2] =	dma.local @!p0 [hbm:s0], s1  }
0x268: {  	s0 =	simm.s32 @!p0 $0x5  }
0x269: {  	_ =	swait.ge @!p0 [sflag:s0], s1  }
0x26a: {  	s1 =	ssub.s32 @!p0 $0x0, s1;
	[sflag:s0] =	ssyncset.done @!p0 $0x0  }
0x26b: {  	[sflag:s0] =	ssyncadd.s32 @!p0 s1  }
0x26c: {  	[bflag:$0x3] =	sbarrier.arrive $0xFFFF  }
0x26d: {  	_ =	shalt  }

// kernel: sparse-core-data-format-call.cloned.1.call-start
scs
called_computation_lowered:
.L_overlay_start_0:
0x0: {  	s2 =	sld [smem:$0x3FD9]  }
0x1: {  	s3 =	sld [smem:$0x3FFE];
	_ =	sdelay $0x1  }
0x2: {  	s1 =	srdreg.scid  }
0x3: {  	s0 =	sand.u32 $0x1, s1  }
0x4: {  	s18 =	sshll.u32 s0, $0xA;
	s2 =	sadd.s32 s3, s2  }
0x5: {  	s2 =	sadd.s32 s2, s18  }
0x6: {  	[smem:$0x3FC6] =	sst s2  }
0x7: {  	_ = 	snop  }
0x8: {  	s2 =	sld [smem:$0x3FD0];
	(tm) =	ssettm $0x1  }
0x9: {  	s19 =	sld [smem:$0x3FFB];
	_ =	sdelay $0x3  }
0xa: {  	_ =	strace s19  }
0xb: {  	s3 =	sld [smem:$0x3FFC];
	_ =	sdelay $0x3  }
0xc: {  	_ =	strace s3  }
0xd: {  	s3 =	sld [smem:$0x3FFD];
	_ =	sdelay $0x3  }
0xe: {  	_ =	strace s3  }
0xf: {  	_ =	strace $0x8FFFFFFF  }
0x10: {  	s20 =	sld [smem:$0x3FDB];
	_ =	sdelay $0x1  }
0x11: {  	s4 =	simm.s32 $_scs_section_size  }
0x12: {  	s5 =	simm.s32 $_size__tile_overlayer_lowered;
	s6 =	simm.s32 $_tile_overlayer_lowered  }
0x13: {  	s23 =	simm.s32 $0x1BFF;
	s22 =	sshll.u32 s6, $0x1;
	s3 =	sadd.s32 s4, s20  }
0x14: {  	s7 =	simm.s32 $0x0;
	s21 =	sshll.u32 s5, $0x1;
	s5 =	sadd.s32 s22, s3  }
0x15: {  	[timem:s7], [sflag:s23] =	dma.local [hbm:s5], s21  }
0x16: {  	_ =	swait.ge [sflag:s23], s21  }
0x17: {  	s4 =	ssub.s32 $0x0, s21;
	[sflag:s23] =	ssyncset.done $0x0  }
0x18: {  	[sflag:s23] =	ssyncadd.s32 s4;
	_ =	sdelay $0x1  }
0x19: {  	s24 =	simm.s32 $0x1B8B  }
0x1a: {  	_ =	swait.ge [sflag:s24], $0x1  }
0x1b: {  	[sflag:s24] =	ssyncset.done $0x0  }
0x1c: {  	s26 =	simm.s32 $0x1B8E;
	s25 =	sld [smem:$0x3FFE];
	[sflag:s24] =	ssyncadd.s32 $0xFFFFFFFF  }
0x1d: {  	s27 =	simm.s32 $execute0_lowered;
	[smem:$0x3FD2] =	sst s26  }
0x1e: {  	s5 =	sshll.u32 s27, $0x1;
	_ =	strace $0x80000049;
	[dreg:$0x1] =	wrdreg $0xFFFFFFFF  }
0x1f: {  	s28 =	simm.s32 $_size_execute0_lowered;
	s3 =	sadd.s32 s3, s5;
	[dreg:$0x0] =	wrdreg $0x0  }
0x20: {  	s5 =	sshll.u32 s28, $0x1;
	[dreg:$0x2] =	wrdreg s3  }
0x21: {  	[dreg:$0x3] =	wrdreg s5  }
0x22: {  	[dreg:$0x4] =	wrdreg $0xC0  }
0x23: {  	_ =	task [dreg:s7], $0x5FFFF  }
0x24: {  	[dreg:$0x1] =	wrdreg $0xFFFFFFFF  }
0x25: {  	[dreg:$0x0] =	wrdreg $0x60  }
0x26: {  	[dreg:$0x2] =	wrdreg s25  }
0x27: {  	[dreg:$0x3] =	wrdreg s2  }
0x28: {  	[dreg:$0x4] =	wrdreg $0x9  }
0x29: {  	_ =	task.clear_ibuf [dreg:s7], $0x5FFFF;
	_ =	strace $0x90000049  }
0x2a: {  	s29 =	simm.s32 $0x9;
	_ =	strace $0x8000004B  }
0x2b: {  	_ =	swait.ge [sflag:s29], $0x1  }
0x2c: {  	[sflag:s29] =	ssyncadd.s32 $0xFFFFFFFF  }
0x2d: {  	_ =	strace $0x9000004B  }
0x2e: {  	_ =	sfence  }
0x2f: {  	s30 =	sld [smem:$0x0];
	_ =	sdelay $0x2  }
0x30: {  	s31 =	sshll.u32 s1, $0xD;
	s1 =	sshrl.u32 s1, $0x2  }
0x31: {  	s3 =	sand.u32 $0x4000, s31;
	s1 =	sadd.s32 s1, s30  }
0x32: {  	s0 =	sor.u32 s3, s0;
	s1 =	sshll.u32 s1, $0x11  }
0x33: {  	s0 =	sor.u32 s1, s0  }
0x34: {  	s0 =	sadd.s32 $0x8F2B, s0  }
0x35: {  	[sflag:s0] =	ssyncadd.remote.s32 $0x1  }
0x36: {  	_ =	sfence.sel $0xFFFF  }
0x37: {  	[dreg:$0x0] =	wrdreg $0xFFFFFFFF;
	(pc) =	sbr.abs _section_cstart, $3  }
0x38: {  	[dreg:$0x1] =	wrdreg $0xFFFFFFFF  }
0x39: {  	_ =	task.clear_ibuf [dreg:s7], $0x2FFFF;
	_ =	strace $0x9FFFFFFF  }
0x3a: {  	(tm) =	ssettm $0x7FFFFFFF  }
0x3b: {  	_ =	shalt  }
tec
execute0_lowered:
.L_overlay_start_1:
0x0: {  	(tag) =	ssettag $0x1  }
0x1: {  	s0 =	srdreg.scid  }
0x2: {  	s1 =	sshll.u32 s0, $0x4  }
0x3: {  	s0 =	stileid.u32;
	s1 =	sand.u32 $0x10, s1  }
0x4: {  	s1 =	sor.u32 s0, s1  }
0x5: {  	s6 =	rddreg [dreg:$0x0];
	s4 =	simm.s32 $0x1;
	s2 =	sshll.u32 s1, $0x7  }
0x6: {  	s7 =	simm.s32 $0x2;
	s12 =	simm.s32 $0x0;
	s1 =	ssub.s32 $0x4000, s2  }
0x7: {  	s8 =	simm.s32 $0x20000;
	s13 =	simm.s32 $0x0;
	s3 =	sand.u32 $0xF80, s1  }
0x8: {  	s9 =	simm.s32 $0x0;
	s5 =	sshrl.u32 s1, $0xC;
	p0 =	sne.s32 s3, $0x0  }
.Ltmp0:
0x9: {  	s1 =	rddreg [dreg:$0x2];
	s4 =	simm.s32 @!p0 $0x0;
	(pc) =	sbr.rel .LBB1_1-.Ltmp0, $4  }
0xa: {  	s11 =	simm.s32 $0x0;
	s3 =	rddreg [dreg:$0x1];
	s5 =	sadd.s32 s4, s5  }
0xb: {  	_ =	strace $0x8000004A;
	s4 =	simm.s32 $0x1;
	s5 =	smul.u32 $0x32, s5  }
0xc: {  	s6 =	sadd.s32 $0xA00, s6;
	s10 =	smov.u32 s2;
	[sflag:s4] =	ssyncpa.u1 $0x0  }
0xd: {  	p0 =	por $0x0, $0x0;
	[sflag:s7] =	ssyncpa.u1 $0x0;
	s7 =	sor.u32 $0x1, s5  }
.LBB1_4:
0xe: {  	s16 =	sshll.u32 s13, $0x3;
	s17 =	sand.u32 $0x78, s13  }
0xf: {  	s30 =	sand.u32 $0x1F800, s13;
	s12 =	sshll.u32 s12, $0x11;
	s16 =	sand.u32 $0x3C00, s16  }
0x10: {  	[tilespmem:s15+$0x810 ss:$0x81] =	vst.msk $0xffff, v2;
	s31 =	sand.u32 $0x7, s13;
	s16 =	sor.u32 s17, s16;
	s17 =	sadd.s32 s3, s30  }
0x11: {  	[tilespmem:s15+$0x1020 ss:$0x81] =	vst.msk $0xffff, v0;
	s13 =	sshll.u32 s31, $0x12;
	s12 =	sadd.s32 s12, s17;
	s16 =	sshrl.u32 s16, $0x3  }
0x12: {  	[tilespmem:s15+$0x0 ss:$0x81] =	vst.msk $0xffff, v1;
	s13 =	sor.u32 $0x400, s13;
	s12 =	sadd.s32 s16, s12  }
0x13: {  	[hbm4b:s12+s13] =	stream.strided.scatter [tilespmem:s14], [sflag:$0x2], $0x2000, s8, s13, $0x20;
	[tilespmem:$0x8080] =	vst v63  }
.LBB1_5:
0x14: {  	s14 =	sadd.s32 $0x1, s9  }
0x15: {  	s12 =	sadd.s32 $0x1000, s10;
	s16 =	smov.u32 s10;
	p2 =	sgt.s32 s14, $0x31  }
0x16: {  	s16 =	smov.u32 @p2 s12  }
0x17: {  	s14 =	simm.s32 @p2 $0x0;
	p2 =	sgt.s32 s16, $0x3FFF  }
0x18: {  	s16 =	smov.u32 @p2 s2;
	p2 =	sne.s32 s11, s7  }
.Ltmp1:
0x19: {  	p1 =	slt.u32 s11, $0x2;
	(pc) =	sbr.rel @!p2 .LBB1_6-.Ltmp1, $4  }
0x1a: {  	s15 =	simm.s32 @!p1 $0x2  }
0x1b: {  	s13 =	smov.u32 s10;
	p0 =	por !p0, !p0;
	_ =	swait.ge @!p1 [sflag:s15], $0x2000  }
0x1c: {  	s12 =	smov.u32 s9;
	[sflag:s15] =	ssyncset.done @!p1 $0x0;
	s9 =	smov.u32 s14  }
0x1d: {  	s11 =	sadd.s32 $0x1, s11;
	[sflag:s15] =	ssyncadd.s32 @!p1 $0xFFFFE000;
	s10 =	smov.u32 s16  }
.LBB1_1:
0x1e: {  	p1 =	sge.u32 s11, s5  }
0x1f: {  	s14 =	sand.u32 @!p1 $0x1FFFFFF, s9  }
0x20: {  	s15 =	smulhi.u32 @!p1 $0x4924925, s14;
	_ =	sdelay $0x1  }
0x21: {  	s15 =	smul.u32 @!p1 $0x38, s15  }
0x22: {  	s16 =	sxor.u32 @!p1 $0xFFFFFFFF, s11;
	s17 =	smul.u32 @!p1 $0x380, s10  }
0x23: {  	s31 =	sadd.s32 $0xFFFFFFFF, s11;
	s16 =	sshll.u32 @!p1 s16, $0xD;
	s14 =	ssub.s32 @!p1 s14, s15  }
0x24: {  	s15 =	sand.u32 @!p1 $0x2000, s16;
	s16 =	sadd.s32 @!p1 s6, s17;
	s14 =	sshll.u32 @!p1 s14, $0x4  }
0x25: {  	s17 =	simm.s32 @!p1 $0x1C00;
	s14 =	sadd.s32 @!p1 s14, s16;
	s16 =	simm.s32 @!p1 $0x40  }
0x26: {  	[tilespmem:s15], [sflag:$0x1] =	stream.strided.gather @!p1 [hbm4b:s14+s16], $0x2000, s17, s16, $0x38;
	[tilespmem:$0x8080] =	vst v63  }
0x27: {  	p1 =	sge.u32 s31, s5  }
.Ltmp2:
0x28: {  	_ = 	snop;
	(pc) =	sbr.rel @p1 .LBB1_5-.Ltmp2, $1  }
0x29: {  	_ =	sdelay $0x3  }
0x2a: {  	s14 =	simm.s32 $0x1  }
0x2b: {  	_ =	swait.ge [sflag:s4], $0x2000;
	s14 =	simm.s32 @!p0 $0x0  }
0x2c: {  	[sflag:s4] =	ssyncset.done $0x0;
	s15 =	sshll.u32 s14, $0xD  }
0x2d: {  	[sflag:s4] =	ssyncadd.s32 $0xFFFFE000;
	s18 =	sor.u32 $0x20, s15  }
0x2e: {  	s14 =	smul.u32 $0x8100, s14;
	v3 =	vld [tilespmem:s18+$0x10]  }
0x2f: {  	s30 =	sand.u32 $0x1, s11;
	v2 =	vld [tilespmem:s18+$0xFFFFFFF0]  }
0x30: {  	s15 =	smul.u32 $0x8100, s30;
	s14 =	sshrl.u32 s14, $0x2;
	v0 =	vld [tilespmem:s18+$0x0]  }
0x31: {  	v1 =	vld [tilespmem:s18+$0xFFFFFFE0];
	s16 =	sor.u32 $0x4000, s14  }
0x32: {  	s31 =	sshrl.u32 s15, $0x2;
	s15 =	sadd.s32 $0x0, s16  }
0x33: {  	s17 =	simm.s32 $0x4;
	s18 =	sadd.s32 $0x40, s18;
	s14 =	sor.u32 $0x4000, s31;
	[tilespmem:s15+$0x1830 ss:$0x81] =	vst.msk $0xffff, v3  }
.LBB1_3:
0x34: {  	v3 =	vld [tilespmem:s18+$0x10];
	p1 =	sne.s32 s17, $0x1FC;
	[tilespmem:s15+$0x810 ss:$0x81] =	vst.msk $0xffff, v2;
	s19 =	smov.u32 s17;
	s17 =	sadd.s32 $0x4, s17  }
.Ltmp3:
0x35: {  	v2 =	vld [tilespmem:s18+$0xFFFFFFF0];
	[tilespmem:s15+$0x1020 ss:$0x81] =	vst.msk $0xffff, v0;
	(pc) =	sbr.rel @p1 .LBB1_3-.Ltmp3, $4  }
0x36: {  	v0 =	vld [tilespmem:s18+$0x0];
	[tilespmem:s15+$0x0 ss:$0x81] =	vst.msk $0xffff, v1  }
0x37: {  	s15 =	sshra.s32 s19, $0x2;
	v1 =	vld [tilespmem:s18+$0xFFFFFFE0]  }
0x38: {  	s15 =	sadd.s32 s15, s16  }
0x39: {  	s18 =	sadd.s32 $0x40, s18;
	[tilespmem:s15+$0x1830 ss:$0x81] =	vst.msk $0xffff, v3  }
.Ltmp4:
0x3a: {  	_ = 	snop;
	(pc) =	sbr.rel .LBB1_4-.Ltmp4, $1  }
0x3b: {  	_ =	sdelay $0x3  }
.LBB1_6:
0x3c: {  	_ =	sfence.sel $0x180000  }
0x3d: {  	s2 =	simm.s32 $0x1;
	[bflag:$0x0] =	sbarrier.arrive $0xFFFF  }
0x3e: {  	s31 =	simm.s32 $0x2;
	[sflag:s2] =	ssyncpa.u1 $0x1  }
0x3f: {  	[sflag:s31] =	ssyncpa.u1 $0x1  }
0x40: {  	p0 =	sne.s32 s0, $0x0;
	_ =	strace $0x9000004A  }
0x41: {  	s0 =	sadd.s32 @!p0 $0x100000, s1;
	[bflag:$0x2] =	sbarrier.arrive $0xFFFF  }
0x42: {  	[sflag:s0] =	ssyncadd.tile.s32 @!p0 $0x1;
	_ =	shalt  }
.Lfunc_end1:
_tile_overlayer_lowered:
.L_overlay_start_2:
0x43: {  	(tag) =	ssettag $0x2  }
0x44: {  	s0 =	rddreg [dreg:$0x0];
	s2 =	stileid.u32  }
0x45: {  	s1 =	rddreg [dreg:$0x1];
	p0 =	sne.s32 s2, $0x0  }
0x46: {  	s3 =	rddreg [dreg:$0x2];
	[bflag:$0x3] =	sbarrier.arrive $0xFFFF;
	s2 =	simm.s32 @!p0 $0x1C01  }
0x47: {  	[timem:s3], [sflag:s2] =	dma.local @!p0 [hbm:s0], s1  }
0x48: {  	s0 =	simm.s32 @!p0 $0x1  }
0x49: {  	_ =	swait.ge @!p0 [sflag:s0], s1  }
0x4a: {  	s1 =	ssub.s32 @!p0 $0x0, s1;
	[sflag:s0] =	ssyncset.done @!p0 $0x0  }
0x4b: {  	[sflag:s0] =	ssyncadd.s32 @!p0 s1  }
0x4c: {  	[bflag:$0x3] =	sbarrier.arrive $0xFFFF  }
0x4d: {  	_ =	shalt  }

</sc_bundles>
